<compile_context>
chip_gen: v7x
topology: tpu7x:2x2x1
jax: 0.10.2.dev20260603
libtpu: 0.0.44.dev20260713+nightly
codegen_flags: <defaults>
</compile_context>

<pallas_src>
import functools

import jax
import jax.numpy as jnp
from jax import lax
from jax.experimental import pallas as pl
from jax.experimental.pallas import tpu as pltpu
from jax.experimental.pallas import tpu_sc as plsc

PRIOR_COEF = 0.9
NC, NS = 2, 16
NW = NC * NS
CH = 128

_SC_MESH = plsc.VectorSubcoreMesh(
    core_axis_name="c", subcore_axis_name="s", num_cores=NC, num_subcores=NS)


def _ceil_to(v, m):
    return -(-v // m) * m


def _make_sc_deg(K0, K1, deg_rows, rpt):
    Kmax = max(K0, K1)

    @functools.partial(
        pl.kernel,
        out_type=jax.ShapeDtypeStruct((NC * deg_rows,), jnp.float32),
        mesh=_SC_MESH,
        scratch_types=[
            pltpu.VMEM_SHARED((deg_rows,), jnp.float32),
            pltpu.VMEM((Kmax, CH), jnp.int32),
            pltpu.VMEM((CH,), jnp.float32),
        ],
    )
    def sc_deg(dst_hbm, zeros_hbm, deg_out, deg_sh, idx_v, ones_v):
        c = lax.axis_index("c")
        s = lax.axis_index("s")
        pltpu.sync_copy(zeros_hbm, deg_sh.at[pl.ds(s * rpt, rpt)])
        for i in range(CH // 16):
            ones_v[pl.ds(i * 16, 16)] = jnp.full((16,), 1.0, jnp.float32)
        pltpu.sync_copy(dst_hbm.at[c, s], idx_v)
        plsc.subcore_barrier()

        def chunk(j, carry):
            pltpu.sync_copy(ones_v, deg_sh.at[idx_v.at[j]], add=True)
            return carry

        lax.fori_loop(0, jnp.where(c == 0, K0, K1), chunk, 0)
        plsc.subcore_barrier()
        pltpu.sync_copy(deg_sh.at[pl.ds(s * rpt, rpt)],
                        deg_out.at[pl.ds(c * deg_rows + s * rpt, rpt)])

    return sc_deg


def _make_sc_agg(K0, K1, agg_rows, rpt, dh):
    Kmax = max(K0, K1)

    @functools.partial(
        pl.kernel,
        out_type=jax.ShapeDtypeStruct((NC, agg_rows, dh), jnp.float32),
        mesh=_SC_MESH,
        scratch_types=[
            pltpu.VMEM_SHARED((agg_rows, dh), jnp.float32),
            pltpu.VMEM((Kmax, CH), jnp.int32),
            pltpu.VMEM((Kmax, CH), jnp.int32),
            pltpu.VMEM((CH, dh), jnp.float32),
            pltpu.SemaphoreType.DMA,
        ],
    )
    def sc_agg(h_hbm, src_hbm, dst_hbm, zeros_hbm, agg_out,
               agg_sh, src_v, dst_v, rows_v, sem):
        c = lax.axis_index("c")
        s = lax.axis_index("s")
        pltpu.sync_copy(zeros_hbm, agg_sh.at[pl.ds(s * rpt, rpt)])
        pltpu.sync_copy(src_hbm.at[c, s], src_v)
        pltpu.sync_copy(dst_hbm.at[c, s], dst_v)
        plsc.subcore_barrier()

        def chunk(j, carry):
            pltpu.async_copy(h_hbm.at[src_v.at[j]], rows_v, sem).wait()
            pltpu.sync_copy(rows_v, agg_sh.at[dst_v.at[j]], add=True)
            return carry

        lax.fori_loop(0, jnp.where(c == 0, K0, K1), chunk, 0)
        plsc.subcore_barrier()
        pltpu.sync_copy(agg_sh.at[pl.ds(s * rpt, rpt)],
                        agg_out.at[c, pl.ds(s * rpt, rpt)])

    return sc_agg


def _tc_layer_body(h_ref, aggp_ref, degp_ref, ws_ref, wn_ref, b_ref, wg_ref,
                   pr_ref, w1_ref, b1_ref, w2_ref, b2_ref, wo_ref, bo_ref,
                   out_ref, *, ne, final):
    h = h_ref[...]
    dp = degp_ref[...]
    deg = jnp.maximum(dp[0] + dp[1], 1.0)
    logdeg = jnp.log(1.0 + deg)
    ap = aggp_ref[...]
    agg = (ap[0] + ap[1]) / deg
    z = h @ ws_ref[...] + agg @ wn_ref[...] + b_ref[...]
    z = jnp.maximum(z, 0.0)
    logits = z @ wg_ref[...] + (PRIOR_COEF * logdeg) * pr_ref[...]
    gmax = jnp.max(logits, axis=-1, keepdims=True)
    gate_val = 1.0 / jnp.sum(jnp.exp(logits - gmax), axis=-1, keepdims=True)
    iota = lax.broadcasted_iota(jnp.int32, logits.shape, 1)
    cand = jnp.where(logits == gmax, iota, jnp.int32(127))
    amin = jnp.min(cand, axis=-1, keepdims=True)
    acc = jnp.zeros_like(h)
    for e in range(ne):
        eh = jnp.maximum(z @ w1_ref[e] + b1_ref[e], 0.0)
        eo = eh @ w2_ref[e] + b2_ref[e]
        sel = (amin == jnp.int32(e)).astype(jnp.float32)
        acc = acc + sel * eo
    hn = h + gate_val * acc
    if final:
        out_ref[...] = hn @ wo_ref[...] + bo_ref[...]
    else:
        out_ref[...] = hn


def _make_tc_layer(n, dh, ne, nep, agg_rows, deg_rows, out_dim, final):
    R = 1000
    grid = (n // R,)

    def cmap0(i):
        return (0, 0)

    def cmap3(i):
        return (0, 0, 0)

    in_specs = [
        pl.BlockSpec((R, dh), lambda i: (i, 0)),
        pl.BlockSpec((NC, R, dh), lambda i: (0, i, 0)),
        pl.BlockSpec((NC, R, 1), lambda i: (0, i, 0)),
        pl.BlockSpec((dh, dh), cmap0),
        pl.BlockSpec((dh, dh), cmap0),
        pl.BlockSpec((1, dh), cmap0),
        pl.BlockSpec((dh, nep), cmap0),
        pl.BlockSpec((1, nep), cmap0),
        pl.BlockSpec((ne, dh, dh), cmap3),
        pl.BlockSpec((ne, 1, dh), cmap3),
        pl.BlockSpec((ne, dh, dh), cmap3),
        pl.BlockSpec((ne, 1, dh), cmap3),
        pl.BlockSpec((dh, out_dim), cmap0),
        pl.BlockSpec((1, out_dim), cmap0),
    ]
    return pl.pallas_call(
        functools.partial(_tc_layer_body, ne=ne, final=final),
        grid=grid,
        in_specs=in_specs,
        out_specs=pl.BlockSpec((R, out_dim if final else dh), lambda i: (i, 0)),
        out_shape=jax.ShapeDtypeStruct((n, out_dim if final else dh),
                                       jnp.float32),
    )


def kernel(x, edge_index, W_self, W_nbr, b, Wg, prior, W1, b1, W2, b2,
           W_out, b_out):
    n, dh = x.shape
    e = edge_index.shape[1]
    nl = W_self.shape[0]
    ne = W1.shape[1]
    out_dim = W_out.shape[1]

    rpt_a = _ceil_to(-(-(n + 1) // NS), 8)
    agg_rows = rpt_a * NS
    rpt_d = _ceil_to(-(-(n + 1) // NS), 128)
    deg_rows = rpt_d * NS

    F0 = 0.60
    K0 = max(1, round(F0 * e / (NS * CH)))
    cap0 = NS * K0 * CH
    rem = e - cap0
    K1 = -(-rem // (NS * CH))
    cap1 = NS * K1 * CH
    Kmax = max(K0, K1)

    src = edge_index[0].astype(jnp.int32)
    dst = edge_index[1].astype(jnp.int32)
    pad_src = jnp.zeros((cap1 - rem,), jnp.int32)
    pad_dst = n + (jnp.arange(cap1 - rem, dtype=jnp.int32) % (agg_rows - n))
    src0 = src[:cap0].reshape(NS, K0, CH)
    dst0 = dst[:cap0].reshape(NS, K0, CH)
    src1 = jnp.concatenate([src[cap0:], pad_src]).reshape(NS, K1, CH)
    dst1 = jnp.concatenate([dst[cap0:], pad_dst]).reshape(NS, K1, CH)
    def _pad_chunks(a, k, fillval):
        if k == Kmax:
            return a
        return jnp.concatenate(
            [a, jnp.full((NS, Kmax - k, CH), fillval, jnp.int32)], axis=1)

    src_p = jnp.stack([_pad_chunks(src0, K0, 0), _pad_chunks(src1, K1, 0)])
    dst_p = jnp.stack([_pad_chunks(dst0, K0, n), _pad_chunks(dst1, K1, n)])
    zeros1d = jnp.zeros((rpt_d,), jnp.float32)
    zeros2d = jnp.zeros((rpt_a, dh), jnp.float32)

    deg_flat = _make_sc_deg(K0, K1, deg_rows, rpt_d)(dst_p, zeros1d)
    degp3 = deg_flat.reshape(NC, deg_rows, 1)

    nep = 8
    b2d = b.reshape(nl, 1, dh)
    b1r = b1.reshape(nl, ne, 1, dh)
    b2r = b2.reshape(nl, ne, 1, dh)
    bo2d = b_out.reshape(1, out_dim)

    sc_agg = _make_sc_agg(K0, K1, agg_rows, rpt_a, dh)
    h = x
    for l in range(nl):
        aggp = sc_agg(h, src_p, dst_p, zeros2d)
        wg_l = jnp.zeros((dh, nep), jnp.float32).at[:, :ne].set(Wg[l])
        pr_l = jnp.full((1, nep), -1e9, jnp.float32).at[0, :ne].set(prior[l])
        final = (l == nl - 1)
        tc = _make_tc_layer(n, dh, ne, nep, agg_rows, deg_rows, out_dim, final)
        h = tc(h, aggp, degp3, W_self[l], W_nbr[l], b2d[l], wg_l, pr_l,
               W1[l], b1r[l], W2[l], b2r[l], W_out, bo2d)
    return h

# --- scband reference (transcript-rebuilt; emitter-appended) ---
"""Pipeline reference for scband-graph-moe-v15-case-bucket-67783173865955 (READ-ONLY COPY).

The authoritative reference and input builder live on the scoring server;
editing this copy changes nothing except your own understanding.
"""

import jax, jax.numpy as jnp
import numpy as np

N = 10000
EDGES = 320000
D = 128
H = 128
O = 128
L = 3
NE = 6
PRIOR = 0.9


def setup_inputs(seed: int = 0):
    key = jax.random.key(seed)
    ks = jax.random.split(key, 14)
    s = 0.05
    return {
        'x': jax.random.normal(ks[0], (N, D), jnp.float32),
        'edge_index': jax.random.randint(ks[1], (2, EDGES), 0, N),
        'W_self': jax.random.normal(ks[2], (L, D, H), jnp.float32) * s,
        'W_nbr': jax.random.normal(ks[3], (L, D, H), jnp.float32) * s,
        'b': jax.random.normal(ks[4], (L, H), jnp.float32) * s,
        'Wg': jax.random.normal(ks[5], (L, H, NE), jnp.float32) * s,
        'prior': jax.random.normal(ks[6], (L, NE), jnp.float32) * s,
        'W1': jax.random.normal(ks[7], (L, NE, H, H), jnp.float32) * s,
        'b1': jax.random.normal(ks[8], (L, NE, H), jnp.float32) * s,
        'W2': jax.random.normal(ks[9], (L, NE, H, H), jnp.float32) * s,
        'b2': jax.random.normal(ks[10], (L, NE, H), jnp.float32) * s,
        'W_out': jax.random.normal(ks[11], (H, O), jnp.float32) * s,
        'b_out': jax.random.normal(ks[12], (O,), jnp.float32) * s,
    }


def reference(x, edge_index, W_self, W_nbr, b, Wg, prior, W1, b1, W2, b2, W_out, b_out):
    src = edge_index[0]
    dst = edge_index[1]
    n = x.shape[0]
    deg = jax.ops.segment_sum(jnp.ones((src.shape[0],), jnp.float32), dst, num_segments=n)
    deg = jnp.maximum(deg, 1.0)
    logdeg = jnp.log1p(deg)
    h = x
    for l in range(L):
        msg = h[src]
        agg = jax.ops.segment_sum(msg, dst, num_segments=n) / deg[:, None]
        z = jax.nn.relu(h @ W_self[l] + agg @ W_nbr[l] + b[l])
        logits = z @ Wg[l] + PRIOR * logdeg[:, None] * prior[l][None, :]
        gates = jax.nn.softmax(logits, axis=-1)
        idx = jnp.argmax(gates, axis=-1)
        mask = jax.nn.one_hot(idx, NE, dtype=z.dtype)
        gate_val = jnp.sum(gates * mask, axis=-1, keepdims=True)
        eh = jax.nn.relu(jnp.einsum('nd,edh->neh', z, W1[l]) + b1[l][None, :, :])
        eo = jnp.einsum('neh,eho->neo', eh, W2[l]) + b2[l][None, :, :]
        y = jnp.einsum('neo,ne->no', eo, mask) * gate_val
        h = h + y
    return h @ W_out + b_out

if __name__ == "__main__":
    import jax
    _d = setup_inputs()
    print(jax.jit(kernel)(*tuple(_d.values())))

</pallas_src>

<mosaic_0001>
#map = affine_map<(d0, d1) -> (0, 0)>
#map1 = affine_map<(d0, d1) -> (0, 0, 0, 0)>
#map2 = affine_map<(d0, d1) -> (0, 0, 0)>
module attributes {stable_mosaic.version = 14 : i64} {
  func.func @sc_agg(%arg0: i32, %arg1: i32, %arg2: memref<10000x128xf32, #tpu.memory_space<hbm>>, %arg3: memref<2x16x94x128xi32, #tpu.memory_space<hbm>>, %arg4: memref<2x16x94x128xi32, #tpu.memory_space<hbm>>, %arg5: memref<632x128xf32, #tpu.memory_space<hbm>>, %arg6: memref<2x10112x128xf32, #tpu.memory_space<hbm>>, %arg7: memref<10112x128xf32, #tpu.memory_space<vmem_shared>>, %arg8: memref<94x128xi32, #tpu.memory_space<vmem>>, %arg9: memref<94x128xi32, #tpu.memory_space<vmem>>, %arg10: memref<128x128xf32, #tpu.memory_space<vmem>>, %arg11: memref<!tpu.dma_semaphore, #tpu.memory_space<semaphore_mem>>) attributes {dimension_semantics = [#tpu.dimension_semantics<core_parallel>, #tpu.dimension_semantics<subcore_parallel>], iteration_bounds = array<i64: 2, 16>, scalar_prefetch = 0 : i64, scratch_operands = 5 : i64, tpu.core_type = #tpu.core_type<sc_vector_subcore>, window_params = [{transform_indices = #map}, {transform_indices = #map1}, {transform_indices = #map1}, {transform_indices = #map}, {transform_indices = #map2}]} {
    %mul3A = arith.constant 632 : i32
    %mul3A_0 = arith.muli %arg1, %mul3A : i32
    "tpu.region"() ({
      %run_scoped3A = tpu.sem_alloc : memref<!tpu.dma_semaphore, #tpu.memory_space<semaphore_mem>>
      %dma_start3A = arith.constant 0 : i32
      %dma_start3A_17 = tpu.memref_slice %arg7[%mul3A_0, %dma_start3A] : memref<10112x128xf32, #tpu.memory_space<vmem_shared>> -> memref<632x128xf32, #tpu.memory_space<vmem_shared>>
      tpu.enqueue_dma source(%arg5 : memref<632x128xf32, #tpu.memory_space<hbm>>) target(%dma_start3A_17 : memref<632x128xf32, #tpu.memory_space<vmem_shared>>) target_semaphore(%run_scoped3A : memref<!tpu.dma_semaphore, #tpu.memory_space<semaphore_mem>>)
      %dma_wait3A = arith.constant 0 : i32
      %dma_wait3A_18 = tpu.memref_slice %arg7[%mul3A_0, %dma_wait3A] : memref<10112x128xf32, #tpu.memory_space<vmem_shared>> -> memref<632x128xf32, #tpu.memory_space<vmem_shared>>
      tpu.wait_dma2 semaphore(%run_scoped3A : memref<!tpu.dma_semaphore, #tpu.memory_space<semaphore_mem>>) src(%arg5 : memref<632x128xf32, #tpu.memory_space<hbm>>) dst(%dma_wait3A_18 : memref<632x128xf32, #tpu.memory_space<vmem_shared>>)
      tpu.yield
    }) : () -> ()
    "tpu.region"() ({
      %run_scoped3A = tpu.sem_alloc : memref<!tpu.dma_semaphore, #tpu.memory_space<semaphore_mem>>
      %dma_start3A = arith.constant 0 : i32
      %dma_start3A_17 = arith.constant 0 : i32
      %dma_start3A_18 = tpu.memref_slice %arg3[%arg0, %arg1, %dma_start3A, %dma_start3A_17] : memref<2x16x94x128xi32, #tpu.memory_space<hbm>> -> memref<1x1x94x128xi32, #tpu.memory_space<hbm>>
      %dma_start3A_19 = tpu.memref_squeeze %dma_start3A_18 : memref<1x1x94x128xi32, #tpu.memory_space<hbm>> -> memref<94x128xi32, #tpu.memory_space<hbm>>
      %dma_start3A_20 = arith.constant 0 : i32
      %dma_start3A_21 = arith.constant 0 : i32
      %dma_start3A_22 = tpu.memref_slice %arg3[%arg0, %arg1, %dma_start3A_20, %dma_start3A_21] : memref<2x16x94x128xi32, #tpu.memory_space<hbm>> -> memref<1x1x94x128xi32, #tpu.memory_space<hbm>>
      %dma_start3A_23 = tpu.memref_squeeze %dma_start3A_22 : memref<1x1x94x128xi32, #tpu.memory_space<hbm>> -> memref<94x128xi32, #tpu.memory_space<hbm>>
      tpu.enqueue_dma source(%dma_start3A_23 : memref<94x128xi32, #tpu.memory_space<hbm>>) target(%arg8 : memref<94x128xi32, #tpu.memory_space<vmem>>) target_semaphore(%run_scoped3A : memref<!tpu.dma_semaphore, #tpu.memory_space<semaphore_mem>>)
      %dma_wait3A = arith.constant 0 : i32
      %dma_wait3A_24 = arith.constant 0 : i32
      %dma_wait3A_25 = tpu.memref_slice %arg3[%arg0, %arg1, %dma_wait3A, %dma_wait3A_24] : memref<2x16x94x128xi32, #tpu.memory_space<hbm>> -> memref<1x1x94x128xi32, #tpu.memory_space<hbm>>
      %dma_wait3A_26 = tpu.memref_squeeze %dma_wait3A_25 : memref<1x1x94x128xi32, #tpu.memory_space<hbm>> -> memref<94x128xi32, #tpu.memory_space<hbm>>
      %dma_wait3A_27 = arith.constant 0 : i32
      %dma_wait3A_28 = arith.constant 0 : i32
      %dma_wait3A_29 = tpu.memref_slice %arg3[%arg0, %arg1, %dma_wait3A_27, %dma_wait3A_28] : memref<2x16x94x128xi32, #tpu.memory_space<hbm>> -> memref<1x1x94x128xi32, #tpu.memory_space<hbm>>
      %dma_wait3A_30 = tpu.memref_squeeze %dma_wait3A_29 : memref<1x1x94x128xi32, #tpu.memory_space<hbm>> -> memref<94x128xi32, #tpu.memory_space<hbm>>
      tpu.wait_dma2 semaphore(%run_scoped3A : memref<!tpu.dma_semaphore, #tpu.memory_space<semaphore_mem>>) src(%dma_wait3A_30 : memref<94x128xi32, #tpu.memory_space<hbm>>) dst(%arg8 : memref<94x128xi32, #tpu.memory_space<vmem>>)
      tpu.yield
    }) : () -> ()
    "tpu.region"() ({
      %run_scoped3A = tpu.sem_alloc : memref<!tpu.dma_semaphore, #tpu.memory_space<semaphore_mem>>
      %dma_start3A = arith.constant 0 : i32
      %dma_start3A_17 = arith.constant 0 : i32
      %dma_start3A_18 = tpu.memref_slice %arg4[%arg0, %arg1, %dma_start3A, %dma_start3A_17] : memref<2x16x94x128xi32, #tpu.memory_space<hbm>> -> memref<1x1x94x128xi32, #tpu.memory_space<hbm>>
      %dma_start3A_19 = tpu.memref_squeeze %dma_start3A_18 : memref<1x1x94x128xi32, #tpu.memory_space<hbm>> -> memref<94x128xi32, #tpu.memory_space<hbm>>
      %dma_start3A_20 = arith.constant 0 : i32
      %dma_start3A_21 = arith.constant 0 : i32
      %dma_start3A_22 = tpu.memref_slice %arg4[%arg0, %arg1, %dma_start3A_20, %dma_start3A_21] : memref<2x16x94x128xi32, #tpu.memory_space<hbm>> -> memref<1x1x94x128xi32, #tpu.memory_space<hbm>>
      %dma_start3A_23 = tpu.memref_squeeze %dma_start3A_22 : memref<1x1x94x128xi32, #tpu.memory_space<hbm>> -> memref<94x128xi32, #tpu.memory_space<hbm>>
      tpu.enqueue_dma source(%dma_start3A_23 : memref<94x128xi32, #tpu.memory_space<hbm>>) target(%arg9 : memref<94x128xi32, #tpu.memory_space<vmem>>) target_semaphore(%run_scoped3A : memref<!tpu.dma_semaphore, #tpu.memory_space<semaphore_mem>>)
      %dma_wait3A = arith.constant 0 : i32
      %dma_wait3A_24 = arith.constant 0 : i32
      %dma_wait3A_25 = tpu.memref_slice %arg4[%arg0, %arg1, %dma_wait3A, %dma_wait3A_24] : memref<2x16x94x128xi32, #tpu.memory_space<hbm>> -> memref<1x1x94x128xi32, #tpu.memory_space<hbm>>
      %dma_wait3A_26 = tpu.memref_squeeze %dma_wait3A_25 : memref<1x1x94x128xi32, #tpu.memory_space<hbm>> -> memref<94x128xi32, #tpu.memory_space<hbm>>
      %dma_wait3A_27 = arith.constant 0 : i32
      %dma_wait3A_28 = arith.constant 0 : i32
      %dma_wait3A_29 = tpu.memref_slice %arg4[%arg0, %arg1, %dma_wait3A_27, %dma_wait3A_28] : memref<2x16x94x128xi32, #tpu.memory_space<hbm>> -> memref<1x1x94x128xi32, #tpu.memory_space<hbm>>
      %dma_wait3A_30 = tpu.memref_squeeze %dma_wait3A_29 : memref<1x1x94x128xi32, #tpu.memory_space<hbm>> -> memref<94x128xi32, #tpu.memory_space<hbm>>
      tpu.wait_dma2 semaphore(%run_scoped3A : memref<!tpu.dma_semaphore, #tpu.memory_space<semaphore_mem>>) src(%dma_wait3A_30 : memref<94x128xi32, #tpu.memory_space<hbm>>) dst(%arg9 : memref<94x128xi32, #tpu.memory_space<vmem>>)
      tpu.yield
    }) : () -> ()
    %barrier3A = arith.constant 0 : index
    tpu.barrier barrier_id(%barrier3A)
    %eq3A = arith.constant 0 : i32
    %eq3A_1 = arith.cmpi eq, %arg0, %eq3A : i32
    %jit3A = arith.constant 94 : i32
    %jit3A_2 = arith.constant 63 : i32
    %select_n3A = arith.select %eq3A_1, %jit3A, %jit3A_2 : i32
    %while3A = arith.constant 0 : i32
    %while3A_3 = arith.constant 0 : i32
    %while3A_4 = arith.subi %select_n3A, %while3A_3 : i32
    %while3A_5 = arith.addi %while3A_3, %while3A_4 : i32
    %while3A_6 = arith.constant 1 : i32
    %while3A_7 = arith.divsi %while3A_4, %while3A_6 : i32
    %while3A_8 = arith.muli %while3A_7, %while3A_6 : i32
    %while3A_9 = arith.addi %while3A_3, %while3A_8 : i32
    %while3A_10 = arith.constant 1 : i32
    scf.for %while3A_17 = %while3A_3 to %while3A_9 step %while3A_10  : i32 {
      %dma_start3A = arith.constant 0 : i32
      %dma_start3A_18 = tpu.memref_slice %arg8[%while3A_17, %dma_start3A] : memref<94x128xi32, #tpu.memory_space<vmem>> -> memref<1x128xi32, #tpu.memory_space<vmem>>
      %dma_start3A_19 = tpu.memref_squeeze %dma_start3A_18 : memref<1x128xi32, #tpu.memory_space<vmem>> -> memref<128xi32, #tpu.memory_space<vmem>>
      %dma_start3A_20 = arith.constant 0 : i32
      %dma_start3A_21 = arith.constant 0 : i32
      %dma_start3A_22 = tpu.memref_slice %arg2[%dma_start3A_20, %dma_start3A_21] : memref<10000x128xf32, #tpu.memory_space<hbm>> -> memref<10000x128xf32, #tpu.memory_space<hbm>>
      tpu.enqueue_indirect_dma source(%dma_start3A_22 : memref<10000x128xf32, #tpu.memory_space<hbm>>) target(%arg10 : memref<128x128xf32, #tpu.memory_space<vmem>>) offsets(%dma_start3A_19 : memref<128xi32, #tpu.memory_space<vmem>>) semaphore(%arg11 : memref<!tpu.dma_semaphore, #tpu.memory_space<semaphore_mem>>)
      %dma_wait3A = arith.constant 0 : i32
      %dma_wait3A_23 = tpu.memref_slice %arg8[%while3A_17, %dma_wait3A] : memref<94x128xi32, #tpu.memory_space<vmem>> -> memref<1x128xi32, #tpu.memory_space<vmem>>
      %dma_wait3A_24 = tpu.memref_squeeze %dma_wait3A_23 : memref<1x128xi32, #tpu.memory_space<vmem>> -> memref<128xi32, #tpu.memory_space<vmem>>
      %dma_wait3A_25 = arith.constant 0 : i32
      %dma_wait3A_26 = arith.constant 0 : i32
      %dma_wait3A_27 = tpu.memref_slice %arg2[%dma_wait3A_25, %dma_wait3A_26] : memref<10000x128xf32, #tpu.memory_space<hbm>> -> memref<10000x128xf32, #tpu.memory_space<hbm>>
      tpu.wait_indirect_dma semaphore(%arg11 : memref<!tpu.dma_semaphore, #tpu.memory_space<semaphore_mem>>) src(%dma_wait3A_27 : memref<10000x128xf32, #tpu.memory_space<hbm>>) dst(%arg10 : memref<128x128xf32, #tpu.memory_space<vmem>>)
      "tpu.region"() ({
        %run_scoped3A = tpu.sem_alloc : memref<!tpu.dma_semaphore, #tpu.memory_space<semaphore_mem>>
        %dma_start3A_28 = arith.constant 0 : i32
        %dma_start3A_29 = tpu.memref_slice %arg9[%while3A_17, %dma_start3A_28] : memref<94x128xi32, #tpu.memory_space<vmem>> -> memref<1x128xi32, #tpu.memory_space<vmem>>
        %dma_start3A_30 = tpu.memref_squeeze %dma_start3A_29 : memref<1x128xi32, #tpu.memory_space<vmem>> -> memref<128xi32, #tpu.memory_space<vmem>>
        %dma_start3A_31 = arith.constant 0 : i32
        %dma_start3A_32 = arith.constant 0 : i32
        %dma_start3A_33 = tpu.memref_slice %arg7[%dma_start3A_31, %dma_start3A_32] : memref<10112x128xf32, #tpu.memory_space<vmem_shared>> -> memref<10112x128xf32, #tpu.memory_space<vmem_shared>>
        tpu.enqueue_indirect_dma source(%arg10 : memref<128x128xf32, #tpu.memory_space<vmem>>) target(%dma_start3A_33 : memref<10112x128xf32, #tpu.memory_space<vmem_shared>>) offsets(%dma_start3A_30 : memref<128xi32, #tpu.memory_space<vmem>>) semaphore(%run_scoped3A : memref<!tpu.dma_semaphore, #tpu.memory_space<semaphore_mem>>) {add = true}
        %dma_wait3A_34 = arith.constant 0 : i32
        %dma_wait3A_35 = tpu.memref_slice %arg9[%while3A_17, %dma_wait3A_34] : memref<94x128xi32, #tpu.memory_space<vmem>> -> memref<1x128xi32, #tpu.memory_space<vmem>>
        %dma_wait3A_36 = tpu.memref_squeeze %dma_wait3A_35 : memref<1x128xi32, #tpu.memory_space<vmem>> -> memref<128xi32, #tpu.memory_space<vmem>>
        %dma_wait3A_37 = arith.constant 0 : i32
        %dma_wait3A_38 = arith.constant 0 : i32
        %dma_wait3A_39 = tpu.memref_slice %arg7[%dma_wait3A_37, %dma_wait3A_38] : memref<10112x128xf32, #tpu.memory_space<vmem_shared>> -> memref<10112x128xf32, #tpu.memory_space<vmem_shared>>
        tpu.wait_indirect_dma semaphore(%run_scoped3A : memref<!tpu.dma_semaphore, #tpu.memory_space<semaphore_mem>>) src(%arg10 : memref<128x128xf32, #tpu.memory_space<vmem>>) dst(%dma_wait3A_39 : memref<10112x128xf32, #tpu.memory_space<vmem_shared>>)
        tpu.yield
      }) : () -> ()
    }
    %while3A_11 = arith.constant 1 : i32
    scf.for %while3A_17 = %while3A_9 to %while3A_5 step %while3A_11  : i32 {
      %dma_start3A = arith.constant 0 : i32
      %dma_start3A_18 = tpu.memref_slice %arg8[%while3A_17, %dma_start3A] : memref<94x128xi32, #tpu.memory_space<vmem>> -> memref<1x128xi32, #tpu.memory_space<vmem>>
      %dma_start3A_19 = tpu.memref_squeeze %dma_start3A_18 : memref<1x128xi32, #tpu.memory_space<vmem>> -> memref<128xi32, #tpu.memory_space<vmem>>
      %dma_start3A_20 = arith.constant 0 : i32
      %dma_start3A_21 = arith.constant 0 : i32
      %dma_start3A_22 = tpu.memref_slice %arg2[%dma_start3A_20, %dma_start3A_21] : memref<10000x128xf32, #tpu.memory_space<hbm>> -> memref<10000x128xf32, #tpu.memory_space<hbm>>
      tpu.enqueue_indirect_dma source(%dma_start3A_22 : memref<10000x128xf32, #tpu.memory_space<hbm>>) target(%arg10 : memref<128x128xf32, #tpu.memory_space<vmem>>) offsets(%dma_start3A_19 : memref<128xi32, #tpu.memory_space<vmem>>) semaphore(%arg11 : memref<!tpu.dma_semaphore, #tpu.memory_space<semaphore_mem>>)
      %dma_wait3A = arith.constant 0 : i32
      %dma_wait3A_23 = tpu.memref_slice %arg8[%while3A_17, %dma_wait3A] : memref<94x128xi32, #tpu.memory_space<vmem>> -> memref<1x128xi32, #tpu.memory_space<vmem>>
      %dma_wait3A_24 = tpu.memref_squeeze %dma_wait3A_23 : memref<1x128xi32, #tpu.memory_space<vmem>> -> memref<128xi32, #tpu.memory_space<vmem>>
      %dma_wait3A_25 = arith.constant 0 : i32
      %dma_wait3A_26 = arith.constant 0 : i32
      %dma_wait3A_27 = tpu.memref_slice %arg2[%dma_wait3A_25, %dma_wait3A_26] : memref<10000x128xf32, #tpu.memory_space<hbm>> -> memref<10000x128xf32, #tpu.memory_space<hbm>>
      tpu.wait_indirect_dma semaphore(%arg11 : memref<!tpu.dma_semaphore, #tpu.memory_space<semaphore_mem>>) src(%dma_wait3A_27 : memref<10000x128xf32, #tpu.memory_space<hbm>>) dst(%arg10 : memref<128x128xf32, #tpu.memory_space<vmem>>)
      "tpu.region"() ({
        %run_scoped3A = tpu.sem_alloc : memref<!tpu.dma_semaphore, #tpu.memory_space<semaphore_mem>>
        %dma_start3A_28 = arith.constant 0 : i32
        %dma_start3A_29 = tpu.memref_slice %arg9[%while3A_17, %dma_start3A_28] : memref<94x128xi32, #tpu.memory_space<vmem>> -> memref<1x128xi32, #tpu.memory_space<vmem>>
        %dma_start3A_30 = tpu.memref_squeeze %dma_start3A_29 : memref<1x128xi32, #tpu.memory_space<vmem>> -> memref<128xi32, #tpu.memory_space<vmem>>
        %dma_start3A_31 = arith.constant 0 : i32
        %dma_start3A_32 = arith.constant 0 : i32
        %dma_start3A_33 = tpu.memref_slice %arg7[%dma_start3A_31, %dma_start3A_32] : memref<10112x128xf32, #tpu.memory_space<vmem_shared>> -> memref<10112x128xf32, #tpu.memory_space<vmem_shared>>
        tpu.enqueue_indirect_dma source(%arg10 : memref<128x128xf32, #tpu.memory_space<vmem>>) target(%dma_start3A_33 : memref<10112x128xf32, #tpu.memory_space<vmem_shared>>) offsets(%dma_start3A_30 : memref<128xi32, #tpu.memory_space<vmem>>) semaphore(%run_scoped3A : memref<!tpu.dma_semaphore, #tpu.memory_space<semaphore_mem>>) {add = true}
        %dma_wait3A_34 = arith.constant 0 : i32
        %dma_wait3A_35 = tpu.memref_slice %arg9[%while3A_17, %dma_wait3A_34] : memref<94x128xi32, #tpu.memory_space<vmem>> -> memref<1x128xi32, #tpu.memory_space<vmem>>
        %dma_wait3A_36 = tpu.memref_squeeze %dma_wait3A_35 : memref<1x128xi32, #tpu.memory_space<vmem>> -> memref<128xi32, #tpu.memory_space<vmem>>
        %dma_wait3A_37 = arith.constant 0 : i32
        %dma_wait3A_38 = arith.constant 0 : i32
        %dma_wait3A_39 = tpu.memref_slice %arg7[%dma_wait3A_37, %dma_wait3A_38] : memref<10112x128xf32, #tpu.memory_space<vmem_shared>> -> memref<10112x128xf32, #tpu.memory_space<vmem_shared>>
        tpu.wait_indirect_dma semaphore(%run_scoped3A : memref<!tpu.dma_semaphore, #tpu.memory_space<semaphore_mem>>) src(%arg10 : memref<128x128xf32, #tpu.memory_space<vmem>>) dst(%dma_wait3A_39 : memref<10112x128xf32, #tpu.memory_space<vmem_shared>>)
        tpu.yield
      }) : () -> ()
    }
    %barrier3A_12 = arith.constant 0 : index
    tpu.barrier barrier_id(%barrier3A_12)
    %mul3A_13 = arith.constant 632 : i32
    %mul3A_14 = arith.muli %arg1, %mul3A_13 : i32
    %mul3A_15 = arith.constant 632 : i32
    %mul3A_16 = arith.muli %arg1, %mul3A_15 : i32
    "tpu.region"() ({
      %run_scoped3A = tpu.sem_alloc : memref<!tpu.dma_semaphore, #tpu.memory_space<semaphore_mem>>
      %dma_start3A = arith.constant 0 : i32
      %dma_start3A_17 = tpu.memref_slice %arg6[%arg0, %mul3A_16, %dma_start3A] : memref<2x10112x128xf32, #tpu.memory_space<hbm>> -> memref<1x632x128xf32, #tpu.memory_space<hbm>>
      %dma_start3A_18 = tpu.memref_squeeze %dma_start3A_17 : memref<1x632x128xf32, #tpu.memory_space<hbm>> -> memref<632x128xf32, #tpu.memory_space<hbm>>
      %dma_start3A_19 = arith.constant 0 : i32
      %dma_start3A_20 = tpu.memref_slice %arg7[%mul3A_14, %dma_start3A_19] : memref<10112x128xf32, #tpu.memory_space<vmem_shared>> -> memref<632x128xf32, #tpu.memory_space<vmem_shared>>
      tpu.enqueue_dma source(%dma_start3A_20 : memref<632x128xf32, #tpu.memory_space<vmem_shared>>) target(%dma_start3A_18 : memref<632x128xf32, #tpu.memory_space<hbm>>) target_semaphore(%run_scoped3A : memref<!tpu.dma_semaphore, #tpu.memory_space<semaphore_mem>>)
      %dma_wait3A = arith.constant 0 : i32
      %dma_wait3A_21 = tpu.memref_slice %arg6[%arg0, %mul3A_16, %dma_wait3A] : memref<2x10112x128xf32, #tpu.memory_space<hbm>> -> memref<1x632x128xf32, #tpu.memory_space<hbm>>
      %dma_wait3A_22 = tpu.memref_squeeze %dma_wait3A_21 : memref<1x632x128xf32, #tpu.memory_space<hbm>> -> memref<632x128xf32, #tpu.memory_space<hbm>>
      %dma_wait3A_23 = arith.constant 0 : i32
      %dma_wait3A_24 = tpu.memref_slice %arg7[%mul3A_14, %dma_wait3A_23] : memref<10112x128xf32, #tpu.memory_space<vmem_shared>> -> memref<632x128xf32, #tpu.memory_space<vmem_shared>>
      tpu.wait_dma2 semaphore(%run_scoped3A : memref<!tpu.dma_semaphore, #tpu.memory_space<semaphore_mem>>) src(%dma_wait3A_24 : memref<632x128xf32, #tpu.memory_space<vmem_shared>>) dst(%dma_wait3A_22 : memref<632x128xf32, #tpu.memory_space<hbm>>)
      tpu.yield
    }) : () -> ()
    return
  }
}

#map = affine_map<(d0, d1) -> (0, 0)>
#map1 = affine_map<(d0, d1) -> (0, 0, 0, 0)>
#map2 = affine_map<(d0, d1) -> (0, 0, 0)>
module attributes {stable_mosaic.version = 14 : i64} {
  func.func @sc_agg(%arg0: i32, %arg1: i32, %arg2: memref<10000x128xf32, #tpu.memory_space<hbm>>, %arg3: memref<2x16x94x128xi32, #tpu.memory_space<hbm>>, %arg4: memref<2x16x94x128xi32, #tpu.memory_space<hbm>>, %arg5: memref<632x128xf32, #tpu.memory_space<hbm>>, %arg6: memref<2x10112x128xf32, #tpu.memory_space<hbm>>, %arg7: memref<10112x128xf32, #tpu.memory_space<vmem_shared>>, %arg8: memref<94x128xi32, #tpu.memory_space<vmem>>, %arg9: memref<94x128xi32, #tpu.memory_space<vmem>>, %arg10: memref<128x128xf32, #tpu.memory_space<vmem>>, %arg11: memref<!tpu.dma_semaphore, #tpu.memory_space<semaphore_mem>>) attributes {dimension_semantics = [#tpu.dimension_semantics<core_parallel>, #tpu.dimension_semantics<subcore_parallel>], iteration_bounds = array<i64: 2, 16>, scalar_prefetch = 0 : i64, scratch_operands = 5 : i64, tpu.core_type = #tpu.core_type<sc_vector_subcore>, window_params = [{transform_indices = #map}, {transform_indices = #map1}, {transform_indices = #map1}, {transform_indices = #map}, {transform_indices = #map2}]} {
    %mul3A = arith.constant 632 : i32
    %mul3A_0 = arith.muli %arg1, %mul3A : i32
    "tpu.region"() ({
      %run_scoped3A = tpu.sem_alloc : memref<!tpu.dma_semaphore, #tpu.memory_space<semaphore_mem>>
      %dma_start3A = arith.constant 0 : i32
      %dma_start3A_17 = tpu.memref_slice %arg7[%mul3A_0, %dma_start3A] : memref<10112x128xf32, #tpu.memory_space<vmem_shared>> -> memref<632x128xf32, #tpu.memory_space<vmem_shared>>
      tpu.enqueue_dma source(%arg5 : memref<632x128xf32, #tpu.memory_space<hbm>>) target(%dma_start3A_17 : memref<632x128xf32, #tpu.memory_space<vmem_shared>>) target_semaphore(%run_scoped3A : memref<!tpu.dma_semaphore, #tpu.memory_space<semaphore_mem>>)
      %dma_wait3A = arith.constant 0 : i32
      %dma_wait3A_18 = tpu.memref_slice %arg7[%mul3A_0, %dma_wait3A] : memref<10112x128xf32, #tpu.memory_space<vmem_shared>> -> memref<632x128xf32, #tpu.memory_space<vmem_shared>>
      tpu.wait_dma2 semaphore(%run_scoped3A : memref<!tpu.dma_semaphore, #tpu.memory_space<semaphore_mem>>) src(%arg5 : memref<632x128xf32, #tpu.memory_space<hbm>>) dst(%dma_wait3A_18 : memref<632x128xf32, #tpu.memory_space<vmem_shared>>)
      tpu.yield
    }) : () -> ()
    "tpu.region"() ({
      %run_scoped3A = tpu.sem_alloc : memref<!tpu.dma_semaphore, #tpu.memory_space<semaphore_mem>>
      %dma_start3A = arith.constant 0 : i32
      %dma_start3A_17 = arith.constant 0 : i32
      %dma_start3A_18 = tpu.memref_slice %arg3[%arg0, %arg1, %dma_start3A, %dma_start3A_17] : memref<2x16x94x128xi32, #tpu.memory_space<hbm>> -> memref<1x1x94x128xi32, #tpu.memory_space<hbm>>
      %dma_start3A_19 = tpu.memref_squeeze %dma_start3A_18 : memref<1x1x94x128xi32, #tpu.memory_space<hbm>> -> memref<94x128xi32, #tpu.memory_space<hbm>>
      %dma_start3A_20 = arith.constant 0 : i32
      %dma_start3A_21 = arith.constant 0 : i32
      %dma_start3A_22 = tpu.memref_slice %arg3[%arg0, %arg1, %dma_start3A_20, %dma_start3A_21] : memref<2x16x94x128xi32, #tpu.memory_space<hbm>> -> memref<1x1x94x128xi32, #tpu.memory_space<hbm>>
      %dma_start3A_23 = tpu.memref_squeeze %dma_start3A_22 : memref<1x1x94x128xi32, #tpu.memory_space<hbm>> -> memref<94x128xi32, #tpu.memory_space<hbm>>
      tpu.enqueue_dma source(%dma_start3A_23 : memref<94x128xi32, #tpu.memory_space<hbm>>) target(%arg8 : memref<94x128xi32, #tpu.memory_space<vmem>>) target_semaphore(%run_scoped3A : memref<!tpu.dma_semaphore, #tpu.memory_space<semaphore_mem>>)
      %dma_wait3A = arith.constant 0 : i32
      %dma_wait3A_24 = arith.constant 0 : i32
      %dma_wait3A_25 = tpu.memref_slice %arg3[%arg0, %arg1, %dma_wait3A, %dma_wait3A_24] : memref<2x16x94x128xi32, #tpu.memory_space<hbm>> -> memref<1x1x94x128xi32, #tpu.memory_space<hbm>>
      %dma_wait3A_26 = tpu.memref_squeeze %dma_wait3A_25 : memref<1x1x94x128xi32, #tpu.memory_space<hbm>> -> memref<94x128xi32, #tpu.memory_space<hbm>>
      %dma_wait3A_27 = arith.constant 0 : i32
      %dma_wait3A_28 = arith.constant 0 : i32
      %dma_wait3A_29 = tpu.memref_slice %arg3[%arg0, %arg1, %dma_wait3A_27, %dma_wait3A_28] : memref<2x16x94x128xi32, #tpu.memory_space<hbm>> -> memref<1x1x94x128xi32, #tpu.memory_space<hbm>>
      %dma_wait3A_30 = tpu.memref_squeeze %dma_wait3A_29 : memref<1x1x94x128xi32, #tpu.memory_space<hbm>> -> memref<94x128xi32, #tpu.memory_space<hbm>>
      tpu.wait_dma2 semaphore(%run_scoped3A : memref<!tpu.dma_semaphore, #tpu.memory_space<semaphore_mem>>) src(%dma_wait3A_30 : memref<94x128xi32, #tpu.memory_space<hbm>>) dst(%arg8 : memref<94x128xi32, #tpu.memory_space<vmem>>)
      tpu.yield
    }) : () -> ()
    "tpu.region"() ({
      %run_scoped3A = tpu.sem_alloc : memref<!tpu.dma_semaphore, #tpu.memory_space<semaphore_mem>>
      %dma_start3A = arith.constant 0 : i32
      %dma_start3A_17 = arith.constant 0 : i32
      %dma_start3A_18 = tpu.memref_slice %arg4[%arg0, %arg1, %dma_start3A, %dma_start3A_17] : memref<2x16x94x128xi32, #tpu.memory_space<hbm>> -> memref<1x1x94x128xi32, #tpu.memory_space<hbm>>
      %dma_start3A_19 = tpu.memref_squeeze %dma_start3A_18 : memref<1x1x94x128xi32, #tpu.memory_space<hbm>> -> memref<94x128xi32, #tpu.memory_space<hbm>>
      %dma_start3A_20 = arith.constant 0 : i32
      %dma_start3A_21 = arith.constant 0 : i32
      %dma_start3A_22 = tpu.memref_slice %arg4[%arg0, %arg1, %dma_start3A_20, %dma_start3A_21] : memref<2x16x94x128xi32, #tpu.memory_space<hbm>> -> memref<1x1x94x128xi32, #tpu.memory_space<hbm>>
      %dma_start3A_23 = tpu.memref_squeeze %dma_start3A_22 : memref<1x1x94x128xi32, #tpu.memory_space<hbm>> -> memref<94x128xi32, #tpu.memory_space<hbm>>
      tpu.enqueue_dma source(%dma_start3A_23 : memref<94x128xi32, #tpu.memory_space<hbm>>) target(%arg9 : memref<94x128xi32, #tpu.memory_space<vmem>>) target_semaphore(%run_scoped3A : memref<!tpu.dma_semaphore, #tpu.memory_space<semaphore_mem>>)
      %dma_wait3A = arith.constant 0 : i32
      %dma_wait3A_24 = arith.constant 0 : i32
      %dma_wait3A_25 = tpu.memref_slice %arg4[%arg0, %arg1, %dma_wait3A, %dma_wait3A_24] : memref<2x16x94x128xi32, #tpu.memory_space<hbm>> -> memref<1x1x94x128xi32, #tpu.memory_space<hbm>>
      %dma_wait3A_26 = tpu.memref_squeeze %dma_wait3A_25 : memref<1x1x94x128xi32, #tpu.memory_space<hbm>> -> memref<94x128xi32, #tpu.memory_space<hbm>>
      %dma_wait3A_27 = arith.constant 0 : i32
      %dma_wait3A_28 = arith.constant 0 : i32
      %dma_wait3A_29 = tpu.memref_slice %arg4[%arg0, %arg1, %dma_wait3A_27, %dma_wait3A_28] : memref<2x16x94x128xi32, #tpu.memory_space<hbm>> -> memref<1x1x94x128xi32, #tpu.memory_space<hbm>>
      %dma_wait3A_30 = tpu.memref_squeeze %dma_wait3A_29 : memref<1x1x94x128xi32, #tpu.memory_space<hbm>> -> memref<94x128xi32, #tpu.memory_space<hbm>>
      tpu.wait_dma2 semaphore(%run_scoped3A : memref<!tpu.dma_semaphore, #tpu.memory_space<semaphore_mem>>) src(%dma_wait3A_30 : memref<94x128xi32, #tpu.memory_space<hbm>>) dst(%arg9 : memref<94x128xi32, #tpu.memory_space<vmem>>)
      tpu.yield
    }) : () -> ()
    %barrier3A = arith.constant 0 : index
    tpu.barrier barrier_id(%barrier3A)
    %eq3A = arith.constant 0 : i32
    %eq3A_1 = arith.cmpi eq, %arg0, %eq3A : i32
    %jit3A = arith.constant 94 : i32
    %jit3A_2 = arith.constant 63 : i32
    %select_n3A = arith.select %eq3A_1, %jit3A, %jit3A_2 : i32
    %while3A = arith.constant 0 : i32
    %while3A_3 = arith.constant 0 : i32
    %while3A_4 = arith.subi %select_n3A, %while3A_3 : i32
    %while3A_5 = arith.addi %while3A_3, %while3A_4 : i32
    %while3A_6 = arith.constant 1 : i32
    %while3A_7 = arith.divsi %while3A_4, %while3A_6 : i32
    %while3A_8 = arith.muli %while3A_7, %while3A_6 : i32
    %while3A_9 = arith.addi %while3A_3, %while3A_8 : i32
    %while3A_10 = arith.constant 1 : i32
    scf.for %while3A_17 = %while3A_3 to %while3A_9 step %while3A_10  : i32 {
      %dma_start3A = arith.constant 0 : i32
      %dma_start3A_18 = tpu.memref_slice %arg8[%while3A_17, %dma_start3A] : memref<94x128xi32, #tpu.memory_space<vmem>> -> memref<1x128xi32, #tpu.memory_space<vmem>>
      %dma_start3A_19 = tpu.memref_squeeze %dma_start3A_18 : memref<1x128xi32, #tpu.memory_space<vmem>> -> memref<128xi32, #tpu.memory_space<vmem>>
      %dma_start3A_20 = arith.constant 0 : i32
      %dma_start3A_21 = arith.constant 0 : i32
      %dma_start3A_22 = tpu.memref_slice %arg2[%dma_start3A_20, %dma_start3A_21] : memref<10000x128xf32, #tpu.memory_space<hbm>> -> memref<10000x128xf32, #tpu.memory_space<hbm>>
      tpu.enqueue_indirect_dma source(%dma_start3A_22 : memref<10000x128xf32, #tpu.memory_space<hbm>>) target(%arg10 : memref<128x128xf32, #tpu.memory_space<vmem>>) offsets(%dma_start3A_19 : memref<128xi32, #tpu.memory_space<vmem>>) semaphore(%arg11 : memref<!tpu.dma_semaphore, #tpu.memory_space<semaphore_mem>>)
      %dma_wait3A = arith.constant 0 : i32
      %dma_wait3A_23 = tpu.memref_slice %arg8[%while3A_17, %dma_wait3A] : memref<94x128xi32, #tpu.memory_space<vmem>> -> memref<1x128xi32, #tpu.memory_space<vmem>>
      %dma_wait3A_24 = tpu.memref_squeeze %dma_wait3A_23 : memref<1x128xi32, #tpu.memory_space<vmem>> -> memref<128xi32, #tpu.memory_space<vmem>>
      %dma_wait3A_25 = arith.constant 0 : i32
      %dma_wait3A_26 = arith.constant 0 : i32
      %dma_wait3A_27 = tpu.memref_slice %arg2[%dma_wait3A_25, %dma_wait3A_26] : memref<10000x128xf32, #tpu.memory_space<hbm>> -> memref<10000x128xf32, #tpu.memory_space<hbm>>
      tpu.wait_indirect_dma semaphore(%arg11 : memref<!tpu.dma_semaphore, #tpu.memory_space<semaphore_mem>>) src(%dma_wait3A_27 : memref<10000x128xf32, #tpu.memory_space<hbm>>) dst(%arg10 : memref<128x128xf32, #tpu.memory_space<vmem>>)
      "tpu.region"() ({
        %run_scoped3A = tpu.sem_alloc : memref<!tpu.dma_semaphore, #tpu.memory_space<semaphore_mem>>
        %dma_start3A_28 = arith.constant 0 : i32
        %dma_start3A_29 = tpu.memref_slice %arg9[%while3A_17, %dma_start3A_28] : memref<94x128xi32, #tpu.memory_space<vmem>> -> memref<1x128xi32, #tpu.memory_space<vmem>>
        %dma_start3A_30 = tpu.memref_squeeze %dma_start3A_29 : memref<1x128xi32, #tpu.memory_space<vmem>> -> memref<128xi32, #tpu.memory_space<vmem>>
        %dma_start3A_31 = arith.constant 0 : i32
        %dma_start3A_32 = arith.constant 0 : i32
        %dma_start3A_33 = tpu.memref_slice %arg7[%dma_start3A_31, %dma_start3A_32] : memref<10112x128xf32, #tpu.memory_space<vmem_shared>> -> memref<10112x128xf32, #tpu.memory_space<vmem_shared>>
        tpu.enqueue_indirect_dma source(%arg10 : memref<128x128xf32, #tpu.memory_space<vmem>>) target(%dma_start3A_33 : memref<10112x128xf32, #tpu.memory_space<vmem_shared>>) offsets(%dma_start3A_30 : memref<128xi32, #tpu.memory_space<vmem>>) semaphore(%run_scoped3A : memref<!tpu.dma_semaphore, #tpu.memory_space<semaphore_mem>>) {add = true}
        %dma_wait3A_34 = arith.constant 0 : i32
        %dma_wait3A_35 = tpu.memref_slice %arg9[%while3A_17, %dma_wait3A_34] : memref<94x128xi32, #tpu.memory_space<vmem>> -> memref<1x128xi32, #tpu.memory_space<vmem>>
        %dma_wait3A_36 = tpu.memref_squeeze %dma_wait3A_35 : memref<1x128xi32, #tpu.memory_space<vmem>> -> memref<128xi32, #tpu.memory_space<vmem>>
        %dma_wait3A_37 = arith.constant 0 : i32
        %dma_wait3A_38 = arith.constant 0 : i32
        %dma_wait3A_39 = tpu.memref_slice %arg7[%dma_wait3A_37, %dma_wait3A_38] : memref<10112x128xf32, #tpu.memory_space<vmem_shared>> -> memref<10112x128xf32, #tpu.memory_space<vmem_shared>>
        tpu.wait_indirect_dma semaphore(%run_scoped3A : memref<!tpu.dma_semaphore, #tpu.memory_space<semaphore_mem>>) src(%arg10 : memref<128x128xf32, #tpu.memory_space<vmem>>) dst(%dma_wait3A_39 : memref<10112x128xf32, #tpu.memory_space<vmem_shared>>)
        tpu.yield
      }) : () -> ()
    }
    %while3A_11 = arith.constant 1 : i32
    scf.for %while3A_17 = %while3A_9 to %while3A_5 step %while3A_11  : i32 {
      %dma_start3A = arith.constant 0 : i32
      %dma_start3A_18 = tpu.memref_slice %arg8[%while3A_17, %dma_start3A] : memref<94x128xi32, #tpu.memory_space<vmem>> -> memref<1x128xi32, #tpu.memory_space<vmem>>
      %dma_start3A_19 = tpu.memref_squeeze %dma_start3A_18 : memref<1x128xi32, #tpu.memory_space<vmem>> -> memref<128xi32, #tpu.memory_space<vmem>>
      %dma_start3A_20 = arith.constant 0 : i32
      %dma_start3A_21 = arith.constant 0 : i32
      %dma_start3A_22 = tpu.memref_slice %arg2[%dma_start3A_20, %dma_start3A_21] : memref<10000x128xf32, #tpu.memory_space<hbm>> -> memref<10000x128xf32, #tpu.memory_space<hbm>>
      tpu.enqueue_indirect_dma source(%dma_start3A_22 : memref<10000x128xf32, #tpu.memory_space<hbm>>) target(%arg10 : memref<128x128xf32, #tpu.memory_space<vmem>>) offsets(%dma_start3A_19 : memref<128xi32, #tpu.memory_space<vmem>>) semaphore(%arg11 : memref<!tpu.dma_semaphore, #tpu.memory_space<semaphore_mem>>)
      %dma_wait3A = arith.constant 0 : i32
      %dma_wait3A_23 = tpu.memref_slice %arg8[%while3A_17, %dma_wait3A] : memref<94x128xi32, #tpu.memory_space<vmem>> -> memref<1x128xi32, #tpu.memory_space<vmem>>
      %dma_wait3A_24 = tpu.memref_squeeze %dma_wait3A_23 : memref<1x128xi32, #tpu.memory_space<vmem>> -> memref<128xi32, #tpu.memory_space<vmem>>
      %dma_wait3A_25 = arith.constant 0 : i32
      %dma_wait3A_26 = arith.constant 0 : i32
      %dma_wait3A_27 = tpu.memref_slice %arg2[%dma_wait3A_25, %dma_wait3A_26] : memref<10000x128xf32, #tpu.memory_space<hbm>> -> memref<10000x128xf32, #tpu.memory_space<hbm>>
      tpu.wait_indirect_dma semaphore(%arg11 : memref<!tpu.dma_semaphore, #tpu.memory_space<semaphore_mem>>) src(%dma_wait3A_27 : memref<10000x128xf32, #tpu.memory_space<hbm>>) dst(%arg10 : memref<128x128xf32, #tpu.memory_space<vmem>>)
      "tpu.region"() ({
        %run_scoped3A = tpu.sem_alloc : memref<!tpu.dma_semaphore, #tpu.memory_space<semaphore_mem>>
        %dma_start3A_28 = arith.constant 0 : i32
        %dma_start3A_29 = tpu.memref_slice %arg9[%while3A_17, %dma_start3A_28] : memref<94x128xi32, #tpu.memory_space<vmem>> -> memref<1x128xi32, #tpu.memory_space<vmem>>
        %dma_start3A_30 = tpu.memref_squeeze %dma_start3A_29 : memref<1x128xi32, #tpu.memory_space<vmem>> -> memref<128xi32, #tpu.memory_space<vmem>>
        %dma_start3A_31 = arith.constant 0 : i32
        %dma_start3A_32 = arith.constant 0 : i32
        %dma_start3A_33 = tpu.memref_slice %arg7[%dma_start3A_31, %dma_start3A_32] : memref<10112x128xf32, #tpu.memory_space<vmem_shared>> -> memref<10112x128xf32, #tpu.memory_space<vmem_shared>>
        tpu.enqueue_indirect_dma source(%arg10 : memref<128x128xf32, #tpu.memory_space<vmem>>) target(%dma_start3A_33 : memref<10112x128xf32, #tpu.memory_space<vmem_shared>>) offsets(%dma_start3A_30 : memref<128xi32, #tpu.memory_space<vmem>>) semaphore(%run_scoped3A : memref<!tpu.dma_semaphore, #tpu.memory_space<semaphore_mem>>) {add = true}
        %dma_wait3A_34 = arith.constant 0 : i32
        %dma_wait3A_35 = tpu.memref_slice %arg9[%while3A_17, %dma_wait3A_34] : memref<94x128xi32, #tpu.memory_space<vmem>> -> memref<1x128xi32, #tpu.memory_space<vmem>>
        %dma_wait3A_36 = tpu.memref_squeeze %dma_wait3A_35 : memref<1x128xi32, #tpu.memory_space<vmem>> -> memref<128xi32, #tpu.memory_space<vmem>>
        %dma_wait3A_37 = arith.constant 0 : i32
        %dma_wait3A_38 = arith.constant 0 : i32
        %dma_wait3A_39 = tpu.memref_slice %arg7[%dma_wait3A_37, %dma_wait3A_38] : memref<10112x128xf32, #tpu.memory_space<vmem_shared>> -> memref<10112x128xf32, #tpu.memory_space<vmem_shared>>
        tpu.wait_indirect_dma semaphore(%run_scoped3A : memref<!tpu.dma_semaphore, #tpu.memory_space<semaphore_mem>>) src(%arg10 : memref<128x128xf32, #tpu.memory_space<vmem>>) dst(%dma_wait3A_39 : memref<10112x128xf32, #tpu.memory_space<vmem_shared>>)
        tpu.yield
      }) : () -> ()
    }
    %barrier3A_12 = arith.constant 0 : index
    tpu.barrier barrier_id(%barrier3A_12)
    %mul3A_13 = arith.constant 632 : i32
    %mul3A_14 = arith.muli %arg1, %mul3A_13 : i32
    %mul3A_15 = arith.constant 632 : i32
    %mul3A_16 = arith.muli %arg1, %mul3A_15 : i32
    "tpu.region"() ({
      %run_scoped3A = tpu.sem_alloc : memref<!tpu.dma_semaphore, #tpu.memory_space<semaphore_mem>>
      %dma_start3A = arith.constant 0 : i32
      %dma_start3A_17 = tpu.memref_slice %arg6[%arg0, %mul3A_16, %dma_start3A] : memref<2x10112x128xf32, #tpu.memory_space<hbm>> -> memref<1x632x128xf32, #tpu.memory_space<hbm>>
      %dma_start3A_18 = tpu.memref_squeeze %dma_start3A_17 : memref<1x632x128xf32, #tpu.memory_space<hbm>> -> memref<632x128xf32, #tpu.memory_space<hbm>>
      %dma_start3A_19 = arith.constant 0 : i32
      %dma_start3A_20 = tpu.memref_slice %arg7[%mul3A_14, %dma_start3A_19] : memref<10112x128xf32, #tpu.memory_space<vmem_shared>> -> memref<632x128xf32, #tpu.memory_space<vmem_shared>>
      tpu.enqueue_dma source(%dma_start3A_20 : memref<632x128xf32, #tpu.memory_space<vmem_shared>>) target(%dma_start3A_18 : memref<632x128xf32, #tpu.memory_space<hbm>>) target_semaphore(%run_scoped3A : memref<!tpu.dma_semaphore, #tpu.memory_space<semaphore_mem>>)
      %dma_wait3A = arith.constant 0 : i32
      %dma_wait3A_21 = tpu.memref_slice %arg6[%arg0, %mul3A_16, %dma_wait3A] : memref<2x10112x128xf32, #tpu.memory_space<hbm>> -> memref<1x632x128xf32, #tpu.memory_space<hbm>>
      %dma_wait3A_22 = tpu.memref_squeeze %dma_wait3A_21 : memref<1x632x128xf32, #tpu.memory_space<hbm>> -> memref<632x128xf32, #tpu.memory_space<hbm>>
      %dma_wait3A_23 = arith.constant 0 : i32
      %dma_wait3A_24 = tpu.memref_slice %arg7[%mul3A_14, %dma_wait3A_23] : memref<10112x128xf32, #tpu.memory_space<vmem_shared>> -> memref<632x128xf32, #tpu.memory_space<vmem_shared>>
      tpu.wait_dma2 semaphore(%run_scoped3A : memref<!tpu.dma_semaphore, #tpu.memory_space<semaphore_mem>>) src(%dma_wait3A_24 : memref<632x128xf32, #tpu.memory_space<vmem_shared>>) dst(%dma_wait3A_22 : memref<632x128xf32, #tpu.memory_space<hbm>>)
      tpu.yield
    }) : () -> ()
    return
  }
}

#map = affine_map<(d0, d1) -> (0, 0, 0, 0)>
#map1 = affine_map<(d0, d1) -> (0)>
module attributes {stable_mosaic.version = 14 : i64} {
  func.func @sc_deg(%arg0: i32, %arg1: i32, %arg2: memref<2x16x94x128xi32, #tpu.memory_space<hbm>>, %arg3: memref<640xf32, #tpu.memory_space<hbm>>, %arg4: memref<20480xf32, #tpu.memory_space<hbm>>, %arg5: memref<10240xf32, #tpu.memory_space<vmem_shared>>, %arg6: memref<94x128xi32, #tpu.memory_space<vmem>>, %arg7: memref<128xf32, #tpu.memory_space<vmem>>) attributes {dimension_semantics = [#tpu.dimension_semantics<core_parallel>, #tpu.dimension_semantics<subcore_parallel>], iteration_bounds = array<i64: 2, 16>, scalar_prefetch = 0 : i64, scratch_operands = 3 : i64, tpu.core_type = #tpu.core_type<sc_vector_subcore>, window_params = [{transform_indices = #map}, {transform_indices = #map1}, {transform_indices = #map1}]} {
    %mul3A = arith.constant 640 : i32
    %mul3A_0 = arith.muli %arg1, %mul3A : i32
    "tpu.region"() ({
      %run_scoped3A = tpu.sem_alloc : memref<!tpu.dma_semaphore, #tpu.memory_space<semaphore_mem>>
      %dma_start3A = tpu.memref_slice %arg5[%mul3A_0] : memref<10240xf32, #tpu.memory_space<vmem_shared>> -> memref<640xf32, #tpu.memory_space<vmem_shared>>
      tpu.enqueue_dma source(%arg3 : memref<640xf32, #tpu.memory_space<hbm>>) target(%dma_start3A : memref<640xf32, #tpu.memory_space<vmem_shared>>) target_semaphore(%run_scoped3A : memref<!tpu.dma_semaphore, #tpu.memory_space<semaphore_mem>>)
      %dma_wait3A = tpu.memref_slice %arg5[%mul3A_0] : memref<10240xf32, #tpu.memory_space<vmem_shared>> -> memref<640xf32, #tpu.memory_space<vmem_shared>>
      tpu.wait_dma2 semaphore(%run_scoped3A : memref<!tpu.dma_semaphore, #tpu.memory_space<semaphore_mem>>) src(%arg3 : memref<640xf32, #tpu.memory_space<hbm>>) dst(%dma_wait3A : memref<640xf32, #tpu.memory_space<vmem_shared>>)
      tpu.yield
    }) : () -> ()
    %broadcast_in_dim3A = arith.constant 1.000000e+00 : f32
    %broadcast_in_dim3A_1 = vector.broadcast %broadcast_in_dim3A : f32 to vector<16xf32>
    %swap3A = arith.constant 0 : index
    %swap3A_2 = tpu.vector_load %arg7[%swap3A] {strides = array<i32>} : memref<128xf32, #tpu.memory_space<vmem>>, vector<16xf32>,
    %swap3A_3 = vector.shape_cast %swap3A_2 : vector<16xf32> to vector<16xf32>
    %swap3A_4 = vector.shape_cast %broadcast_in_dim3A_1 : vector<16xf32> to vector<16xf32>
    tpu.vector_store %arg7[%swap3A], %swap3A_4 {strides = array<i32>} : memref<128xf32, #tpu.memory_space<vmem>>, vector<16xf32>,
    %broadcast_in_dim3A_5 = arith.constant 1.000000e+00 : f32
    %broadcast_in_dim3A_6 = vector.broadcast %broadcast_in_dim3A_5 : f32 to vector<16xf32>
    %swap3A_7 = arith.constant 16 : index
    %swap3A_8 = tpu.vector_load %arg7[%swap3A_7] {strides = array<i32>} : memref<128xf32, #tpu.memory_space<vmem>>, vector<16xf32>,
    %swap3A_9 = vector.shape_cast %swap3A_8 : vector<16xf32> to vector<16xf32>
    %swap3A_10 = vector.shape_cast %broadcast_in_dim3A_6 : vector<16xf32> to vector<16xf32>
    tpu.vector_store %arg7[%swap3A_7], %swap3A_10 {strides = array<i32>} : memref<128xf32, #tpu.memory_space<vmem>>, vector<16xf32>,
    %broadcast_in_dim3A_11 = arith.constant 1.000000e+00 : f32
    %broadcast_in_dim3A_12 = vector.broadcast %broadcast_in_dim3A_11 : f32 to vector<16xf32>
    %swap3A_13 = arith.constant 32 : index
    %swap3A_14 = tpu.vector_load %arg7[%swap3A_13] {strides = array<i32>} : memref<128xf32, #tpu.memory_space<vmem>>, vector<16xf32>,
    %swap3A_15 = vector.shape_cast %swap3A_14 : vector<16xf32> to vector<16xf32>
    %swap3A_16 = vector.shape_cast %broadcast_in_dim3A_12 : vector<16xf32> to vector<16xf32>
    tpu.vector_store %arg7[%swap3A_13], %swap3A_16 {strides = array<i32>} : memref<128xf32, #tpu.memory_space<vmem>>, vector<16xf32>,
    %broadcast_in_dim3A_17 = arith.constant 1.000000e+00 : f32
    %broadcast_in_dim3A_18 = vector.broadcast %broadcast_in_dim3A_17 : f32 to vector<16xf32>
    %swap3A_19 = arith.constant 48 : index
    %swap3A_20 = tpu.vector_load %arg7[%swap3A_19] {strides = array<i32>} : memref<128xf32, #tpu.memory_space<vmem>>, vector<16xf32>,
    %swap3A_21 = vector.shape_cast %swap3A_20 : vector<16xf32> to vector<16xf32>
    %swap3A_22 = vector.shape_cast %broadcast_in_dim3A_18 : vector<16xf32> to vector<16xf32>
    tpu.vector_store %arg7[%swap3A_19], %swap3A_22 {strides = array<i32>} : memref<128xf32, #tpu.memory_space<vmem>>, vector<16xf32>,
    %broadcast_in_dim3A_23 = arith.constant 1.000000e+00 : f32
    %broadcast_in_dim3A_24 = vector.broadcast %broadcast_in_dim3A_23 : f32 to vector<16xf32>
    %swap3A_25 = arith.constant 64 : index
    %swap3A_26 = tpu.vector_load %arg7[%swap3A_25] {strides = array<i32>} : memref<128xf32, #tpu.memory_space<vmem>>, vector<16xf32>,
    %swap3A_27 = vector.shape_cast %swap3A_26 : vector<16xf32> to vector<16xf32>
    %swap3A_28 = vector.shape_cast %broadcast_in_dim3A_24 : vector<16xf32> to vector<16xf32>
    tpu.vector_store %arg7[%swap3A_25], %swap3A_28 {strides = array<i32>} : memref<128xf32, #tpu.memory_space<vmem>>, vector<16xf32>,
    %broadcast_in_dim3A_29 = arith.constant 1.000000e+00 : f32
    %broadcast_in_dim3A_30 = vector.broadcast %broadcast_in_dim3A_29 : f32 to vector<16xf32>
    %swap3A_31 = arith.constant 80 : index
    %swap3A_32 = tpu.vector_load %arg7[%swap3A_31] {strides = array<i32>} : memref<128xf32, #tpu.memory_space<vmem>>, vector<16xf32>,
    %swap3A_33 = vector.shape_cast %swap3A_32 : vector<16xf32> to vector<16xf32>
    %swap3A_34 = vector.shape_cast %broadcast_in_dim3A_30 : vector<16xf32> to vector<16xf32>
    tpu.vector_store %arg7[%swap3A_31], %swap3A_34 {strides = array<i32>} : memref<128xf32, #tpu.memory_space<vmem>>, vector<16xf32>,
    %broadcast_in_dim3A_35 = arith.constant 1.000000e+00 : f32
    %broadcast_in_dim3A_36 = vector.broadcast %broadcast_in_dim3A_35 : f32 to vector<16xf32>
    %swap3A_37 = arith.constant 96 : index
    %swap3A_38 = tpu.vector_load %arg7[%swap3A_37] {strides = array<i32>} : memref<128xf32, #tpu.memory_space<vmem>>, vector<16xf32>,
    %swap3A_39 = vector.shape_cast %swap3A_38 : vector<16xf32> to vector<16xf32>
    %swap3A_40 = vector.shape_cast %broadcast_in_dim3A_36 : vector<16xf32> to vector<16xf32>
    tpu.vector_store %arg7[%swap3A_37], %swap3A_40 {strides = array<i32>} : memref<128xf32, #tpu.memory_space<vmem>>, vector<16xf32>,
    %broadcast_in_dim3A_41 = arith.constant 1.000000e+00 : f32
    %broadcast_in_dim3A_42 = vector.broadcast %broadcast_in_dim3A_41 : f32 to vector<16xf32>
    %swap3A_43 = arith.constant 112 : index
    %swap3A_44 = tpu.vector_load %arg7[%swap3A_43] {strides = array<i32>} : memref<128xf32, #tpu.memory_space<vmem>>, vector<16xf32>,
    %swap3A_45 = vector.shape_cast %swap3A_44 : vector<16xf32> to vector<16xf32>
    %swap3A_46 = vector.shape_cast %broadcast_in_dim3A_42 : vector<16xf32> to vector<16xf32>
    tpu.vector_store %arg7[%swap3A_43], %swap3A_46 {strides = array<i32>} : memref<128xf32, #tpu.memory_space<vmem>>, vector<16xf32>,
    "tpu.region"() ({
      %run_scoped3A = tpu.sem_alloc : memref<!tpu.dma_semaphore, #tpu.memory_space<semaphore_mem>>
      %dma_start3A = arith.constant 0 : i32
      %dma_start3A_65 = arith.constant 0 : i32
      %dma_start3A_66 = tpu.memref_slice %arg2[%arg0, %arg1, %dma_start3A, %dma_start3A_65] : memref<2x16x94x128xi32, #tpu.memory_space<hbm>> -> memref<1x1x94x128xi32, #tpu.memory_space<hbm>>
      %dma_start3A_67 = tpu.memref_squeeze %dma_start3A_66 : memref<1x1x94x128xi32, #tpu.memory_space<hbm>> -> memref<94x128xi32, #tpu.memory_space<hbm>>
      %dma_start3A_68 = arith.constant 0 : i32
      %dma_start3A_69 = arith.constant 0 : i32
      %dma_start3A_70 = tpu.memref_slice %arg2[%arg0, %arg1, %dma_start3A_68, %dma_start3A_69] : memref<2x16x94x128xi32, #tpu.memory_space<hbm>> -> memref<1x1x94x128xi32, #tpu.memory_space<hbm>>
      %dma_start3A_71 = tpu.memref_squeeze %dma_start3A_70 : memref<1x1x94x128xi32, #tpu.memory_space<hbm>> -> memref<94x128xi32, #tpu.memory_space<hbm>>
      tpu.enqueue_dma source(%dma_start3A_71 : memref<94x128xi32, #tpu.memory_space<hbm>>) target(%arg6 : memref<94x128xi32, #tpu.memory_space<vmem>>) target_semaphore(%run_scoped3A : memref<!tpu.dma_semaphore, #tpu.memory_space<semaphore_mem>>)
      %dma_wait3A = arith.constant 0 : i32
      %dma_wait3A_72 = arith.constant 0 : i32
      %dma_wait3A_73 = tpu.memref_slice %arg2[%arg0, %arg1, %dma_wait3A, %dma_wait3A_72] : memref<2x16x94x128xi32, #tpu.memory_space<hbm>> -> memref<1x1x94x128xi32, #tpu.memory_space<hbm>>
      %dma_wait3A_74 = tpu.memref_squeeze %dma_wait3A_73 : memref<1x1x94x128xi32, #tpu.memory_space<hbm>> -> memref<94x128xi32, #tpu.memory_space<hbm>>
      %dma_wait3A_75 = arith.constant 0 : i32
      %dma_wait3A_76 = arith.constant 0 : i32
      %dma_wait3A_77 = tpu.memref_slice %arg2[%arg0, %arg1, %dma_wait3A_75, %dma_wait3A_76] : memref<2x16x94x128xi32, #tpu.memory_space<hbm>> -> memref<1x1x94x128xi32, #tpu.memory_space<hbm>>
      %dma_wait3A_78 = tpu.memref_squeeze %dma_wait3A_77 : memref<1x1x94x128xi32, #tpu.memory_space<hbm>> -> memref<94x128xi32, #tpu.memory_space<hbm>>
      tpu.wait_dma2 semaphore(%run_scoped3A : memref<!tpu.dma_semaphore, #tpu.memory_space<semaphore_mem>>) src(%dma_wait3A_78 : memref<94x128xi32, #tpu.memory_space<hbm>>) dst(%arg6 : memref<94x128xi32, #tpu.memory_space<vmem>>)
      tpu.yield
    }) : () -> ()
    %barrier3A = arith.constant 0 : index
    tpu.barrier barrier_id(%barrier3A)
    %eq3A = arith.constant 0 : i32
    %eq3A_47 = arith.cmpi eq, %arg0, %eq3A : i32
    %jit3A = arith.constant 94 : i32
    %jit3A_48 = arith.constant 63 : i32
    %select_n3A = arith.select %eq3A_47, %jit3A, %jit3A_48 : i32
    %while3A = arith.constant 0 : i32
    %while3A_49 = arith.constant 0 : i32
    %while3A_50 = arith.subi %select_n3A, %while3A_49 : i32
    %while3A_51 = arith.addi %while3A_49, %while3A_50 : i32
    %while3A_52 = arith.constant 1 : i32
    %while3A_53 = arith.divsi %while3A_50, %while3A_52 : i32
    %while3A_54 = arith.muli %while3A_53, %while3A_52 : i32
    %while3A_55 = arith.addi %while3A_49, %while3A_54 : i32
    %while3A_56 = arith.constant 1 : i32
    scf.for %while3A_65 = %while3A_49 to %while3A_55 step %while3A_56  : i32 {
      "tpu.region"() ({
        %run_scoped3A = tpu.sem_alloc : memref<!tpu.dma_semaphore, #tpu.memory_space<semaphore_mem>>
        %dma_start3A = arith.constant 0 : i32
        %dma_start3A_66 = tpu.memref_slice %arg6[%while3A_65, %dma_start3A] : memref<94x128xi32, #tpu.memory_space<vmem>> -> memref<1x128xi32, #tpu.memory_space<vmem>>
        %dma_start3A_67 = tpu.memref_squeeze %dma_start3A_66 : memref<1x128xi32, #tpu.memory_space<vmem>> -> memref<128xi32, #tpu.memory_space<vmem>>
        %dma_start3A_68 = arith.constant 0 : i32
        %dma_start3A_69 = tpu.memref_slice %arg5[%dma_start3A_68] : memref<10240xf32, #tpu.memory_space<vmem_shared>> -> memref<10240xf32, #tpu.memory_space<vmem_shared>>
        tpu.enqueue_indirect_dma source(%arg7 : memref<128xf32, #tpu.memory_space<vmem>>) target(%dma_start3A_69 : memref<10240xf32, #tpu.memory_space<vmem_shared>>) offsets(%dma_start3A_67 : memref<128xi32, #tpu.memory_space<vmem>>) semaphore(%run_scoped3A : memref<!tpu.dma_semaphore, #tpu.memory_space<semaphore_mem>>) {add = true}
        %dma_wait3A = arith.constant 0 : i32
        %dma_wait3A_70 = tpu.memref_slice %arg6[%while3A_65, %dma_wait3A] : memref<94x128xi32, #tpu.memory_space<vmem>> -> memref<1x128xi32, #tpu.memory_space<vmem>>
        %dma_wait3A_71 = tpu.memref_squeeze %dma_wait3A_70 : memref<1x128xi32, #tpu.memory_space<vmem>> -> memref<128xi32, #tpu.memory_space<vmem>>
        %dma_wait3A_72 = arith.constant 0 : i32
        %dma_wait3A_73 = tpu.memref_slice %arg5[%dma_wait3A_72] : memref<10240xf32, #tpu.memory_space<vmem_shared>> -> memref<10240xf32, #tpu.memory_space<vmem_shared>>
        tpu.wait_indirect_dma semaphore(%run_scoped3A : memref<!tpu.dma_semaphore, #tpu.memory_space<semaphore_mem>>) src(%arg7 : memref<128xf32, #tpu.memory_space<vmem>>) dst(%dma_wait3A_73 : memref<10240xf32, #tpu.memory_space<vmem_shared>>)
        tpu.yield
      }) : () -> ()
    }
    %while3A_57 = arith.constant 1 : i32
    scf.for %while3A_65 = %while3A_55 to %while3A_51 step %while3A_57  : i32 {
      "tpu.region"() ({
        %run_scoped3A = tpu.sem_alloc : memref<!tpu.dma_semaphore, #tpu.memory_space<semaphore_mem>>
        %dma_start3A = arith.constant 0 : i32
        %dma_start3A_66 = tpu.memref_slice %arg6[%while3A_65, %dma_start3A] : memref<94x128xi32, #tpu.memory_space<vmem>> -> memref<1x128xi32, #tpu.memory_space<vmem>>
        %dma_start3A_67 = tpu.memref_squeeze %dma_start3A_66 : memref<1x128xi32, #tpu.memory_space<vmem>> -> memref<128xi32, #tpu.memory_space<vmem>>
        %dma_start3A_68 = arith.constant 0 : i32
        %dma_start3A_69 = tpu.memref_slice %arg5[%dma_start3A_68] : memref<10240xf32, #tpu.memory_space<vmem_shared>> -> memref<10240xf32, #tpu.memory_space<vmem_shared>>
        tpu.enqueue_indirect_dma source(%arg7 : memref<128xf32, #tpu.memory_space<vmem>>) target(%dma_start3A_69 : memref<10240xf32, #tpu.memory_space<vmem_shared>>) offsets(%dma_start3A_67 : memref<128xi32, #tpu.memory_space<vmem>>) semaphore(%run_scoped3A : memref<!tpu.dma_semaphore, #tpu.memory_space<semaphore_mem>>) {add = true}
        %dma_wait3A = arith.constant 0 : i32
        %dma_wait3A_70 = tpu.memref_slice %arg6[%while3A_65, %dma_wait3A] : memref<94x128xi32, #tpu.memory_space<vmem>> -> memref<1x128xi32, #tpu.memory_space<vmem>>
        %dma_wait3A_71 = tpu.memref_squeeze %dma_wait3A_70 : memref<1x128xi32, #tpu.memory_space<vmem>> -> memref<128xi32, #tpu.memory_space<vmem>>
        %dma_wait3A_72 = arith.constant 0 : i32
        %dma_wait3A_73 = tpu.memref_slice %arg5[%dma_wait3A_72] : memref<10240xf32, #tpu.memory_space<vmem_shared>> -> memref<10240xf32, #tpu.memory_space<vmem_shared>>
        tpu.wait_indirect_dma semaphore(%run_scoped3A : memref<!tpu.dma_semaphore, #tpu.memory_space<semaphore_mem>>) src(%arg7 : memref<128xf32, #tpu.memory_space<vmem>>) dst(%dma_wait3A_73 : memref<10240xf32, #tpu.memory_space<vmem_shared>>)
        tpu.yield
      }) : () -> ()
    }
    %barrier3A_58 = arith.constant 0 : index
    tpu.barrier barrier_id(%barrier3A_58)
    %mul3A_59 = arith.constant 640 : i32
    %mul3A_60 = arith.muli %arg1, %mul3A_59 : i32
    %mul3A_61 = arith.constant 10240 : i32
    %mul3A_62 = arith.muli %arg0, %mul3A_61 : i32
    %mul3A_63 = arith.constant 640 : i32
    %mul3A_64 = arith.muli %arg1, %mul3A_63 : i32
    %add3A = arith.addi %mul3A_62, %mul3A_64 : i32
    "tpu.region"() ({
      %run_scoped3A = tpu.sem_alloc : memref<!tpu.dma_semaphore, #tpu.memory_space<semaphore_mem>>
      %dma_start3A = tpu.memref_slice %arg4[%add3A] : memref<20480xf32, #tpu.memory_space<hbm>> -> memref<640xf32, #tpu.memory_space<hbm>>
      %dma_start3A_65 = tpu.memref_slice %arg5[%mul3A_60] : memref<10240xf32, #tpu.memory_space<vmem_shared>> -> memref<640xf32, #tpu.memory_space<vmem_shared>>
      tpu.enqueue_dma source(%dma_start3A_65 : memref<640xf32, #tpu.memory_space<vmem_shared>>) target(%dma_start3A : memref<640xf32, #tpu.memory_space<hbm>>) target_semaphore(%run_scoped3A : memref<!tpu.dma_semaphore, #tpu.memory_space<semaphore_mem>>)
      %dma_wait3A = tpu.memref_slice %arg4[%add3A] : memref<20480xf32, #tpu.memory_space<hbm>> -> memref<640xf32, #tpu.memory_space<hbm>>
      %dma_wait3A_66 = tpu.memref_slice %arg5[%mul3A_60] : memref<10240xf32, #tpu.memory_space<vmem_shared>> -> memref<640xf32, #tpu.memory_space<vmem_shared>>
      tpu.wait_dma2 semaphore(%run_scoped3A : memref<!tpu.dma_semaphore, #tpu.memory_space<semaphore_mem>>) src(%dma_wait3A_66 : memref<640xf32, #tpu.memory_space<vmem_shared>>) dst(%dma_wait3A : memref<640xf32, #tpu.memory_space<hbm>>)
      tpu.yield
    }) : () -> ()
    return
  }
}

#map = affine_map<(d0, d1) -> (0, 0)>
#map1 = affine_map<(d0, d1) -> (0, 0, 0, 0)>
#map2 = affine_map<(d0, d1) -> (0, 0, 0)>
module attributes {stable_mosaic.version = 14 : i64} {
  func.func @sc_agg(%arg0: i32, %arg1: i32, %arg2: memref<10000x128xf32, #tpu.memory_space<hbm>>, %arg3: memref<2x16x94x128xi32, #tpu.memory_space<hbm>>, %arg4: memref<2x16x94x128xi32, #tpu.memory_space<hbm>>, %arg5: memref<632x128xf32, #tpu.memory_space<hbm>>, %arg6: memref<2x10112x128xf32, #tpu.memory_space<hbm>>, %arg7: memref<10112x128xf32, #tpu.memory_space<vmem_shared>>, %arg8: memref<94x128xi32, #tpu.memory_space<vmem>>, %arg9: memref<94x128xi32, #tpu.memory_space<vmem>>, %arg10: memref<128x128xf32, #tpu.memory_space<vmem>>, %arg11: memref<!tpu.dma_semaphore, #tpu.memory_space<semaphore_mem>>) attributes {dimension_semantics = [#tpu.dimension_semantics<core_parallel>, #tpu.dimension_semantics<subcore_parallel>], iteration_bounds = array<i64: 2, 16>, scalar_prefetch = 0 : i64, scratch_operands = 5 : i64, tpu.core_type = #tpu.core_type<sc_vector_subcore>, window_params = [{transform_indices = #map}, {transform_indices = #map1}, {transform_indices = #map1}, {transform_indices = #map}, {transform_indices = #map2}]} {
    %mul3A = arith.constant 632 : i32
    %mul3A_0 = arith.muli %arg1, %mul3A : i32
    "tpu.region"() ({
      %run_scoped3A = tpu.sem_alloc : memref<!tpu.dma_semaphore, #tpu.memory_space<semaphore_mem>>
      %dma_start3A = arith.constant 0 : i32
      %dma_start3A_17 = tpu.memref_slice %arg7[%mul3A_0, %dma_start3A] : memref<10112x128xf32, #tpu.memory_space<vmem_shared>> -> memref<632x128xf32, #tpu.memory_space<vmem_shared>>
      tpu.enqueue_dma source(%arg5 : memref<632x128xf32, #tpu.memory_space<hbm>>) target(%dma_start3A_17 : memref<632x128xf32, #tpu.memory_space<vmem_shared>>) target_semaphore(%run_scoped3A : memref<!tpu.dma_semaphore, #tpu.memory_space<semaphore_mem>>)
      %dma_wait3A = arith.constant 0 : i32
      %dma_wait3A_18 = tpu.memref_slice %arg7[%mul3A_0, %dma_wait3A] : memref<10112x128xf32, #tpu.memory_space<vmem_shared>> -> memref<632x128xf32, #tpu.memory_space<vmem_shared>>
      tpu.wait_dma2 semaphore(%run_scoped3A : memref<!tpu.dma_semaphore, #tpu.memory_space<semaphore_mem>>) src(%arg5 : memref<632x128xf32, #tpu.memory_space<hbm>>) dst(%dma_wait3A_18 : memref<632x128xf32, #tpu.memory_space<vmem_shared>>)
      tpu.yield
    }) : () -> ()
    "tpu.region"() ({
      %run_scoped3A = tpu.sem_alloc : memref<!tpu.dma_semaphore, #tpu.memory_space<semaphore_mem>>
      %dma_start3A = arith.constant 0 : i32
      %dma_start3A_17 = arith.constant 0 : i32
      %dma_start3A_18 = tpu.memref_slice %arg3[%arg0, %arg1, %dma_start3A, %dma_start3A_17] : memref<2x16x94x128xi32, #tpu.memory_space<hbm>> -> memref<1x1x94x128xi32, #tpu.memory_space<hbm>>
      %dma_start3A_19 = tpu.memref_squeeze %dma_start3A_18 : memref<1x1x94x128xi32, #tpu.memory_space<hbm>> -> memref<94x128xi32, #tpu.memory_space<hbm>>
      %dma_start3A_20 = arith.constant 0 : i32
      %dma_start3A_21 = arith.constant 0 : i32
      %dma_start3A_22 = tpu.memref_slice %arg3[%arg0, %arg1, %dma_start3A_20, %dma_start3A_21] : memref<2x16x94x128xi32, #tpu.memory_space<hbm>> -> memref<1x1x94x128xi32, #tpu.memory_space<hbm>>
      %dma_start3A_23 = tpu.memref_squeeze %dma_start3A_22 : memref<1x1x94x128xi32, #tpu.memory_space<hbm>> -> memref<94x128xi32, #tpu.memory_space<hbm>>
      tpu.enqueue_dma source(%dma_start3A_23 : memref<94x128xi32, #tpu.memory_space<hbm>>) target(%arg8 : memref<94x128xi32, #tpu.memory_space<vmem>>) target_semaphore(%run_scoped3A : memref<!tpu.dma_semaphore, #tpu.memory_space<semaphore_mem>>)
      %dma_wait3A = arith.constant 0 : i32
      %dma_wait3A_24 = arith.constant 0 : i32
      %dma_wait3A_25 = tpu.memref_slice %arg3[%arg0, %arg1, %dma_wait3A, %dma_wait3A_24] : memref<2x16x94x128xi32, #tpu.memory_space<hbm>> -> memref<1x1x94x128xi32, #tpu.memory_space<hbm>>
      %dma_wait3A_26 = tpu.memref_squeeze %dma_wait3A_25 : memref<1x1x94x128xi32, #tpu.memory_space<hbm>> -> memref<94x128xi32, #tpu.memory_space<hbm>>
      %dma_wait3A_27 = arith.constant 0 : i32
      %dma_wait3A_28 = arith.constant 0 : i32
      %dma_wait3A_29 = tpu.memref_slice %arg3[%arg0, %arg1, %dma_wait3A_27, %dma_wait3A_28] : memref<2x16x94x128xi32, #tpu.memory_space<hbm>> -> memref<1x1x94x128xi32, #tpu.memory_space<hbm>>
      %dma_wait3A_30 = tpu.memref_squeeze %dma_wait3A_29 : memref<1x1x94x128xi32, #tpu.memory_space<hbm>> -> memref<94x128xi32, #tpu.memory_space<hbm>>
      tpu.wait_dma2 semaphore(%run_scoped3A : memref<!tpu.dma_semaphore, #tpu.memory_space<semaphore_mem>>) src(%dma_wait3A_30 : memref<94x128xi32, #tpu.memory_space<hbm>>) dst(%arg8 : memref<94x128xi32, #tpu.memory_space<vmem>>)
      tpu.yield
    }) : () -> ()
    "tpu.region"() ({
      %run_scoped3A = tpu.sem_alloc : memref<!tpu.dma_semaphore, #tpu.memory_space<semaphore_mem>>
      %dma_start3A = arith.constant 0 : i32
      %dma_start3A_17 = arith.constant 0 : i32
      %dma_start3A_18 = tpu.memref_slice %arg4[%arg0, %arg1, %dma_start3A, %dma_start3A_17] : memref<2x16x94x128xi32, #tpu.memory_space<hbm>> -> memref<1x1x94x128xi32, #tpu.memory_space<hbm>>
      %dma_start3A_19 = tpu.memref_squeeze %dma_start3A_18 : memref<1x1x94x128xi32, #tpu.memory_space<hbm>> -> memref<94x128xi32, #tpu.memory_space<hbm>>
      %dma_start3A_20 = arith.constant 0 : i32
      %dma_start3A_21 = arith.constant 0 : i32
      %dma_start3A_22 = tpu.memref_slice %arg4[%arg0, %arg1, %dma_start3A_20, %dma_start3A_21] : memref<2x16x94x128xi32, #tpu.memory_space<hbm>> -> memref<1x1x94x128xi32, #tpu.memory_space<hbm>>
      %dma_start3A_23 = tpu.memref_squeeze %dma_start3A_22 : memref<1x1x94x128xi32, #tpu.memory_space<hbm>> -> memref<94x128xi32, #tpu.memory_space<hbm>>
      tpu.enqueue_dma source(%dma_start3A_23 : memref<94x128xi32, #tpu.memory_space<hbm>>) target(%arg9 : memref<94x128xi32, #tpu.memory_space<vmem>>) target_semaphore(%run_scoped3A : memref<!tpu.dma_semaphore, #tpu.memory_space<semaphore_mem>>)
      %dma_wait3A = arith.constant 0 : i32
      %dma_wait3A_24 = arith.constant 0 : i32
      %dma_wait3A_25 = tpu.memref_slice %arg4[%arg0, %arg1, %dma_wait3A, %dma_wait3A_24] : memref<2x16x94x128xi32, #tpu.memory_space<hbm>> -> memref<1x1x94x128xi32, #tpu.memory_space<hbm>>
      %dma_wait3A_26 = tpu.memref_squeeze %dma_wait3A_25 : memref<1x1x94x128xi32, #tpu.memory_space<hbm>> -> memref<94x128xi32, #tpu.memory_space<hbm>>
      %dma_wait3A_27 = arith.constant 0 : i32
      %dma_wait3A_28 = arith.constant 0 : i32
      %dma_wait3A_29 = tpu.memref_slice %arg4[%arg0, %arg1, %dma_wait3A_27, %dma_wait3A_28] : memref<2x16x94x128xi32, #tpu.memory_space<hbm>> -> memref<1x1x94x128xi32, #tpu.memory_space<hbm>>
      %dma_wait3A_30 = tpu.memref_squeeze %dma_wait3A_29 : memref<1x1x94x128xi32, #tpu.memory_space<hbm>> -> memref<94x128xi32, #tpu.memory_space<hbm>>
      tpu.wait_dma2 semaphore(%run_scoped3A : memref<!tpu.dma_semaphore, #tpu.memory_space<semaphore_mem>>) src(%dma_wait3A_30 : memref<94x128xi32, #tpu.memory_space<hbm>>) dst(%arg9 : memref<94x128xi32, #tpu.memory_space<vmem>>)
      tpu.yield
    }) : () -> ()
    %barrier3A = arith.constant 0 : index
    tpu.barrier barrier_id(%barrier3A)
    %eq3A = arith.constant 0 : i32
    %eq3A_1 = arith.cmpi eq, %arg0, %eq3A : i32
    %jit3A = arith.constant 94 : i32
    %jit3A_2 = arith.constant 63 : i32
    %select_n3A = arith.select %eq3A_1, %jit3A, %jit3A_2 : i32
    %while3A = arith.constant 0 : i32
    %while3A_3 = arith.constant 0 : i32
    %while3A_4 = arith.subi %select_n3A, %while3A_3 : i32
    %while3A_5 = arith.addi %while3A_3, %while3A_4 : i32
    %while3A_6 = arith.constant 1 : i32
    %while3A_7 = arith.divsi %while3A_4, %while3A_6 : i32
    %while3A_8 = arith.muli %while3A_7, %while3A_6 : i32
    %while3A_9 = arith.addi %while3A_3, %while3A_8 : i32
    %while3A_10 = arith.constant 1 : i32
    scf.for %while3A_17 = %while3A_3 to %while3A_9 step %while3A_10  : i32 {
      %dma_start3A = arith.constant 0 : i32
      %dma_start3A_18 = tpu.memref_slice %arg8[%while3A_17, %dma_start3A] : memref<94x128xi32, #tpu.memory_space<vmem>> -> memref<1x128xi32, #tpu.memory_space<vmem>>
      %dma_start3A_19 = tpu.memref_squeeze %dma_start3A_18 : memref<1x128xi32, #tpu.memory_space<vmem>> -> memref<128xi32, #tpu.memory_space<vmem>>
      %dma_start3A_20 = arith.constant 0 : i32
      %dma_start3A_21 = arith.constant 0 : i32
      %dma_start3A_22 = tpu.memref_slice %arg2[%dma_start3A_20, %dma_start3A_21] : memref<10000x128xf32, #tpu.memory_space<hbm>> -> memref<10000x128xf32, #tpu.memory_space<hbm>>
      tpu.enqueue_indirect_dma source(%dma_start3A_22 : memref<10000x128xf32, #tpu.memory_space<hbm>>) target(%arg10 : memref<128x128xf32, #tpu.memory_space<vmem>>) offsets(%dma_start3A_19 : memref<128xi32, #tpu.memory_space<vmem>>) semaphore(%arg11 : memref<!tpu.dma_semaphore, #tpu.memory_space<semaphore_mem>>)
      %dma_wait3A = arith.constant 0 : i32
      %dma_wait3A_23 = tpu.memref_slice %arg8[%while3A_17, %dma_wait3A] : memref<94x128xi32, #tpu.memory_space<vmem>> -> memref<1x128xi32, #tpu.memory_space<vmem>>
      %dma_wait3A_24 = tpu.memref_squeeze %dma_wait3A_23 : memref<1x128xi32, #tpu.memory_space<vmem>> -> memref<128xi32, #tpu.memory_space<vmem>>
      %dma_wait3A_25 = arith.constant 0 : i32
      %dma_wait3A_26 = arith.constant 0 : i32
      %dma_wait3A_27 = tpu.memref_slice %arg2[%dma_wait3A_25, %dma_wait3A_26] : memref<10000x128xf32, #tpu.memory_space<hbm>> -> memref<10000x128xf32, #tpu.memory_space<hbm>>
      tpu.wait_indirect_dma semaphore(%arg11 : memref<!tpu.dma_semaphore, #tpu.memory_space<semaphore_mem>>) src(%dma_wait3A_27 : memref<10000x128xf32, #tpu.memory_space<hbm>>) dst(%arg10 : memref<128x128xf32, #tpu.memory_space<vmem>>)
      "tpu.region"() ({
        %run_scoped3A = tpu.sem_alloc : memref<!tpu.dma_semaphore, #tpu.memory_space<semaphore_mem>>
        %dma_start3A_28 = arith.constant 0 : i32
        %dma_start3A_29 = tpu.memref_slice %arg9[%while3A_17, %dma_start3A_28] : memref<94x128xi32, #tpu.memory_space<vmem>> -> memref<1x128xi32, #tpu.memory_space<vmem>>
        %dma_start3A_30 = tpu.memref_squeeze %dma_start3A_29 : memref<1x128xi32, #tpu.memory_space<vmem>> -> memref<128xi32, #tpu.memory_space<vmem>>
        %dma_start3A_31 = arith.constant 0 : i32
        %dma_start3A_32 = arith.constant 0 : i32
        %dma_start3A_33 = tpu.memref_slice %arg7[%dma_start3A_31, %dma_start3A_32] : memref<10112x128xf32, #tpu.memory_space<vmem_shared>> -> memref<10112x128xf32, #tpu.memory_space<vmem_shared>>
        tpu.enqueue_indirect_dma source(%arg10 : memref<128x128xf32, #tpu.memory_space<vmem>>) target(%dma_start3A_33 : memref<10112x128xf32, #tpu.memory_space<vmem_shared>>) offsets(%dma_start3A_30 : memref<128xi32, #tpu.memory_space<vmem>>) semaphore(%run_scoped3A : memref<!tpu.dma_semaphore, #tpu.memory_space<semaphore_mem>>) {add = true}
        %dma_wait3A_34 = arith.constant 0 : i32
        %dma_wait3A_35 = tpu.memref_slice %arg9[%while3A_17, %dma_wait3A_34] : memref<94x128xi32, #tpu.memory_space<vmem>> -> memref<1x128xi32, #tpu.memory_space<vmem>>
        %dma_wait3A_36 = tpu.memref_squeeze %dma_wait3A_35 : memref<1x128xi32, #tpu.memory_space<vmem>> -> memref<128xi32, #tpu.memory_space<vmem>>
        %dma_wait3A_37 = arith.constant 0 : i32
        %dma_wait3A_38 = arith.constant 0 : i32
        %dma_wait3A_39 = tpu.memref_slice %arg7[%dma_wait3A_37, %dma_wait3A_38] : memref<10112x128xf32, #tpu.memory_space<vmem_shared>> -> memref<10112x128xf32, #tpu.memory_space<vmem_shared>>
        tpu.wait_indirect_dma semaphore(%run_scoped3A : memref<!tpu.dma_semaphore, #tpu.memory_space<semaphore_mem>>) src(%arg10 : memref<128x128xf32, #tpu.memory_space<vmem>>) dst(%dma_wait3A_39 : memref<10112x128xf32, #tpu.memory_space<vmem_shared>>)
        tpu.yield
      }) : () -> ()
    }
    %while3A_11 = arith.constant 1 : i32
    scf.for %while3A_17 = %while3A_9 to %while3A_5 step %while3A_11  : i32 {
      %dma_start3A = arith.constant 0 : i32
      %dma_start3A_18 = tpu.memref_slice %arg8[%while3A_17, %dma_start3A] : memref<94x128xi32, #tpu.memory_space<vmem>> -> memref<1x128xi32, #tpu.memory_space<vmem>>
      %dma_start3A_19 = tpu.memref_squeeze %dma_start3A_18 : memref<1x128xi32, #tpu.memory_space<vmem>> -> memref<128xi32, #tpu.memory_space<vmem>>
      %dma_start3A_20 = arith.constant 0 : i32
      %dma_start3A_21 = arith.constant 0 : i32
      %dma_start3A_22 = tpu.memref_slice %arg2[%dma_start3A_20, %dma_start3A_21] : memref<10000x128xf32, #tpu.memory_space<hbm>> -> memref<10000x128xf32, #tpu.memory_space<hbm>>
      tpu.enqueue_indirect_dma source(%dma_start3A_22 : memref<10000x128xf32, #tpu.memory_space<hbm>>) target(%arg10 : memref<128x128xf32, #tpu.memory_space<vmem>>) offsets(%dma_start3A_19 : memref<128xi32, #tpu.memory_space<vmem>>) semaphore(%arg11 : memref<!tpu.dma_semaphore, #tpu.memory_space<semaphore_mem>>)
      %dma_wait3A = arith.constant 0 : i32
      %dma_wait3A_23 = tpu.memref_slice %arg8[%while3A_17, %dma_wait3A] : memref<94x128xi32, #tpu.memory_space<vmem>> -> memref<1x128xi32, #tpu.memory_space<vmem>>
      %dma_wait3A_24 = tpu.memref_squeeze %dma_wait3A_23 : memref<1x128xi32, #tpu.memory_space<vmem>> -> memref<128xi32, #tpu.memory_space<vmem>>
      %dma_wait3A_25 = arith.constant 0 : i32
      %dma_wait3A_26 = arith.constant 0 : i32
      %dma_wait3A_27 = tpu.memref_slice %arg2[%dma_wait3A_25, %dma_wait3A_26] : memref<10000x128xf32, #tpu.memory_space<hbm>> -> memref<10000x128xf32, #tpu.memory_space<hbm>>
      tpu.wait_indirect_dma semaphore(%arg11 : memref<!tpu.dma_semaphore, #tpu.memory_space<semaphore_mem>>) src(%dma_wait3A_27 : memref<10000x128xf32, #tpu.memory_space<hbm>>) dst(%arg10 : memref<128x128xf32, #tpu.memory_space<vmem>>)
      "tpu.region"() ({
        %run_scoped3A = tpu.sem_alloc : memref<!tpu.dma_semaphore, #tpu.memory_space<semaphore_mem>>
        %dma_start3A_28 = arith.constant 0 : i32
        %dma_start3A_29 = tpu.memref_slice %arg9[%while3A_17, %dma_start3A_28] : memref<94x128xi32, #tpu.memory_space<vmem>> -> memref<1x128xi32, #tpu.memory_space<vmem>>
        %dma_start3A_30 = tpu.memref_squeeze %dma_start3A_29 : memref<1x128xi32, #tpu.memory_space<vmem>> -> memref<128xi32, #tpu.memory_space<vmem>>
        %dma_start3A_31 = arith.constant 0 : i32
        %dma_start3A_32 = arith.constant 0 : i32
        %dma_start3A_33 = tpu.memref_slice %arg7[%dma_start3A_31, %dma_start3A_32] : memref<10112x128xf32, #tpu.memory_space<vmem_shared>> -> memref<10112x128xf32, #tpu.memory_space<vmem_shared>>
        tpu.enqueue_indirect_dma source(%arg10 : memref<128x128xf32, #tpu.memory_space<vmem>>) target(%dma_start3A_33 : memref<10112x128xf32, #tpu.memory_space<vmem_shared>>) offsets(%dma_start3A_30 : memref<128xi32, #tpu.memory_space<vmem>>) semaphore(%run_scoped3A : memref<!tpu.dma_semaphore, #tpu.memory_space<semaphore_mem>>) {add = true}
        %dma_wait3A_34 = arith.constant 0 : i32
        %dma_wait3A_35 = tpu.memref_slice %arg9[%while3A_17, %dma_wait3A_34] : memref<94x128xi32, #tpu.memory_space<vmem>> -> memref<1x128xi32, #tpu.memory_space<vmem>>
        %dma_wait3A_36 = tpu.memref_squeeze %dma_wait3A_35 : memref<1x128xi32, #tpu.memory_space<vmem>> -> memref<128xi32, #tpu.memory_space<vmem>>
        %dma_wait3A_37 = arith.constant 0 : i32
        %dma_wait3A_38 = arith.constant 0 : i32
        %dma_wait3A_39 = tpu.memref_slice %arg7[%dma_wait3A_37, %dma_wait3A_38] : memref<10112x128xf32, #tpu.memory_space<vmem_shared>> -> memref<10112x128xf32, #tpu.memory_space<vmem_shared>>
        tpu.wait_indirect_dma semaphore(%run_scoped3A : memref<!tpu.dma_semaphore, #tpu.memory_space<semaphore_mem>>) src(%arg10 : memref<128x128xf32, #tpu.memory_space<vmem>>) dst(%dma_wait3A_39 : memref<10112x128xf32, #tpu.memory_space<vmem_shared>>)
        tpu.yield
      }) : () -> ()
    }
    %barrier3A_12 = arith.constant 0 : index
    tpu.barrier barrier_id(%barrier3A_12)
    %mul3A_13 = arith.constant 632 : i32
    %mul3A_14 = arith.muli %arg1, %mul3A_13 : i32
    %mul3A_15 = arith.constant 632 : i32
    %mul3A_16 = arith.muli %arg1, %mul3A_15 : i32
    "tpu.region"() ({
      %run_scoped3A = tpu.sem_alloc : memref<!tpu.dma_semaphore, #tpu.memory_space<semaphore_mem>>
      %dma_start3A = arith.constant 0 : i32
      %dma_start3A_17 = tpu.memref_slice %arg6[%arg0, %mul3A_16, %dma_start3A] : memref<2x10112x128xf32, #tpu.memory_space<hbm>> -> memref<1x632x128xf32, #tpu.memory_space<hbm>>
      %dma_start3A_18 = tpu.memref_squeeze %dma_start3A_17 : memref<1x632x128xf32, #tpu.memory_space<hbm>> -> memref<632x128xf32, #tpu.memory_space<hbm>>
      %dma_start3A_19 = arith.constant 0 : i32
      %dma_start3A_20 = tpu.memref_slice %arg7[%mul3A_14, %dma_start3A_19] : memref<10112x128xf32, #tpu.memory_space<vmem_shared>> -> memref<632x128xf32, #tpu.memory_space<vmem_shared>>
      tpu.enqueue_dma source(%dma_start3A_20 : memref<632x128xf32, #tpu.memory_space<vmem_shared>>) target(%dma_start3A_18 : memref<632x128xf32, #tpu.memory_space<hbm>>) target_semaphore(%run_scoped3A : memref<!tpu.dma_semaphore, #tpu.memory_space<semaphore_mem>>)
      %dma_wait3A = arith.constant 0 : i32
      %dma_wait3A_21 = tpu.memref_slice %arg6[%arg0, %mul3A_16, %dma_wait3A] : memref<2x10112x128xf32, #tpu.memory_space<hbm>> -> memref<1x632x128xf32, #tpu.memory_space<hbm>>
      %dma_wait3A_22 = tpu.memref_squeeze %dma_wait3A_21 : memref<1x632x128xf32, #tpu.memory_space<hbm>> -> memref<632x128xf32, #tpu.memory_space<hbm>>
      %dma_wait3A_23 = arith.constant 0 : i32
      %dma_wait3A_24 = tpu.memref_slice %arg7[%mul3A_14, %dma_wait3A_23] : memref<10112x128xf32, #tpu.memory_space<vmem_shared>> -> memref<632x128xf32, #tpu.memory_space<vmem_shared>>
      tpu.wait_dma2 semaphore(%run_scoped3A : memref<!tpu.dma_semaphore, #tpu.memory_space<semaphore_mem>>) src(%dma_wait3A_24 : memref<632x128xf32, #tpu.memory_space<vmem_shared>>) dst(%dma_wait3A_22 : memref<632x128xf32, #tpu.memory_space<hbm>>)
      tpu.yield
    }) : () -> ()
    return
  }
}

module attributes {stable_mosaic.version = 14 : i64} {
  func.func @_tc_layer_body(%arg0: i32, %arg1: memref<1000x128xf32, #tpu.memory_space<vmem>>, %arg2: memref<2x1000x128xf32, #tpu.memory_space<vmem>>, %arg3: memref<2x1000x1xf32, #tpu.memory_space<vmem>>, %arg4: memref<128x128xf32, #tpu.memory_space<vmem>>, %arg5: memref<128x128xf32, #tpu.memory_space<vmem>>, %arg6: memref<1x128xf32, #tpu.memory_space<vmem>>, %arg7: memref<128x8xf32, #tpu.memory_space<vmem>>, %arg8: memref<1x8xf32, #tpu.memory_space<vmem>>, %arg9: memref<6x128x128xf32, #tpu.memory_space<vmem>>, %arg10: memref<6x1x128xf32, #tpu.memory_space<vmem>>, %arg11: memref<6x128x128xf32, #tpu.memory_space<vmem>>, %arg12: memref<6x1x128xf32, #tpu.memory_space<vmem>>, %arg13: memref<128x128xf32, #tpu.memory_space<vmem>>, %arg14: memref<1x128xf32, #tpu.memory_space<vmem>>, %arg15: memref<1000x128xf32, #tpu.memory_space<vmem>>) attributes {dimension_semantics = [#tpu.dimension_semantics<arbitrary>], iteration_bounds = array<i64: 10>, scalar_prefetch = 0 : i64, scratch_operands = 0 : i64, tpu.core_type = #tpu.core_type<tc>, window_params = [{transform_indices = @transform_0, window_bounds = array<i64: 1000, 128>}, {transform_indices = @transform_1, window_bounds = array<i64: 2, 1000, 128>}, {transform_indices = @transform_2, window_bounds = array<i64: 2, 1000, 1>}, {pipeline_mode = #tpu.pipeline_mode<synchronous>, transform_indices = @transform_3, window_bounds = array<i64: 128, 128>}, {pipeline_mode = #tpu.pipeline_mode<synchronous>, transform_indices = @transform_4, window_bounds = array<i64: 128, 128>}, {pipeline_mode = #tpu.pipeline_mode<synchronous>, transform_indices = @transform_5, window_bounds = array<i64: 1, 128>}, {pipeline_mode = #tpu.pipeline_mode<synchronous>, transform_indices = @transform_6, window_bounds = array<i64: 128, 8>}, {pipeline_mode = #tpu.pipeline_mode<synchronous>, transform_indices = @transform_7, window_bounds = array<i64: 1, 8>}, {pipeline_mode = #tpu.pipeline_mode<synchronous>, transform_indices = @transform_8, window_bounds = array<i64: 6, 128, 128>}, {pipeline_mode = #tpu.pipeline_mode<synchronous>, transform_indices = @transform_9, window_bounds = array<i64: 6, 1, 128>}, {pipeline_mode = #tpu.pipeline_mode<synchronous>, transform_indices = @transform_10, window_bounds = array<i64: 6, 128, 128>}, {pipeline_mode = #tpu.pipeline_mode<synchronous>, transform_indices = @transform_11, window_bounds = array<i64: 6, 1, 128>}, {pipeline_mode = #tpu.pipeline_mode<synchronous>, transform_indices = @transform_12, window_bounds = array<i64: 128, 128>}, {pipeline_mode = #tpu.pipeline_mode<synchronous>, transform_indices = @transform_13, window_bounds = array<i64: 1, 128>}, {transform_indices = @transform_14, window_bounds = array<i64: 1000, 128>}]} {
    %get3A = arith.constant 0 : index
    %get3A_0 = arith.constant 0 : index
    %get3A_1 = vector.load %arg1[%get3A, %get3A_0] : memref<1000x128xf32, #tpu.memory_space<vmem>>, vector<1000x128xf32>
    %get3A_2 = arith.constant 0 : index
    %get3A_3 = arith.constant 0 : index
    %get3A_4 = arith.constant 0 : index
    %get3A_5 = vector.load %arg3[%get3A_2, %get3A_3, %get3A_4] : memref<2x1000x1xf32, #tpu.memory_space<vmem>>, vector<2x1000x1xf32>
    %slice3A = vector.extract_strided_slice %get3A_5 {offsets = [0, 0, 0], sizes = [1, 1000, 1], strides = [1, 1, 1]} : vector<2x1000x1xf32> to vector<1x1000x1xf32>
    %squeeze3A = vector.shape_cast %slice3A : vector<1x1000x1xf32> to vector<1000x1xf32>
    %slice3A_6 = vector.extract_strided_slice %get3A_5 {offsets = [1, 0, 0], sizes = [1, 1000, 1], strides = [1, 1, 1]} : vector<2x1000x1xf32> to vector<1x1000x1xf32>
    %squeeze3A_7 = vector.shape_cast %slice3A_6 : vector<1x1000x1xf32> to vector<1000x1xf32>
    %add3A = arith.addf %squeeze3A, %squeeze3A_7 : vector<1000x1xf32>
    %max3A = arith.constant 1.000000e+00 : f32
    %max3A_8 = vector.broadcast %max3A : f32 to vector<1000x1xf32>
    %max3A_9 = arith.maximumf %add3A, %max3A_8 : vector<1000x1xf32>
    %add3A_10 = arith.constant 1.000000e+00 : f32
    %add3A_11 = vector.broadcast %add3A_10 : f32 to vector<1000x1xf32>
    %add3A_12 = arith.addf %add3A_11, %max3A_9 : vector<1000x1xf32>
    %log3A = math.log %add3A_12 : vector<1000x1xf32>
    %get3A_13 = arith.constant 0 : index
    %get3A_14 = arith.constant 0 : index
    %get3A_15 = arith.constant 0 : index
    %get3A_16 = vector.load %arg2[%get3A_13, %get3A_14, %get3A_15] : memref<2x1000x128xf32, #tpu.memory_space<vmem>>, vector<2x1000x128xf32>
    %slice3A_17 = vector.extract_strided_slice %get3A_16 {offsets = [0, 0, 0], sizes = [1, 1000, 128], strides = [1, 1, 1]} : vector<2x1000x128xf32> to vector<1x1000x128xf32>
    %squeeze3A_18 = vector.shape_cast %slice3A_17 : vector<1x1000x128xf32> to vector<1000x128xf32>
    %slice3A_19 = vector.extract_strided_slice %get3A_16 {offsets = [1, 0, 0], sizes = [1, 1000, 128], strides = [1, 1, 1]} : vector<2x1000x128xf32> to vector<1x1000x128xf32>
    %squeeze3A_20 = vector.shape_cast %slice3A_19 : vector<1x1000x128xf32> to vector<1000x128xf32>
    %add3A_21 = arith.addf %squeeze3A_18, %squeeze3A_20 : vector<1000x128xf32>
    %div3A = vector.broadcast %max3A_9 : vector<1000x1xf32> to vector<1000x128xf32>
    %div3A_22 = arith.divf %add3A_21, %div3A : vector<1000x128xf32>
    %get3A_23 = arith.constant 0 : index
    %get3A_24 = arith.constant 0 : index
    %get3A_25 = vector.load %arg4[%get3A_23, %get3A_24] : memref<128x128xf32, #tpu.memory_space<vmem>>, vector<128x128xf32>
    %dot_general3A = arith.constant dense<0.000000e+00> : vector<1000x128xf32>
    %dot_general3A_26 = tpu.matmul %get3A_1, %get3A_25, %dot_general3A {dimension_numbers = #tpu.dot_dimension_numbers<[1], [0], [0], [1], [0, 0, 1, 1], [], []>, transpose_lhs_hint = false} : vector<1000x128xf32>, vector<128x128xf32>, vector<1000x128xf32> -> vector<1000x128xf32>
    %get3A_27 = arith.constant 0 : index
    %get3A_28 = arith.constant 0 : index
    %get3A_29 = vector.load %arg5[%get3A_27, %get3A_28] : memref<128x128xf32, #tpu.memory_space<vmem>>, vector<128x128xf32>
    %dot_general3A_30 = arith.constant dense<0.000000e+00> : vector<1000x128xf32>
    %dot_general3A_31 = tpu.matmul %div3A_22, %get3A_29, %dot_general3A_30 {dimension_numbers = #tpu.dot_dimension_numbers<[1], [0], [0], [1], [0, 0, 1, 1], [], []>, transpose_lhs_hint = false} : vector<1000x128xf32>, vector<128x128xf32>, vector<1000x128xf32> -> vector<1000x128xf32>
    %add3A_32 = arith.addf %dot_general3A_26, %dot_general3A_31 : vector<1000x128xf32>
    %get3A_33 = arith.constant 0 : index
    %get3A_34 = arith.constant 0 : index
    %get3A_35 = vector.load %arg6[%get3A_33, %get3A_34] : memref<1x128xf32, #tpu.memory_space<vmem>>, vector<1x128xf32>
    %add3A_36 = vector.broadcast %get3A_35 : vector<1x128xf32> to vector<1000x128xf32>
    %add3A_37 = arith.addf %add3A_32, %add3A_36 : vector<1000x128xf32>
    %max3A_38 = arith.constant 0.000000e+00 : f32
    %max3A_39 = vector.broadcast %max3A_38 : f32 to vector<1000x128xf32>
    %max3A_40 = arith.maximumf %add3A_37, %max3A_39 : vector<1000x128xf32>
    %get3A_41 = arith.constant 0 : index
    %get3A_42 = arith.constant 0 : index
    %get3A_43 = vector.load %arg7[%get3A_41, %get3A_42] : memref<128x8xf32, #tpu.memory_space<vmem>>, vector<128x8xf32>
    %dot_general3A_44 = arith.constant dense<0.000000e+00> : vector<1000x8xf32>
    %dot_general3A_45 = tpu.matmul %max3A_40, %get3A_43, %dot_general3A_44 {dimension_numbers = #tpu.dot_dimension_numbers<[1], [0], [0], [1], [0, 0, 1, 1], [], []>, transpose_lhs_hint = false} : vector<1000x128xf32>, vector<128x8xf32>, vector<1000x8xf32> -> vector<1000x8xf32>
    %mul3A = arith.constant 0.899999976 : f32
    %mul3A_46 = vector.broadcast %mul3A : f32 to vector<1000x1xf32>
    %mul3A_47 = arith.mulf %mul3A_46, %log3A : vector<1000x1xf32>
    %get3A_48 = arith.constant 0 : index
    %get3A_49 = arith.constant 0 : index
    %get3A_50 = vector.load %arg8[%get3A_48, %get3A_49] : memref<1x8xf32, #tpu.memory_space<vmem>>, vector<1x8xf32>
    %mul3A_51 = vector.broadcast %mul3A_47 : vector<1000x1xf32> to vector<1000x8xf32>
    %mul3A_52 = vector.broadcast %get3A_50 : vector<1x8xf32> to vector<1000x8xf32>
    %mul3A_53 = arith.mulf %mul3A_51, %mul3A_52 : vector<1000x8xf32>
    %add3A_54 = arith.addf %dot_general3A_45, %mul3A_53 : vector<1000x8xf32>
    %reduce_max3A = arith.constant dense<0xFF800000> : vector<1000xf32>
    %reduce_max3A_55 = vector.multi_reduction <maximumf>, %add3A_54, %reduce_max3A [1] : vector<1000x8xf32> to vector<1000xf32>
    %broadcast_in_dim3A = vector.shape_cast %reduce_max3A_55 : vector<1000xf32> to vector<1000x1xf32>
    %sub3A = vector.broadcast %broadcast_in_dim3A : vector<1000x1xf32> to vector<1000x8xf32>
    %sub3A_56 = arith.subf %add3A_54, %sub3A : vector<1000x8xf32>
    %exp3A = math.exp %sub3A_56 : vector<1000x8xf32>
    %reduce_sum3A = arith.constant dense<0.000000e+00> : vector<1000xf32>
    %reduce_sum3A_57 = vector.multi_reduction <add>, %exp3A, %reduce_sum3A [1] : vector<1000x8xf32> to vector<1000xf32>
    %broadcast_in_dim3A_58 = vector.shape_cast %reduce_sum3A_57 : vector<1000xf32> to vector<1000x1xf32>
    %div3A_59 = arith.constant 1.000000e+00 : f32
    %div3A_60 = vector.broadcast %div3A_59 : f32 to vector<1000x1xf32>
    %div3A_61 = arith.divf %div3A_60, %broadcast_in_dim3A_58 : vector<1000x1xf32>
    %iota3A = tpu.iota {dimensions = array<i32: 1>} : vector<1000x8xi32>
    %eq3A = vector.broadcast %broadcast_in_dim3A : vector<1000x1xf32> to vector<1000x8xf32>
    %eq3A_62 = arith.cmpf oeq, %add3A_54, %eq3A : vector<1000x8xf32>
    %jit3A = arith.constant 127 : i32
    %broadcast_in_dim3A_63 = vector.broadcast %jit3A : i32 to vector<1000x8xi32>
    %select_n3A = arith.select %eq3A_62, %iota3A, %broadcast_in_dim3A_63 : vector<1000x8xi1>, vector<1000x8xi32>
    %reduce_min3A = arith.constant dense<2147483647> : vector<1000xi32>
    %reduce_min3A_64 = vector.multi_reduction <minsi>, %select_n3A, %reduce_min3A [1] : vector<1000x8xi32> to vector<1000xi32>
    %broadcast_in_dim3A_65 = vector.shape_cast %reduce_min3A_64 : vector<1000xi32> to vector<1000x1xi32>
    %broadcast_in_dim3A_66 = arith.constant 0.000000e+00 : f32
    %broadcast_in_dim3A_67 = vector.broadcast %broadcast_in_dim3A_66 : f32 to vector<1000x128xf32>
    %get3A_68 = arith.constant 0 : index
    %get3A_69 = arith.constant 0 : index
    %get3A_70 = arith.constant 0 : index
    %get3A_71 = vector.load %arg9[%get3A_68, %get3A_69, %get3A_70] : memref<6x128x128xf32, #tpu.memory_space<vmem>>, vector<1x128x128xf32>
    %get3A_72 = vector.shape_cast %get3A_71 : vector<1x128x128xf32> to vector<128x128xf32>
    %dot_general3A_73 = arith.constant dense<0.000000e+00> : vector<1000x128xf32>
    %dot_general3A_74 = tpu.matmul %max3A_40, %get3A_72, %dot_general3A_73 {dimension_numbers = #tpu.dot_dimension_numbers<[1], [0], [0], [1], [0, 0, 1, 1], [], []>, transpose_lhs_hint = false} : vector<1000x128xf32>, vector<128x128xf32>, vector<1000x128xf32> -> vector<1000x128xf32>
    %get3A_75 = arith.constant 0 : index
    %get3A_76 = arith.constant 0 : index
    %get3A_77 = arith.constant 0 : index
    %get3A_78 = vector.load %arg10[%get3A_75, %get3A_76, %get3A_77] : memref<6x1x128xf32, #tpu.memory_space<vmem>>, vector<1x1x128xf32>
    %get3A_79 = vector.shape_cast %get3A_78 : vector<1x1x128xf32> to vector<1x128xf32>
    %add3A_80 = vector.broadcast %get3A_79 : vector<1x128xf32> to vector<1000x128xf32>
    %add3A_81 = arith.addf %dot_general3A_74, %add3A_80 : vector<1000x128xf32>
    %max3A_82 = arith.constant 0.000000e+00 : f32
    %max3A_83 = vector.broadcast %max3A_82 : f32 to vector<1000x128xf32>
    %max3A_84 = arith.maximumf %add3A_81, %max3A_83 : vector<1000x128xf32>
    %get3A_85 = arith.constant 0 : index
    %get3A_86 = arith.constant 0 : index
    %get3A_87 = arith.constant 0 : index
    %get3A_88 = vector.load %arg11[%get3A_85, %get3A_86, %get3A_87] : memref<6x128x128xf32, #tpu.memory_space<vmem>>, vector<1x128x128xf32>
    %get3A_89 = vector.shape_cast %get3A_88 : vector<1x128x128xf32> to vector<128x128xf32>
    %dot_general3A_90 = arith.constant dense<0.000000e+00> : vector<1000x128xf32>
    %dot_general3A_91 = tpu.matmul %max3A_84, %get3A_89, %dot_general3A_90 {dimension_numbers = #tpu.dot_dimension_numbers<[1], [0], [0], [1], [0, 0, 1, 1], [], []>, transpose_lhs_hint = false} : vector<1000x128xf32>, vector<128x128xf32>, vector<1000x128xf32> -> vector<1000x128xf32>
    %get3A_92 = arith.constant 0 : index
    %get3A_93 = arith.constant 0 : index
    %get3A_94 = arith.constant 0 : index
    %get3A_95 = vector.load %arg12[%get3A_92, %get3A_93, %get3A_94] : memref<6x1x128xf32, #tpu.memory_space<vmem>>, vector<1x1x128xf32>
    %get3A_96 = vector.shape_cast %get3A_95 : vector<1x1x128xf32> to vector<1x128xf32>
    %add3A_97 = vector.broadcast %get3A_96 : vector<1x128xf32> to vector<1000x128xf32>
    %add3A_98 = arith.addf %dot_general3A_91, %add3A_97 : vector<1000x128xf32>
    %eq3A_99 = arith.constant 0 : i32
    %eq3A_100 = vector.broadcast %eq3A_99 : i32 to vector<1000x1xi32>
    %eq3A_101 = arith.cmpi eq, %broadcast_in_dim3A_65, %eq3A_100 : vector<1000x1xi32>
    %convert_element_type3A = arith.extui %eq3A_101 : vector<1000x1xi1> to vector<1000x1xi32>
    %convert_element_type3A_102 = arith.sitofp %convert_element_type3A : vector<1000x1xi32> to vector<1000x1xf32>
    %mul3A_103 = vector.broadcast %convert_element_type3A_102 : vector<1000x1xf32> to vector<1000x128xf32>
    %mul3A_104 = arith.mulf %mul3A_103, %add3A_98 : vector<1000x128xf32>
    %add3A_105 = arith.addf %broadcast_in_dim3A_67, %mul3A_104 : vector<1000x128xf32>
    %get3A_106 = arith.constant 1 : index
    %get3A_107 = arith.constant 0 : index
    %get3A_108 = arith.constant 0 : index
    %get3A_109 = vector.load %arg9[%get3A_106, %get3A_107, %get3A_108] : memref<6x128x128xf32, #tpu.memory_space<vmem>>, vector<1x128x128xf32>
    %get3A_110 = vector.shape_cast %get3A_109 : vector<1x128x128xf32> to vector<128x128xf32>
    %dot_general3A_111 = arith.constant dense<0.000000e+00> : vector<1000x128xf32>
    %dot_general3A_112 = tpu.matmul %max3A_40, %get3A_110, %dot_general3A_111 {dimension_numbers = #tpu.dot_dimension_numbers<[1], [0], [0], [1], [0, 0, 1, 1], [], []>, transpose_lhs_hint = false} : vector<1000x128xf32>, vector<128x128xf32>, vector<1000x128xf32> -> vector<1000x128xf32>
    %get3A_113 = arith.constant 1 : index
    %get3A_114 = arith.constant 0 : index
    %get3A_115 = arith.constant 0 : index
    %get3A_116 = vector.load %arg10[%get3A_113, %get3A_114, %get3A_115] : memref<6x1x128xf32, #tpu.memory_space<vmem>>, vector<1x1x128xf32>
    %get3A_117 = vector.shape_cast %get3A_116 : vector<1x1x128xf32> to vector<1x128xf32>
    %add3A_118 = vector.broadcast %get3A_117 : vector<1x128xf32> to vector<1000x128xf32>
    %add3A_119 = arith.addf %dot_general3A_112, %add3A_118 : vector<1000x128xf32>
    %max3A_120 = arith.constant 0.000000e+00 : f32
    %max3A_121 = vector.broadcast %max3A_120 : f32 to vector<1000x128xf32>
    %max3A_122 = arith.maximumf %add3A_119, %max3A_121 : vector<1000x128xf32>
    %get3A_123 = arith.constant 1 : index
    %get3A_124 = arith.constant 0 : index
    %get3A_125 = arith.constant 0 : index
    %get3A_126 = vector.load %arg11[%get3A_123, %get3A_124, %get3A_125] : memref<6x128x128xf32, #tpu.memory_space<vmem>>, vector<1x128x128xf32>
    %get3A_127 = vector.shape_cast %get3A_126 : vector<1x128x128xf32> to vector<128x128xf32>
    %dot_general3A_128 = arith.constant dense<0.000000e+00> : vector<1000x128xf32>
    %dot_general3A_129 = tpu.matmul %max3A_122, %get3A_127, %dot_general3A_128 {dimension_numbers = #tpu.dot_dimension_numbers<[1], [0], [0], [1], [0, 0, 1, 1], [], []>, transpose_lhs_hint = false} : vector<1000x128xf32>, vector<128x128xf32>, vector<1000x128xf32> -> vector<1000x128xf32>
    %get3A_130 = arith.constant 1 : index
    %get3A_131 = arith.constant 0 : index
    %get3A_132 = arith.constant 0 : index
    %get3A_133 = vector.load %arg12[%get3A_130, %get3A_131, %get3A_132] : memref<6x1x128xf32, #tpu.memory_space<vmem>>, vector<1x1x128xf32>
    %get3A_134 = vector.shape_cast %get3A_133 : vector<1x1x128xf32> to vector<1x128xf32>
    %add3A_135 = vector.broadcast %get3A_134 : vector<1x128xf32> to vector<1000x128xf32>
    %add3A_136 = arith.addf %dot_general3A_129, %add3A_135 : vector<1000x128xf32>
    %eq3A_137 = arith.constant 1 : i32
    %eq3A_138 = vector.broadcast %eq3A_137 : i32 to vector<1000x1xi32>
    %eq3A_139 = arith.cmpi eq, %broadcast_in_dim3A_65, %eq3A_138 : vector<1000x1xi32>
    %convert_element_type3A_140 = arith.extui %eq3A_139 : vector<1000x1xi1> to vector<1000x1xi32>
    %convert_element_type3A_141 = arith.sitofp %convert_element_type3A_140 : vector<1000x1xi32> to vector<1000x1xf32>
    %mul3A_142 = vector.broadcast %convert_element_type3A_141 : vector<1000x1xf32> to vector<1000x128xf32>
    %mul3A_143 = arith.mulf %mul3A_142, %add3A_136 : vector<1000x128xf32>
    %add3A_144 = arith.addf %add3A_105, %mul3A_143 : vector<1000x128xf32>
    %get3A_145 = arith.constant 2 : index
    %get3A_146 = arith.constant 0 : index
    %get3A_147 = arith.constant 0 : index
    %get3A_148 = vector.load %arg9[%get3A_145, %get3A_146, %get3A_147] : memref<6x128x128xf32, #tpu.memory_space<vmem>>, vector<1x128x128xf32>
    %get3A_149 = vector.shape_cast %get3A_148 : vector<1x128x128xf32> to vector<128x128xf32>
    %dot_general3A_150 = arith.constant dense<0.000000e+00> : vector<1000x128xf32>
    %dot_general3A_151 = tpu.matmul %max3A_40, %get3A_149, %dot_general3A_150 {dimension_numbers = #tpu.dot_dimension_numbers<[1], [0], [0], [1], [0, 0, 1, 1], [], []>, transpose_lhs_hint = false} : vector<1000x128xf32>, vector<128x128xf32>, vector<1000x128xf32> -> vector<1000x128xf32>
    %get3A_152 = arith.constant 2 : index
    %get3A_153 = arith.constant 0 : index
    %get3A_154 = arith.constant 0 : index
    %get3A_155 = vector.load %arg10[%get3A_152, %get3A_153, %get3A_154] : memref<6x1x128xf32, #tpu.memory_space<vmem>>, vector<1x1x128xf32>
    %get3A_156 = vector.shape_cast %get3A_155 : vector<1x1x128xf32> to vector<1x128xf32>
    %add3A_157 = vector.broadcast %get3A_156 : vector<1x128xf32> to vector<1000x128xf32>
    %add3A_158 = arith.addf %dot_general3A_151, %add3A_157 : vector<1000x128xf32>
    %max3A_159 = arith.constant 0.000000e+00 : f32
    %max3A_160 = vector.broadcast %max3A_159 : f32 to vector<1000x128xf32>
    %max3A_161 = arith.maximumf %add3A_158, %max3A_160 : vector<1000x128xf32>
    %get3A_162 = arith.constant 2 : index
    %get3A_163 = arith.constant 0 : index
    %get3A_164 = arith.constant 0 : index
    %get3A_165 = vector.load %arg11[%get3A_162, %get3A_163, %get3A_164] : memref<6x128x128xf32, #tpu.memory_space<vmem>>, vector<1x128x128xf32>
    %get3A_166 = vector.shape_cast %get3A_165 : vector<1x128x128xf32> to vector<128x128xf32>
    %dot_general3A_167 = arith.constant dense<0.000000e+00> : vector<1000x128xf32>
    %dot_general3A_168 = tpu.matmul %max3A_161, %get3A_166, %dot_general3A_167 {dimension_numbers = #tpu.dot_dimension_numbers<[1], [0], [0], [1], [0, 0, 1, 1], [], []>, transpose_lhs_hint = false} : vector<1000x128xf32>, vector<128x128xf32>, vector<1000x128xf32> -> vector<1000x128xf32>
    %get3A_169 = arith.constant 2 : index
    %get3A_170 = arith.constant 0 : index
    %get3A_171 = arith.constant 0 : index
    %get3A_172 = vector.load %arg12[%get3A_169, %get3A_170, %get3A_171] : memref<6x1x128xf32, #tpu.memory_space<vmem>>, vector<1x1x128xf32>
    %get3A_173 = vector.shape_cast %get3A_172 : vector<1x1x128xf32> to vector<1x128xf32>
    %add3A_174 = vector.broadcast %get3A_173 : vector<1x128xf32> to vector<1000x128xf32>
    %add3A_175 = arith.addf %dot_general3A_168, %add3A_174 : vector<1000x128xf32>
    %eq3A_176 = arith.constant 2 : i32
    %eq3A_177 = vector.broadcast %eq3A_176 : i32 to vector<1000x1xi32>
    %eq3A_178 = arith.cmpi eq, %broadcast_in_dim3A_65, %eq3A_177 : vector<1000x1xi32>
    %convert_element_type3A_179 = arith.extui %eq3A_178 : vector<1000x1xi1> to vector<1000x1xi32>
    %convert_element_type3A_180 = arith.sitofp %convert_element_type3A_179 : vector<1000x1xi32> to vector<1000x1xf32>
    %mul3A_181 = vector.broadcast %convert_element_type3A_180 : vector<1000x1xf32> to vector<1000x128xf32>
    %mul3A_182 = arith.mulf %mul3A_181, %add3A_175 : vector<1000x128xf32>
    %add3A_183 = arith.addf %add3A_144, %mul3A_182 : vector<1000x128xf32>
    %get3A_184 = arith.constant 3 : index
    %get3A_185 = arith.constant 0 : index
    %get3A_186 = arith.constant 0 : index
    %get3A_187 = vector.load %arg9[%get3A_184, %get3A_185, %get3A_186] : memref<6x128x128xf32, #tpu.memory_space<vmem>>, vector<1x128x128xf32>
    %get3A_188 = vector.shape_cast %get3A_187 : vector<1x128x128xf32> to vector<128x128xf32>
    %dot_general3A_189 = arith.constant dense<0.000000e+00> : vector<1000x128xf32>
    %dot_general3A_190 = tpu.matmul %max3A_40, %get3A_188, %dot_general3A_189 {dimension_numbers = #tpu.dot_dimension_numbers<[1], [0], [0], [1], [0, 0, 1, 1], [], []>, transpose_lhs_hint = false} : vector<1000x128xf32>, vector<128x128xf32>, vector<1000x128xf32> -> vector<1000x128xf32>
    %get3A_191 = arith.constant 3 : index
    %get3A_192 = arith.constant 0 : index
    %get3A_193 = arith.constant 0 : index
    %get3A_194 = vector.load %arg10[%get3A_191, %get3A_192, %get3A_193] : memref<6x1x128xf32, #tpu.memory_space<vmem>>, vector<1x1x128xf32>
    %get3A_195 = vector.shape_cast %get3A_194 : vector<1x1x128xf32> to vector<1x128xf32>
    %add3A_196 = vector.broadcast %get3A_195 : vector<1x128xf32> to vector<1000x128xf32>
    %add3A_197 = arith.addf %dot_general3A_190, %add3A_196 : vector<1000x128xf32>
    %max3A_198 = arith.constant 0.000000e+00 : f32
    %max3A_199 = vector.broadcast %max3A_198 : f32 to vector<1000x128xf32>
    %max3A_200 = arith.maximumf %add3A_197, %max3A_199 : vector<1000x128xf32>
    %get3A_201 = arith.constant 3 : index
    %get3A_202 = arith.constant 0 : index
    %get3A_203 = arith.constant 0 : index
    %get3A_204 = vector.load %arg11[%get3A_201, %get3A_202, %get3A_203] : memref<6x128x128xf32, #tpu.memory_space<vmem>>, vector<1x128x128xf32>
    %get3A_205 = vector.shape_cast %get3A_204 : vector<1x128x128xf32> to vector<128x128xf32>
    %dot_general3A_206 = arith.constant dense<0.000000e+00> : vector<1000x128xf32>
    %dot_general3A_207 = tpu.matmul %max3A_200, %get3A_205, %dot_general3A_206 {dimension_numbers = #tpu.dot_dimension_numbers<[1], [0], [0], [1], [0, 0, 1, 1], [], []>, transpose_lhs_hint = false} : vector<1000x128xf32>, vector<128x128xf32>, vector<1000x128xf32> -> vector<1000x128xf32>
    %get3A_208 = arith.constant 3 : index
    %get3A_209 = arith.constant 0 : index
    %get3A_210 = arith.constant 0 : index
    %get3A_211 = vector.load %arg12[%get3A_208, %get3A_209, %get3A_210] : memref<6x1x128xf32, #tpu.memory_space<vmem>>, vector<1x1x128xf32>
    %get3A_212 = vector.shape_cast %get3A_211 : vector<1x1x128xf32> to vector<1x128xf32>
    %add3A_213 = vector.broadcast %get3A_212 : vector<1x128xf32> to vector<1000x128xf32>
    %add3A_214 = arith.addf %dot_general3A_207, %add3A_213 : vector<1000x128xf32>
    %eq3A_215 = arith.constant 3 : i32
    %eq3A_216 = vector.broadcast %eq3A_215 : i32 to vector<1000x1xi32>
    %eq3A_217 = arith.cmpi eq, %broadcast_in_dim3A_65, %eq3A_216 : vector<1000x1xi32>
    %convert_element_type3A_218 = arith.extui %eq3A_217 : vector<1000x1xi1> to vector<1000x1xi32>
    %convert_element_type3A_219 = arith.sitofp %convert_element_type3A_218 : vector<1000x1xi32> to vector<1000x1xf32>
    %mul3A_220 = vector.broadcast %convert_element_type3A_219 : vector<1000x1xf32> to vector<1000x128xf32>
    %mul3A_221 = arith.mulf %mul3A_220, %add3A_214 : vector<1000x128xf32>
    %add3A_222 = arith.addf %add3A_183, %mul3A_221 : vector<1000x128xf32>
    %get3A_223 = arith.constant 4 : index
    %get3A_224 = arith.constant 0 : index
    %get3A_225 = arith.constant 0 : index
    %get3A_226 = vector.load %arg9[%get3A_223, %get3A_224, %get3A_225] : memref<6x128x128xf32, #tpu.memory_space<vmem>>, vector<1x128x128xf32>
    %get3A_227 = vector.shape_cast %get3A_226 : vector<1x128x128xf32> to vector<128x128xf32>
    %dot_general3A_228 = arith.constant dense<0.000000e+00> : vector<1000x128xf32>
    %dot_general3A_229 = tpu.matmul %max3A_40, %get3A_227, %dot_general3A_228 {dimension_numbers = #tpu.dot_dimension_numbers<[1], [0], [0], [1], [0, 0, 1, 1], [], []>, transpose_lhs_hint = false} : vector<1000x128xf32>, vector<128x128xf32>, vector<1000x128xf32> -> vector<1000x128xf32>
    %get3A_230 = arith.constant 4 : index
    %get3A_231 = arith.constant 0 : index
    %get3A_232 = arith.constant 0 : index
    %get3A_233 = vector.load %arg10[%get3A_230, %get3A_231, %get3A_232] : memref<6x1x128xf32, #tpu.memory_space<vmem>>, vector<1x1x128xf32>
    %get3A_234 = vector.shape_cast %get3A_233 : vector<1x1x128xf32> to vector<1x128xf32>
    %add3A_235 = vector.broadcast %get3A_234 : vector<1x128xf32> to vector<1000x128xf32>
    %add3A_236 = arith.addf %dot_general3A_229, %add3A_235 : vector<1000x128xf32>
    %max3A_237 = arith.constant 0.000000e+00 : f32
    %max3A_238 = vector.broadcast %max3A_237 : f32 to vector<1000x128xf32>
    %max3A_239 = arith.maximumf %add3A_236, %max3A_238 : vector<1000x128xf32>
    %get3A_240 = arith.constant 4 : index
    %get3A_241 = arith.constant 0 : index
    %get3A_242 = arith.constant 0 : index
    %get3A_243 = vector.load %arg11[%get3A_240, %get3A_241, %get3A_242] : memref<6x128x128xf32, #tpu.memory_space<vmem>>, vector<1x128x128xf32>
    %get3A_244 = vector.shape_cast %get3A_243 : vector<1x128x128xf32> to vector<128x128xf32>
    %dot_general3A_245 = arith.constant dense<0.000000e+00> : vector<1000x128xf32>
    %dot_general3A_246 = tpu.matmul %max3A_239, %get3A_244, %dot_general3A_245 {dimension_numbers = #tpu.dot_dimension_numbers<[1], [0], [0], [1], [0, 0, 1, 1], [], []>, transpose_lhs_hint = false} : vector<1000x128xf32>, vector<128x128xf32>, vector<1000x128xf32> -> vector<1000x128xf32>
    %get3A_247 = arith.constant 4 : index
    %get3A_248 = arith.constant 0 : index
    %get3A_249 = arith.constant 0 : index
    %get3A_250 = vector.load %arg12[%get3A_247, %get3A_248, %get3A_249] : memref<6x1x128xf32, #tpu.memory_space<vmem>>, vector<1x1x128xf32>
    %get3A_251 = vector.shape_cast %get3A_250 : vector<1x1x128xf32> to vector<1x128xf32>
    %add3A_252 = vector.broadcast %get3A_251 : vector<1x128xf32> to vector<1000x128xf32>
    %add3A_253 = arith.addf %dot_general3A_246, %add3A_252 : vector<1000x128xf32>
    %eq3A_254 = arith.constant 4 : i32
    %eq3A_255 = vector.broadcast %eq3A_254 : i32 to vector<1000x1xi32>
    %eq3A_256 = arith.cmpi eq, %broadcast_in_dim3A_65, %eq3A_255 : vector<1000x1xi32>
    %convert_element_type3A_257 = arith.extui %eq3A_256 : vector<1000x1xi1> to vector<1000x1xi32>
    %convert_element_type3A_258 = arith.sitofp %convert_element_type3A_257 : vector<1000x1xi32> to vector<1000x1xf32>
    %mul3A_259 = vector.broadcast %convert_element_type3A_258 : vector<1000x1xf32> to vector<1000x128xf32>
    %mul3A_260 = arith.mulf %mul3A_259, %add3A_253 : vector<1000x128xf32>
    %add3A_261 = arith.addf %add3A_222, %mul3A_260 : vector<1000x128xf32>
    %get3A_262 = arith.constant 5 : index
    %get3A_263 = arith.constant 0 : index
    %get3A_264 = arith.constant 0 : index
    %get3A_265 = vector.load %arg9[%get3A_262, %get3A_263, %get3A_264] : memref<6x128x128xf32, #tpu.memory_space<vmem>>, vector<1x128x128xf32>
    %get3A_266 = vector.shape_cast %get3A_265 : vector<1x128x128xf32> to vector<128x128xf32>
    %dot_general3A_267 = arith.constant dense<0.000000e+00> : vector<1000x128xf32>
    %dot_general3A_268 = tpu.matmul %max3A_40, %get3A_266, %dot_general3A_267 {dimension_numbers = #tpu.dot_dimension_numbers<[1], [0], [0], [1], [0, 0, 1, 1], [], []>, transpose_lhs_hint = false} : vector<1000x128xf32>, vector<128x128xf32>, vector<1000x128xf32> -> vector<1000x128xf32>
    %get3A_269 = arith.constant 5 : index
    %get3A_270 = arith.constant 0 : index
    %get3A_271 = arith.constant 0 : index
    %get3A_272 = vector.load %arg10[%get3A_269, %get3A_270, %get3A_271] : memref<6x1x128xf32, #tpu.memory_space<vmem>>, vector<1x1x128xf32>
    %get3A_273 = vector.shape_cast %get3A_272 : vector<1x1x128xf32> to vector<1x128xf32>
    %add3A_274 = vector.broadcast %get3A_273 : vector<1x128xf32> to vector<1000x128xf32>
    %add3A_275 = arith.addf %dot_general3A_268, %add3A_274 : vector<1000x128xf32>
    %max3A_276 = arith.constant 0.000000e+00 : f32
    %max3A_277 = vector.broadcast %max3A_276 : f32 to vector<1000x128xf32>
    %max3A_278 = arith.maximumf %add3A_275, %max3A_277 : vector<1000x128xf32>
    %get3A_279 = arith.constant 5 : index
    %get3A_280 = arith.constant 0 : index
    %get3A_281 = arith.constant 0 : index
    %get3A_282 = vector.load %arg11[%get3A_279, %get3A_280, %get3A_281] : memref<6x128x128xf32, #tpu.memory_space<vmem>>, vector<1x128x128xf32>
    %get3A_283 = vector.shape_cast %get3A_282 : vector<1x128x128xf32> to vector<128x128xf32>
    %dot_general3A_284 = arith.constant dense<0.000000e+00> : vector<1000x128xf32>
    %dot_general3A_285 = tpu.matmul %max3A_278, %get3A_283, %dot_general3A_284 {dimension_numbers = #tpu.dot_dimension_numbers<[1], [0], [0], [1], [0, 0, 1, 1], [], []>, transpose_lhs_hint = false} : vector<1000x128xf32>, vector<128x128xf32>, vector<1000x128xf32> -> vector<1000x128xf32>
    %get3A_286 = arith.constant 5 : index
    %get3A_287 = arith.constant 0 : index
    %get3A_288 = arith.constant 0 : index
    %get3A_289 = vector.load %arg12[%get3A_286, %get3A_287, %get3A_288] : memref<6x1x128xf32, #tpu.memory_space<vmem>>, vector<1x1x128xf32>
    %get3A_290 = vector.shape_cast %get3A_289 : vector<1x1x128xf32> to vector<1x128xf32>
    %add3A_291 = vector.broadcast %get3A_290 : vector<1x128xf32> to vector<1000x128xf32>
    %add3A_292 = arith.addf %dot_general3A_285, %add3A_291 : vector<1000x128xf32>
    %eq3A_293 = arith.constant 5 : i32
    %eq3A_294 = vector.broadcast %eq3A_293 : i32 to vector<1000x1xi32>
    %eq3A_295 = arith.cmpi eq, %broadcast_in_dim3A_65, %eq3A_294 : vector<1000x1xi32>
    %convert_element_type3A_296 = arith.extui %eq3A_295 : vector<1000x1xi1> to vector<1000x1xi32>
    %convert_element_type3A_297 = arith.sitofp %convert_element_type3A_296 : vector<1000x1xi32> to vector<1000x1xf32>
    %mul3A_298 = vector.broadcast %convert_element_type3A_297 : vector<1000x1xf32> to vector<1000x128xf32>
    %mul3A_299 = arith.mulf %mul3A_298, %add3A_292 : vector<1000x128xf32>
    %add3A_300 = arith.addf %add3A_261, %mul3A_299 : vector<1000x128xf32>
    %mul3A_301 = vector.broadcast %div3A_61 : vector<1000x1xf32> to vector<1000x128xf32>
    %mul3A_302 = arith.mulf %mul3A_301, %add3A_300 : vector<1000x128xf32>
    %add3A_303 = arith.addf %get3A_1, %mul3A_302 : vector<1000x128xf32>
    %swap3A = arith.constant 0 : index
    %swap3A_304 = arith.constant 0 : index
    %swap3A_305 = vector.load %arg15[%swap3A, %swap3A_304] : memref<1000x128xf32, #tpu.memory_space<vmem>>, vector<1000x128xf32>
    tpu.vector_store %arg15[%swap3A, %swap3A_304], %add3A_303 {strides = array<i32>} : memref<1000x128xf32, #tpu.memory_space<vmem>>, vector<1000x128xf32>,
    return
  }
  func.func @transform_0(%arg0: i32) -> (i32, i32) {
    %c0_i32 = arith.constant 0 : i32
    %c0_i32_0 = arith.constant 0 : i32
    return %arg0, %c0_i32 : i32, i32
  }
  func.func @transform_1(%arg0: i32) -> (i32, i32, i32) {
    %c0_i32 = arith.constant 0 : i32
    %c0_i32_0 = arith.constant 0 : i32
    %c0_i32_1 = arith.constant 0 : i32
    return %c0_i32, %arg0, %c0_i32_0 : i32, i32, i32
  }
  func.func @transform_2(%arg0: i32) -> (i32, i32, i32) {
    %c0_i32 = arith.constant 0 : i32
    %c0_i32_0 = arith.constant 0 : i32
    %c0_i32_1 = arith.constant 0 : i32
    return %c0_i32, %arg0, %c0_i32_0 : i32, i32, i32
  }
  func.func @transform_3(%arg0: i32) -> (i32, i32) {
    %c0_i32 = arith.constant 0 : i32
    %c0_i32_0 = arith.constant 0 : i32
    %c0_i32_1 = arith.constant 0 : i32
    return %c0_i32, %c0_i32_0 : i32, i32
  }
  func.func @transform_4(%arg0: i32) -> (i32, i32) {
    %c0_i32 = arith.constant 0 : i32
    %c0_i32_0 = arith.constant 0 : i32
    %c0_i32_1 = arith.constant 0 : i32
    return %c0_i32, %c0_i32_0 : i32, i32
  }
  func.func @transform_5(%arg0: i32) -> (i32, i32) {
    %c0_i32 = arith.constant 0 : i32
    %c0_i32_0 = arith.constant 0 : i32
    %c0_i32_1 = arith.constant 0 : i32
    return %c0_i32, %c0_i32_0 : i32, i32
  }
  func.func @transform_6(%arg0: i32) -> (i32, i32) {
    %c0_i32 = arith.constant 0 : i32
    %c0_i32_0 = arith.constant 0 : i32
    %c0_i32_1 = arith.constant 0 : i32
    return %c0_i32, %c0_i32_0 : i32, i32
  }
  func.func @transform_7(%arg0: i32) -> (i32, i32) {
    %c0_i32 = arith.constant 0 : i32
    %c0_i32_0 = arith.constant 0 : i32
    %c0_i32_1 = arith.constant 0 : i32
    return %c0_i32, %c0_i32_0 : i32, i32
  }
  func.func @transform_8(%arg0: i32) -> (i32, i32, i32) {
    %c0_i32 = arith.constant 0 : i32
    %c0_i32_0 = arith.constant 0 : i32
    %c0_i32_1 = arith.constant 0 : i32
    %c0_i32_2 = arith.constant 0 : i32
    return %c0_i32, %c0_i32_0, %c0_i32_1 : i32, i32, i32
  }
  func.func @transform_9(%arg0: i32) -> (i32, i32, i32) {
    %c0_i32 = arith.constant 0 : i32
    %c0_i32_0 = arith.constant 0 : i32
    %c0_i32_1 = arith.constant 0 : i32
    %c0_i32_2 = arith.constant 0 : i32
    return %c0_i32, %c0_i32_0, %c0_i32_1 : i32, i32, i32
  }
  func.func @transform_10(%arg0: i32) -> (i32, i32, i32) {
    %c0_i32 = arith.constant 0 : i32
    %c0_i32_0 = arith.constant 0 : i32
    %c0_i32_1 = arith.constant 0 : i32
    %c0_i32_2 = arith.constant 0 : i32
    return %c0_i32, %c0_i32_0, %c0_i32_1 : i32, i32, i32
  }
  func.func @transform_11(%arg0: i32) -> (i32, i32, i32) {
    %c0_i32 = arith.constant 0 : i32
    %c0_i32_0 = arith.constant 0 : i32
    %c0_i32_1 = arith.constant 0 : i32
    %c0_i32_2 = arith.constant 0 : i32
    return %c0_i32, %c0_i32_0, %c0_i32_1 : i32, i32, i32
  }
  func.func @transform_12(%arg0: i32) -> (i32, i32) {
    %c0_i32 = arith.constant 0 : i32
    %c0_i32_0 = arith.constant 0 : i32
    %c0_i32_1 = arith.constant 0 : i32
    return %c0_i32, %c0_i32_0 : i32, i32
  }
  func.func @transform_13(%arg0: i32) -> (i32, i32) {
    %c0_i32 = arith.constant 0 : i32
    %c0_i32_0 = arith.constant 0 : i32
    %c0_i32_1 = arith.constant 0 : i32
    return %c0_i32, %c0_i32_0 : i32, i32
  }
  func.func @transform_14(%arg0: i32) -> (i32, i32) {
    %c0_i32 = arith.constant 0 : i32
    %c0_i32_0 = arith.constant 0 : i32
    return %arg0, %c0_i32 : i32, i32
  }
}

module attributes {stable_mosaic.version = 14 : i64} {
  func.func @_tc_layer_body(%arg0: i32, %arg1: memref<1000x128xf32, #tpu.memory_space<vmem>>, %arg2: memref<2x1000x128xf32, #tpu.memory_space<vmem>>, %arg3: memref<2x1000x1xf32, #tpu.memory_space<vmem>>, %arg4: memref<128x128xf32, #tpu.memory_space<vmem>>, %arg5: memref<128x128xf32, #tpu.memory_space<vmem>>, %arg6: memref<1x128xf32, #tpu.memory_space<vmem>>, %arg7: memref<128x8xf32, #tpu.memory_space<vmem>>, %arg8: memref<1x8xf32, #tpu.memory_space<vmem>>, %arg9: memref<6x128x128xf32, #tpu.memory_space<vmem>>, %arg10: memref<6x1x128xf32, #tpu.memory_space<vmem>>, %arg11: memref<6x128x128xf32, #tpu.memory_space<vmem>>, %arg12: memref<6x1x128xf32, #tpu.memory_space<vmem>>, %arg13: memref<128x128xf32, #tpu.memory_space<vmem>>, %arg14: memref<1x128xf32, #tpu.memory_space<vmem>>, %arg15: memref<1000x128xf32, #tpu.memory_space<vmem>>) attributes {dimension_semantics = [#tpu.dimension_semantics<arbitrary>], iteration_bounds = array<i64: 10>, scalar_prefetch = 0 : i64, scratch_operands = 0 : i64, tpu.core_type = #tpu.core_type<tc>, window_params = [{transform_indices = @transform_0, window_bounds = array<i64: 1000, 128>}, {transform_indices = @transform_1, window_bounds = array<i64: 2, 1000, 128>}, {transform_indices = @transform_2, window_bounds = array<i64: 2, 1000, 1>}, {pipeline_mode = #tpu.pipeline_mode<synchronous>, transform_indices = @transform_3, window_bounds = array<i64: 128, 128>}, {pipeline_mode = #tpu.pipeline_mode<synchronous>, transform_indices = @transform_4, window_bounds = array<i64: 128, 128>}, {pipeline_mode = #tpu.pipeline_mode<synchronous>, transform_indices = @transform_5, window_bounds = array<i64: 1, 128>}, {pipeline_mode = #tpu.pipeline_mode<synchronous>, transform_indices = @transform_6, window_bounds = array<i64: 128, 8>}, {pipeline_mode = #tpu.pipeline_mode<synchronous>, transform_indices = @transform_7, window_bounds = array<i64: 1, 8>}, {pipeline_mode = #tpu.pipeline_mode<synchronous>, transform_indices = @transform_8, window_bounds = array<i64: 6, 128, 128>}, {pipeline_mode = #tpu.pipeline_mode<synchronous>, transform_indices = @transform_9, window_bounds = array<i64: 6, 1, 128>}, {pipeline_mode = #tpu.pipeline_mode<synchronous>, transform_indices = @transform_10, window_bounds = array<i64: 6, 128, 128>}, {pipeline_mode = #tpu.pipeline_mode<synchronous>, transform_indices = @transform_11, window_bounds = array<i64: 6, 1, 128>}, {pipeline_mode = #tpu.pipeline_mode<synchronous>, transform_indices = @transform_12, window_bounds = array<i64: 128, 128>}, {pipeline_mode = #tpu.pipeline_mode<synchronous>, transform_indices = @transform_13, window_bounds = array<i64: 1, 128>}, {transform_indices = @transform_14, window_bounds = array<i64: 1000, 128>}]} {
    %get3A = arith.constant 0 : index
    %get3A_0 = arith.constant 0 : index
    %get3A_1 = vector.load %arg1[%get3A, %get3A_0] : memref<1000x128xf32, #tpu.memory_space<vmem>>, vector<1000x128xf32>
    %get3A_2 = arith.constant 0 : index
    %get3A_3 = arith.constant 0 : index
    %get3A_4 = arith.constant 0 : index
    %get3A_5 = vector.load %arg3[%get3A_2, %get3A_3, %get3A_4] : memref<2x1000x1xf32, #tpu.memory_space<vmem>>, vector<2x1000x1xf32>
    %slice3A = vector.extract_strided_slice %get3A_5 {offsets = [0, 0, 0], sizes = [1, 1000, 1], strides = [1, 1, 1]} : vector<2x1000x1xf32> to vector<1x1000x1xf32>
    %squeeze3A = vector.shape_cast %slice3A : vector<1x1000x1xf32> to vector<1000x1xf32>
    %slice3A_6 = vector.extract_strided_slice %get3A_5 {offsets = [1, 0, 0], sizes = [1, 1000, 1], strides = [1, 1, 1]} : vector<2x1000x1xf32> to vector<1x1000x1xf32>
    %squeeze3A_7 = vector.shape_cast %slice3A_6 : vector<1x1000x1xf32> to vector<1000x1xf32>
    %add3A = arith.addf %squeeze3A, %squeeze3A_7 : vector<1000x1xf32>
    %max3A = arith.constant 1.000000e+00 : f32
    %max3A_8 = vector.broadcast %max3A : f32 to vector<1000x1xf32>
    %max3A_9 = arith.maximumf %add3A, %max3A_8 : vector<1000x1xf32>
    %add3A_10 = arith.constant 1.000000e+00 : f32
    %add3A_11 = vector.broadcast %add3A_10 : f32 to vector<1000x1xf32>
    %add3A_12 = arith.addf %add3A_11, %max3A_9 : vector<1000x1xf32>
    %log3A = math.log %add3A_12 : vector<1000x1xf32>
    %get3A_13 = arith.constant 0 : index
    %get3A_14 = arith.constant 0 : index
    %get3A_15 = arith.constant 0 : index
    %get3A_16 = vector.load %arg2[%get3A_13, %get3A_14, %get3A_15] : memref<2x1000x128xf32, #tpu.memory_space<vmem>>, vector<2x1000x128xf32>
    %slice3A_17 = vector.extract_strided_slice %get3A_16 {offsets = [0, 0, 0], sizes = [1, 1000, 128], strides = [1, 1, 1]} : vector<2x1000x128xf32> to vector<1x1000x128xf32>
    %squeeze3A_18 = vector.shape_cast %slice3A_17 : vector<1x1000x128xf32> to vector<1000x128xf32>
    %slice3A_19 = vector.extract_strided_slice %get3A_16 {offsets = [1, 0, 0], sizes = [1, 1000, 128], strides = [1, 1, 1]} : vector<2x1000x128xf32> to vector<1x1000x128xf32>
    %squeeze3A_20 = vector.shape_cast %slice3A_19 : vector<1x1000x128xf32> to vector<1000x128xf32>
    %add3A_21 = arith.addf %squeeze3A_18, %squeeze3A_20 : vector<1000x128xf32>
    %div3A = vector.broadcast %max3A_9 : vector<1000x1xf32> to vector<1000x128xf32>
    %div3A_22 = arith.divf %add3A_21, %div3A : vector<1000x128xf32>
    %get3A_23 = arith.constant 0 : index
    %get3A_24 = arith.constant 0 : index
    %get3A_25 = vector.load %arg4[%get3A_23, %get3A_24] : memref<128x128xf32, #tpu.memory_space<vmem>>, vector<128x128xf32>
    %dot_general3A = arith.constant dense<0.000000e+00> : vector<1000x128xf32>
    %dot_general3A_26 = tpu.matmul %get3A_1, %get3A_25, %dot_general3A {dimension_numbers = #tpu.dot_dimension_numbers<[1], [0], [0], [1], [0, 0, 1, 1], [], []>, transpose_lhs_hint = false} : vector<1000x128xf32>, vector<128x128xf32>, vector<1000x128xf32> -> vector<1000x128xf32>
    %get3A_27 = arith.constant 0 : index
    %get3A_28 = arith.constant 0 : index
    %get3A_29 = vector.load %arg5[%get3A_27, %get3A_28] : memref<128x128xf32, #tpu.memory_space<vmem>>, vector<128x128xf32>
    %dot_general3A_30 = arith.constant dense<0.000000e+00> : vector<1000x128xf32>
    %dot_general3A_31 = tpu.matmul %div3A_22, %get3A_29, %dot_general3A_30 {dimension_numbers = #tpu.dot_dimension_numbers<[1], [0], [0], [1], [0, 0, 1, 1], [], []>, transpose_lhs_hint = false} : vector<1000x128xf32>, vector<128x128xf32>, vector<1000x128xf32> -> vector<1000x128xf32>
    %add3A_32 = arith.addf %dot_general3A_26, %dot_general3A_31 : vector<1000x128xf32>
    %get3A_33 = arith.constant 0 : index
    %get3A_34 = arith.constant 0 : index
    %get3A_35 = vector.load %arg6[%get3A_33, %get3A_34] : memref<1x128xf32, #tpu.memory_space<vmem>>, vector<1x128xf32>
    %add3A_36 = vector.broadcast %get3A_35 : vector<1x128xf32> to vector<1000x128xf32>
    %add3A_37 = arith.addf %add3A_32, %add3A_36 : vector<1000x128xf32>
    %max3A_38 = arith.constant 0.000000e+00 : f32
    %max3A_39 = vector.broadcast %max3A_38 : f32 to vector<1000x128xf32>
    %max3A_40 = arith.maximumf %add3A_37, %max3A_39 : vector<1000x128xf32>
    %get3A_41 = arith.constant 0 : index
    %get3A_42 = arith.constant 0 : index
    %get3A_43 = vector.load %arg7[%get3A_41, %get3A_42] : memref<128x8xf32, #tpu.memory_space<vmem>>, vector<128x8xf32>
    %dot_general3A_44 = arith.constant dense<0.000000e+00> : vector<1000x8xf32>
    %dot_general3A_45 = tpu.matmul %max3A_40, %get3A_43, %dot_general3A_44 {dimension_numbers = #tpu.dot_dimension_numbers<[1], [0], [0], [1], [0, 0, 1, 1], [], []>, transpose_lhs_hint = false} : vector<1000x128xf32>, vector<128x8xf32>, vector<1000x8xf32> -> vector<1000x8xf32>
    %mul3A = arith.constant 0.899999976 : f32
    %mul3A_46 = vector.broadcast %mul3A : f32 to vector<1000x1xf32>
    %mul3A_47 = arith.mulf %mul3A_46, %log3A : vector<1000x1xf32>
    %get3A_48 = arith.constant 0 : index
    %get3A_49 = arith.constant 0 : index
    %get3A_50 = vector.load %arg8[%get3A_48, %get3A_49] : memref<1x8xf32, #tpu.memory_space<vmem>>, vector<1x8xf32>
    %mul3A_51 = vector.broadcast %mul3A_47 : vector<1000x1xf32> to vector<1000x8xf32>
    %mul3A_52 = vector.broadcast %get3A_50 : vector<1x8xf32> to vector<1000x8xf32>
    %mul3A_53 = arith.mulf %mul3A_51, %mul3A_52 : vector<1000x8xf32>
    %add3A_54 = arith.addf %dot_general3A_45, %mul3A_53 : vector<1000x8xf32>
    %reduce_max3A = arith.constant dense<0xFF800000> : vector<1000xf32>
    %reduce_max3A_55 = vector.multi_reduction <maximumf>, %add3A_54, %reduce_max3A [1] : vector<1000x8xf32> to vector<1000xf32>
    %broadcast_in_dim3A = vector.shape_cast %reduce_max3A_55 : vector<1000xf32> to vector<1000x1xf32>
    %sub3A = vector.broadcast %broadcast_in_dim3A : vector<1000x1xf32> to vector<1000x8xf32>
    %sub3A_56 = arith.subf %add3A_54, %sub3A : vector<1000x8xf32>
    %exp3A = math.exp %sub3A_56 : vector<1000x8xf32>
    %reduce_sum3A = arith.constant dense<0.000000e+00> : vector<1000xf32>
    %reduce_sum3A_57 = vector.multi_reduction <add>, %exp3A, %reduce_sum3A [1] : vector<1000x8xf32> to vector<1000xf32>
    %broadcast_in_dim3A_58 = vector.shape_cast %reduce_sum3A_57 : vector<1000xf32> to vector<1000x1xf32>
    %div3A_59 = arith.constant 1.000000e+00 : f32
    %div3A_60 = vector.broadcast %div3A_59 : f32 to vector<1000x1xf32>
    %div3A_61 = arith.divf %div3A_60, %broadcast_in_dim3A_58 : vector<1000x1xf32>
    %iota3A = tpu.iota {dimensions = array<i32: 1>} : vector<1000x8xi32>
    %eq3A = vector.broadcast %broadcast_in_dim3A : vector<1000x1xf32> to vector<1000x8xf32>
    %eq3A_62 = arith.cmpf oeq, %add3A_54, %eq3A : vector<1000x8xf32>
    %jit3A = arith.constant 127 : i32
    %broadcast_in_dim3A_63 = vector.broadcast %jit3A : i32 to vector<1000x8xi32>
    %select_n3A = arith.select %eq3A_62, %iota3A, %broadcast_in_dim3A_63 : vector<1000x8xi1>, vector<1000x8xi32>
    %reduce_min3A = arith.constant dense<2147483647> : vector<1000xi32>
    %reduce_min3A_64 = vector.multi_reduction <minsi>, %select_n3A, %reduce_min3A [1] : vector<1000x8xi32> to vector<1000xi32>
    %broadcast_in_dim3A_65 = vector.shape_cast %reduce_min3A_64 : vector<1000xi32> to vector<1000x1xi32>
    %broadcast_in_dim3A_66 = arith.constant 0.000000e+00 : f32
    %broadcast_in_dim3A_67 = vector.broadcast %broadcast_in_dim3A_66 : f32 to vector<1000x128xf32>
    %get3A_68 = arith.constant 0 : index
    %get3A_69 = arith.constant 0 : index
    %get3A_70 = arith.constant 0 : index
    %get3A_71 = vector.load %arg9[%get3A_68, %get3A_69, %get3A_70] : memref<6x128x128xf32, #tpu.memory_space<vmem>>, vector<1x128x128xf32>
    %get3A_72 = vector.shape_cast %get3A_71 : vector<1x128x128xf32> to vector<128x128xf32>
    %dot_general3A_73 = arith.constant dense<0.000000e+00> : vector<1000x128xf32>
    %dot_general3A_74 = tpu.matmul %max3A_40, %get3A_72, %dot_general3A_73 {dimension_numbers = #tpu.dot_dimension_numbers<[1], [0], [0], [1], [0, 0, 1, 1], [], []>, transpose_lhs_hint = false} : vector<1000x128xf32>, vector<128x128xf32>, vector<1000x128xf32> -> vector<1000x128xf32>
    %get3A_75 = arith.constant 0 : index
    %get3A_76 = arith.constant 0 : index
    %get3A_77 = arith.constant 0 : index
    %get3A_78 = vector.load %arg10[%get3A_75, %get3A_76, %get3A_77] : memref<6x1x128xf32, #tpu.memory_space<vmem>>, vector<1x1x128xf32>
    %get3A_79 = vector.shape_cast %get3A_78 : vector<1x1x128xf32> to vector<1x128xf32>
    %add3A_80 = vector.broadcast %get3A_79 : vector<1x128xf32> to vector<1000x128xf32>
    %add3A_81 = arith.addf %dot_general3A_74, %add3A_80 : vector<1000x128xf32>
    %max3A_82 = arith.constant 0.000000e+00 : f32
    %max3A_83 = vector.broadcast %max3A_82 : f32 to vector<1000x128xf32>
    %max3A_84 = arith.maximumf %add3A_81, %max3A_83 : vector<1000x128xf32>
    %get3A_85 = arith.constant 0 : index
    %get3A_86 = arith.constant 0 : index
    %get3A_87 = arith.constant 0 : index
    %get3A_88 = vector.load %arg11[%get3A_85, %get3A_86, %get3A_87] : memref<6x128x128xf32, #tpu.memory_space<vmem>>, vector<1x128x128xf32>
    %get3A_89 = vector.shape_cast %get3A_88 : vector<1x128x128xf32> to vector<128x128xf32>
    %dot_general3A_90 = arith.constant dense<0.000000e+00> : vector<1000x128xf32>
    %dot_general3A_91 = tpu.matmul %max3A_84, %get3A_89, %dot_general3A_90 {dimension_numbers = #tpu.dot_dimension_numbers<[1], [0], [0], [1], [0, 0, 1, 1], [], []>, transpose_lhs_hint = false} : vector<1000x128xf32>, vector<128x128xf32>, vector<1000x128xf32> -> vector<1000x128xf32>
    %get3A_92 = arith.constant 0 : index
    %get3A_93 = arith.constant 0 : index
    %get3A_94 = arith.constant 0 : index
    %get3A_95 = vector.load %arg12[%get3A_92, %get3A_93, %get3A_94] : memref<6x1x128xf32, #tpu.memory_space<vmem>>, vector<1x1x128xf32>
    %get3A_96 = vector.shape_cast %get3A_95 : vector<1x1x128xf32> to vector<1x128xf32>
    %add3A_97 = vector.broadcast %get3A_96 : vector<1x128xf32> to vector<1000x128xf32>
    %add3A_98 = arith.addf %dot_general3A_91, %add3A_97 : vector<1000x128xf32>
    %eq3A_99 = arith.constant 0 : i32
    %eq3A_100 = vector.broadcast %eq3A_99 : i32 to vector<1000x1xi32>
    %eq3A_101 = arith.cmpi eq, %broadcast_in_dim3A_65, %eq3A_100 : vector<1000x1xi32>
    %convert_element_type3A = arith.extui %eq3A_101 : vector<1000x1xi1> to vector<1000x1xi32>
    %convert_element_type3A_102 = arith.sitofp %convert_element_type3A : vector<1000x1xi32> to vector<1000x1xf32>
    %mul3A_103 = vector.broadcast %convert_element_type3A_102 : vector<1000x1xf32> to vector<1000x128xf32>
    %mul3A_104 = arith.mulf %mul3A_103, %add3A_98 : vector<1000x128xf32>
    %add3A_105 = arith.addf %broadcast_in_dim3A_67, %mul3A_104 : vector<1000x128xf32>
    %get3A_106 = arith.constant 1 : index
    %get3A_107 = arith.constant 0 : index
    %get3A_108 = arith.constant 0 : index
    %get3A_109 = vector.load %arg9[%get3A_106, %get3A_107, %get3A_108] : memref<6x128x128xf32, #tpu.memory_space<vmem>>, vector<1x128x128xf32>
    %get3A_110 = vector.shape_cast %get3A_109 : vector<1x128x128xf32> to vector<128x128xf32>
    %dot_general3A_111 = arith.constant dense<0.000000e+00> : vector<1000x128xf32>
    %dot_general3A_112 = tpu.matmul %max3A_40, %get3A_110, %dot_general3A_111 {dimension_numbers = #tpu.dot_dimension_numbers<[1], [0], [0], [1], [0, 0, 1, 1], [], []>, transpose_lhs_hint = false} : vector<1000x128xf32>, vector<128x128xf32>, vector<1000x128xf32> -> vector<1000x128xf32>
    %get3A_113 = arith.constant 1 : index
    %get3A_114 = arith.constant 0 : index
    %get3A_115 = arith.constant 0 : index
    %get3A_116 = vector.load %arg10[%get3A_113, %get3A_114, %get3A_115] : memref<6x1x128xf32, #tpu.memory_space<vmem>>, vector<1x1x128xf32>
    %get3A_117 = vector.shape_cast %get3A_116 : vector<1x1x128xf32> to vector<1x128xf32>
    %add3A_118 = vector.broadcast %get3A_117 : vector<1x128xf32> to vector<1000x128xf32>
    %add3A_119 = arith.addf %dot_general3A_112, %add3A_118 : vector<1000x128xf32>
    %max3A_120 = arith.constant 0.000000e+00 : f32
    %max3A_121 = vector.broadcast %max3A_120 : f32 to vector<1000x128xf32>
    %max3A_122 = arith.maximumf %add3A_119, %max3A_121 : vector<1000x128xf32>
    %get3A_123 = arith.constant 1 : index
    %get3A_124 = arith.constant 0 : index
    %get3A_125 = arith.constant 0 : index
    %get3A_126 = vector.load %arg11[%get3A_123, %get3A_124, %get3A_125] : memref<6x128x128xf32, #tpu.memory_space<vmem>>, vector<1x128x128xf32>
    %get3A_127 = vector.shape_cast %get3A_126 : vector<1x128x128xf32> to vector<128x128xf32>
    %dot_general3A_128 = arith.constant dense<0.000000e+00> : vector<1000x128xf32>
    %dot_general3A_129 = tpu.matmul %max3A_122, %get3A_127, %dot_general3A_128 {dimension_numbers = #tpu.dot_dimension_numbers<[1], [0], [0], [1], [0, 0, 1, 1], [], []>, transpose_lhs_hint = false} : vector<1000x128xf32>, vector<128x128xf32>, vector<1000x128xf32> -> vector<1000x128xf32>
    %get3A_130 = arith.constant 1 : index
    %get3A_131 = arith.constant 0 : index
    %get3A_132 = arith.constant 0 : index
    %get3A_133 = vector.load %arg12[%get3A_130, %get3A_131, %get3A_132] : memref<6x1x128xf32, #tpu.memory_space<vmem>>, vector<1x1x128xf32>
    %get3A_134 = vector.shape_cast %get3A_133 : vector<1x1x128xf32> to vector<1x128xf32>
    %add3A_135 = vector.broadcast %get3A_134 : vector<1x128xf32> to vector<1000x128xf32>
    %add3A_136 = arith.addf %dot_general3A_129, %add3A_135 : vector<1000x128xf32>
    %eq3A_137 = arith.constant 1 : i32
    %eq3A_138 = vector.broadcast %eq3A_137 : i32 to vector<1000x1xi32>
    %eq3A_139 = arith.cmpi eq, %broadcast_in_dim3A_65, %eq3A_138 : vector<1000x1xi32>
    %convert_element_type3A_140 = arith.extui %eq3A_139 : vector<1000x1xi1> to vector<1000x1xi32>
    %convert_element_type3A_141 = arith.sitofp %convert_element_type3A_140 : vector<1000x1xi32> to vector<1000x1xf32>
    %mul3A_142 = vector.broadcast %convert_element_type3A_141 : vector<1000x1xf32> to vector<1000x128xf32>
    %mul3A_143 = arith.mulf %mul3A_142, %add3A_136 : vector<1000x128xf32>
    %add3A_144 = arith.addf %add3A_105, %mul3A_143 : vector<1000x128xf32>
    %get3A_145 = arith.constant 2 : index
    %get3A_146 = arith.constant 0 : index
    %get3A_147 = arith.constant 0 : index
    %get3A_148 = vector.load %arg9[%get3A_145, %get3A_146, %get3A_147] : memref<6x128x128xf32, #tpu.memory_space<vmem>>, vector<1x128x128xf32>
    %get3A_149 = vector.shape_cast %get3A_148 : vector<1x128x128xf32> to vector<128x128xf32>
    %dot_general3A_150 = arith.constant dense<0.000000e+00> : vector<1000x128xf32>
    %dot_general3A_151 = tpu.matmul %max3A_40, %get3A_149, %dot_general3A_150 {dimension_numbers = #tpu.dot_dimension_numbers<[1], [0], [0], [1], [0, 0, 1, 1], [], []>, transpose_lhs_hint = false} : vector<1000x128xf32>, vector<128x128xf32>, vector<1000x128xf32> -> vector<1000x128xf32>
    %get3A_152 = arith.constant 2 : index
    %get3A_153 = arith.constant 0 : index
    %get3A_154 = arith.constant 0 : index
    %get3A_155 = vector.load %arg10[%get3A_152, %get3A_153, %get3A_154] : memref<6x1x128xf32, #tpu.memory_space<vmem>>, vector<1x1x128xf32>
    %get3A_156 = vector.shape_cast %get3A_155 : vector<1x1x128xf32> to vector<1x128xf32>
    %add3A_157 = vector.broadcast %get3A_156 : vector<1x128xf32> to vector<1000x128xf32>
    %add3A_158 = arith.addf %dot_general3A_151, %add3A_157 : vector<1000x128xf32>
    %max3A_159 = arith.constant 0.000000e+00 : f32
    %max3A_160 = vector.broadcast %max3A_159 : f32 to vector<1000x128xf32>
    %max3A_161 = arith.maximumf %add3A_158, %max3A_160 : vector<1000x128xf32>
    %get3A_162 = arith.constant 2 : index
    %get3A_163 = arith.constant 0 : index
    %get3A_164 = arith.constant 0 : index
    %get3A_165 = vector.load %arg11[%get3A_162, %get3A_163, %get3A_164] : memref<6x128x128xf32, #tpu.memory_space<vmem>>, vector<1x128x128xf32>
    %get3A_166 = vector.shape_cast %get3A_165 : vector<1x128x128xf32> to vector<128x128xf32>
    %dot_general3A_167 = arith.constant dense<0.000000e+00> : vector<1000x128xf32>
    %dot_general3A_168 = tpu.matmul %max3A_161, %get3A_166, %dot_general3A_167 {dimension_numbers = #tpu.dot_dimension_numbers<[1], [0], [0], [1], [0, 0, 1, 1], [], []>, transpose_lhs_hint = false} : vector<1000x128xf32>, vector<128x128xf32>, vector<1000x128xf32> -> vector<1000x128xf32>
    %get3A_169 = arith.constant 2 : index
    %get3A_170 = arith.constant 0 : index
    %get3A_171 = arith.constant 0 : index
    %get3A_172 = vector.load %arg12[%get3A_169, %get3A_170, %get3A_171] : memref<6x1x128xf32, #tpu.memory_space<vmem>>, vector<1x1x128xf32>
    %get3A_173 = vector.shape_cast %get3A_172 : vector<1x1x128xf32> to vector<1x128xf32>
    %add3A_174 = vector.broadcast %get3A_173 : vector<1x128xf32> to vector<1000x128xf32>
    %add3A_175 = arith.addf %dot_general3A_168, %add3A_174 : vector<1000x128xf32>
    %eq3A_176 = arith.constant 2 : i32
    %eq3A_177 = vector.broadcast %eq3A_176 : i32 to vector<1000x1xi32>
    %eq3A_178 = arith.cmpi eq, %broadcast_in_dim3A_65, %eq3A_177 : vector<1000x1xi32>
    %convert_element_type3A_179 = arith.extui %eq3A_178 : vector<1000x1xi1> to vector<1000x1xi32>
    %convert_element_type3A_180 = arith.sitofp %convert_element_type3A_179 : vector<1000x1xi32> to vector<1000x1xf32>
    %mul3A_181 = vector.broadcast %convert_element_type3A_180 : vector<1000x1xf32> to vector<1000x128xf32>
    %mul3A_182 = arith.mulf %mul3A_181, %add3A_175 : vector<1000x128xf32>
    %add3A_183 = arith.addf %add3A_144, %mul3A_182 : vector<1000x128xf32>
    %get3A_184 = arith.constant 3 : index
    %get3A_185 = arith.constant 0 : index
    %get3A_186 = arith.constant 0 : index
    %get3A_187 = vector.load %arg9[%get3A_184, %get3A_185, %get3A_186] : memref<6x128x128xf32, #tpu.memory_space<vmem>>, vector<1x128x128xf32>
    %get3A_188 = vector.shape_cast %get3A_187 : vector<1x128x128xf32> to vector<128x128xf32>
    %dot_general3A_189 = arith.constant dense<0.000000e+00> : vector<1000x128xf32>
    %dot_general3A_190 = tpu.matmul %max3A_40, %get3A_188, %dot_general3A_189 {dimension_numbers = #tpu.dot_dimension_numbers<[1], [0], [0], [1], [0, 0, 1, 1], [], []>, transpose_lhs_hint = false} : vector<1000x128xf32>, vector<128x128xf32>, vector<1000x128xf32> -> vector<1000x128xf32>
    %get3A_191 = arith.constant 3 : index
    %get3A_192 = arith.constant 0 : index
    %get3A_193 = arith.constant 0 : index
    %get3A_194 = vector.load %arg10[%get3A_191, %get3A_192, %get3A_193] : memref<6x1x128xf32, #tpu.memory_space<vmem>>, vector<1x1x128xf32>
    %get3A_195 = vector.shape_cast %get3A_194 : vector<1x1x128xf32> to vector<1x128xf32>
    %add3A_196 = vector.broadcast %get3A_195 : vector<1x128xf32> to vector<1000x128xf32>
    %add3A_197 = arith.addf %dot_general3A_190, %add3A_196 : vector<1000x128xf32>
    %max3A_198 = arith.constant 0.000000e+00 : f32
    %max3A_199 = vector.broadcast %max3A_198 : f32 to vector<1000x128xf32>
    %max3A_200 = arith.maximumf %add3A_197, %max3A_199 : vector<1000x128xf32>
    %get3A_201 = arith.constant 3 : index
    %get3A_202 = arith.constant 0 : index
    %get3A_203 = arith.constant 0 : index
    %get3A_204 = vector.load %arg11[%get3A_201, %get3A_202, %get3A_203] : memref<6x128x128xf32, #tpu.memory_space<vmem>>, vector<1x128x128xf32>
    %get3A_205 = vector.shape_cast %get3A_204 : vector<1x128x128xf32> to vector<128x128xf32>
    %dot_general3A_206 = arith.constant dense<0.000000e+00> : vector<1000x128xf32>
    %dot_general3A_207 = tpu.matmul %max3A_200, %get3A_205, %dot_general3A_206 {dimension_numbers = #tpu.dot_dimension_numbers<[1], [0], [0], [1], [0, 0, 1, 1], [], []>, transpose_lhs_hint = false} : vector<1000x128xf32>, vector<128x128xf32>, vector<1000x128xf32> -> vector<1000x128xf32>
    %get3A_208 = arith.constant 3 : index
    %get3A_209 = arith.constant 0 : index
    %get3A_210 = arith.constant 0 : index
    %get3A_211 = vector.load %arg12[%get3A_208, %get3A_209, %get3A_210] : memref<6x1x128xf32, #tpu.memory_space<vmem>>, vector<1x1x128xf32>
    %get3A_212 = vector.shape_cast %get3A_211 : vector<1x1x128xf32> to vector<1x128xf32>
    %add3A_213 = vector.broadcast %get3A_212 : vector<1x128xf32> to vector<1000x128xf32>
    %add3A_214 = arith.addf %dot_general3A_207, %add3A_213 : vector<1000x128xf32>
    %eq3A_215 = arith.constant 3 : i32
    %eq3A_216 = vector.broadcast %eq3A_215 : i32 to vector<1000x1xi32>
    %eq3A_217 = arith.cmpi eq, %broadcast_in_dim3A_65, %eq3A_216 : vector<1000x1xi32>
    %convert_element_type3A_218 = arith.extui %eq3A_217 : vector<1000x1xi1> to vector<1000x1xi32>
    %convert_element_type3A_219 = arith.sitofp %convert_element_type3A_218 : vector<1000x1xi32> to vector<1000x1xf32>
    %mul3A_220 = vector.broadcast %convert_element_type3A_219 : vector<1000x1xf32> to vector<1000x128xf32>
    %mul3A_221 = arith.mulf %mul3A_220, %add3A_214 : vector<1000x128xf32>
    %add3A_222 = arith.addf %add3A_183, %mul3A_221 : vector<1000x128xf32>
    %get3A_223 = arith.constant 4 : index
    %get3A_224 = arith.constant 0 : index
    %get3A_225 = arith.constant 0 : index
    %get3A_226 = vector.load %arg9[%get3A_223, %get3A_224, %get3A_225] : memref<6x128x128xf32, #tpu.memory_space<vmem>>, vector<1x128x128xf32>
    %get3A_227 = vector.shape_cast %get3A_226 : vector<1x128x128xf32> to vector<128x128xf32>
    %dot_general3A_228 = arith.constant dense<0.000000e+00> : vector<1000x128xf32>
    %dot_general3A_229 = tpu.matmul %max3A_40, %get3A_227, %dot_general3A_228 {dimension_numbers = #tpu.dot_dimension_numbers<[1], [0], [0], [1], [0, 0, 1, 1], [], []>, transpose_lhs_hint = false} : vector<1000x128xf32>, vector<128x128xf32>, vector<1000x128xf32> -> vector<1000x128xf32>
    %get3A_230 = arith.constant 4 : index
    %get3A_231 = arith.constant 0 : index
    %get3A_232 = arith.constant 0 : index
    %get3A_233 = vector.load %arg10[%get3A_230, %get3A_231, %get3A_232] : memref<6x1x128xf32, #tpu.memory_space<vmem>>, vector<1x1x128xf32>
    %get3A_234 = vector.shape_cast %get3A_233 : vector<1x1x128xf32> to vector<1x128xf32>
    %add3A_235 = vector.broadcast %get3A_234 : vector<1x128xf32> to vector<1000x128xf32>
    %add3A_236 = arith.addf %dot_general3A_229, %add3A_235 : vector<1000x128xf32>
    %max3A_237 = arith.constant 0.000000e+00 : f32
    %max3A_238 = vector.broadcast %max3A_237 : f32 to vector<1000x128xf32>
    %max3A_239 = arith.maximumf %add3A_236, %max3A_238 : vector<1000x128xf32>
    %get3A_240 = arith.constant 4 : index
    %get3A_241 = arith.constant 0 : index
    %get3A_242 = arith.constant 0 : index
    %get3A_243 = vector.load %arg11[%get3A_240, %get3A_241, %get3A_242] : memref<6x128x128xf32, #tpu.memory_space<vmem>>, vector<1x128x128xf32>
    %get3A_244 = vector.shape_cast %get3A_243 : vector<1x128x128xf32> to vector<128x128xf32>
    %dot_general3A_245 = arith.constant dense<0.000000e+00> : vector<1000x128xf32>
    %dot_general3A_246 = tpu.matmul %max3A_239, %get3A_244, %dot_general3A_245 {dimension_numbers = #tpu.dot_dimension_numbers<[1], [0], [0], [1], [0, 0, 1, 1], [], []>, transpose_lhs_hint = false} : vector<1000x128xf32>, vector<128x128xf32>, vector<1000x128xf32> -> vector<1000x128xf32>
    %get3A_247 = arith.constant 4 : index
    %get3A_248 = arith.constant 0 : index
    %get3A_249 = arith.constant 0 : index
    %get3A_250 = vector.load %arg12[%get3A_247, %get3A_248, %get3A_249] : memref<6x1x128xf32, #tpu.memory_space<vmem>>, vector<1x1x128xf32>
    %get3A_251 = vector.shape_cast %get3A_250 : vector<1x1x128xf32> to vector<1x128xf32>
    %add3A_252 = vector.broadcast %get3A_251 : vector<1x128xf32> to vector<1000x128xf32>
    %add3A_253 = arith.addf %dot_general3A_246, %add3A_252 : vector<1000x128xf32>
    %eq3A_254 = arith.constant 4 : i32
    %eq3A_255 = vector.broadcast %eq3A_254 : i32 to vector<1000x1xi32>
    %eq3A_256 = arith.cmpi eq, %broadcast_in_dim3A_65, %eq3A_255 : vector<1000x1xi32>
    %convert_element_type3A_257 = arith.extui %eq3A_256 : vector<1000x1xi1> to vector<1000x1xi32>
    %convert_element_type3A_258 = arith.sitofp %convert_element_type3A_257 : vector<1000x1xi32> to vector<1000x1xf32>
    %mul3A_259 = vector.broadcast %convert_element_type3A_258 : vector<1000x1xf32> to vector<1000x128xf32>
    %mul3A_260 = arith.mulf %mul3A_259, %add3A_253 : vector<1000x128xf32>
    %add3A_261 = arith.addf %add3A_222, %mul3A_260 : vector<1000x128xf32>
    %get3A_262 = arith.constant 5 : index
    %get3A_263 = arith.constant 0 : index
    %get3A_264 = arith.constant 0 : index
    %get3A_265 = vector.load %arg9[%get3A_262, %get3A_263, %get3A_264] : memref<6x128x128xf32, #tpu.memory_space<vmem>>, vector<1x128x128xf32>
    %get3A_266 = vector.shape_cast %get3A_265 : vector<1x128x128xf32> to vector<128x128xf32>
    %dot_general3A_267 = arith.constant dense<0.000000e+00> : vector<1000x128xf32>
    %dot_general3A_268 = tpu.matmul %max3A_40, %get3A_266, %dot_general3A_267 {dimension_numbers = #tpu.dot_dimension_numbers<[1], [0], [0], [1], [0, 0, 1, 1], [], []>, transpose_lhs_hint = false} : vector<1000x128xf32>, vector<128x128xf32>, vector<1000x128xf32> -> vector<1000x128xf32>
    %get3A_269 = arith.constant 5 : index
    %get3A_270 = arith.constant 0 : index
    %get3A_271 = arith.constant 0 : index
    %get3A_272 = vector.load %arg10[%get3A_269, %get3A_270, %get3A_271] : memref<6x1x128xf32, #tpu.memory_space<vmem>>, vector<1x1x128xf32>
    %get3A_273 = vector.shape_cast %get3A_272 : vector<1x1x128xf32> to vector<1x128xf32>
    %add3A_274 = vector.broadcast %get3A_273 : vector<1x128xf32> to vector<1000x128xf32>
    %add3A_275 = arith.addf %dot_general3A_268, %add3A_274 : vector<1000x128xf32>
    %max3A_276 = arith.constant 0.000000e+00 : f32
    %max3A_277 = vector.broadcast %max3A_276 : f32 to vector<1000x128xf32>
    %max3A_278 = arith.maximumf %add3A_275, %max3A_277 : vector<1000x128xf32>
    %get3A_279 = arith.constant 5 : index
    %get3A_280 = arith.constant 0 : index
    %get3A_281 = arith.constant 0 : index
    %get3A_282 = vector.load %arg11[%get3A_279, %get3A_280, %get3A_281] : memref<6x128x128xf32, #tpu.memory_space<vmem>>, vector<1x128x128xf32>
    %get3A_283 = vector.shape_cast %get3A_282 : vector<1x128x128xf32> to vector<128x128xf32>
    %dot_general3A_284 = arith.constant dense<0.000000e+00> : vector<1000x128xf32>
    %dot_general3A_285 = tpu.matmul %max3A_278, %get3A_283, %dot_general3A_284 {dimension_numbers = #tpu.dot_dimension_numbers<[1], [0], [0], [1], [0, 0, 1, 1], [], []>, transpose_lhs_hint = false} : vector<1000x128xf32>, vector<128x128xf32>, vector<1000x128xf32> -> vector<1000x128xf32>
    %get3A_286 = arith.constant 5 : index
    %get3A_287 = arith.constant 0 : index
    %get3A_288 = arith.constant 0 : index
    %get3A_289 = vector.load %arg12[%get3A_286, %get3A_287, %get3A_288] : memref<6x1x128xf32, #tpu.memory_space<vmem>>, vector<1x1x128xf32>
    %get3A_290 = vector.shape_cast %get3A_289 : vector<1x1x128xf32> to vector<1x128xf32>
    %add3A_291 = vector.broadcast %get3A_290 : vector<1x128xf32> to vector<1000x128xf32>
    %add3A_292 = arith.addf %dot_general3A_285, %add3A_291 : vector<1000x128xf32>
    %eq3A_293 = arith.constant 5 : i32
    %eq3A_294 = vector.broadcast %eq3A_293 : i32 to vector<1000x1xi32>
    %eq3A_295 = arith.cmpi eq, %broadcast_in_dim3A_65, %eq3A_294 : vector<1000x1xi32>
    %convert_element_type3A_296 = arith.extui %eq3A_295 : vector<1000x1xi1> to vector<1000x1xi32>
    %convert_element_type3A_297 = arith.sitofp %convert_element_type3A_296 : vector<1000x1xi32> to vector<1000x1xf32>
    %mul3A_298 = vector.broadcast %convert_element_type3A_297 : vector<1000x1xf32> to vector<1000x128xf32>
    %mul3A_299 = arith.mulf %mul3A_298, %add3A_292 : vector<1000x128xf32>
    %add3A_300 = arith.addf %add3A_261, %mul3A_299 : vector<1000x128xf32>
    %mul3A_301 = vector.broadcast %div3A_61 : vector<1000x1xf32> to vector<1000x128xf32>
    %mul3A_302 = arith.mulf %mul3A_301, %add3A_300 : vector<1000x128xf32>
    %add3A_303 = arith.addf %get3A_1, %mul3A_302 : vector<1000x128xf32>
    %get3A_304 = arith.constant 0 : index
    %get3A_305 = arith.constant 0 : index
    %get3A_306 = vector.load %arg13[%get3A_304, %get3A_305] : memref<128x128xf32, #tpu.memory_space<vmem>>, vector<128x128xf32>
    %dot_general3A_307 = arith.constant dense<0.000000e+00> : vector<1000x128xf32>
    %dot_general3A_308 = tpu.matmul %add3A_303, %get3A_306, %dot_general3A_307 {dimension_numbers = #tpu.dot_dimension_numbers<[1], [0], [0], [1], [0, 0, 1, 1], [], []>, transpose_lhs_hint = false} : vector<1000x128xf32>, vector<128x128xf32>, vector<1000x128xf32> -> vector<1000x128xf32>
    %get3A_309 = arith.constant 0 : index
    %get3A_310 = arith.constant 0 : index
    %get3A_311 = vector.load %arg14[%get3A_309, %get3A_310] : memref<1x128xf32, #tpu.memory_space<vmem>>, vector<1x128xf32>
    %add3A_312 = vector.broadcast %get3A_311 : vector<1x128xf32> to vector<1000x128xf32>
    %add3A_313 = arith.addf %dot_general3A_308, %add3A_312 : vector<1000x128xf32>
    %swap3A = arith.constant 0 : index
    %swap3A_314 = arith.constant 0 : index
    %swap3A_315 = vector.load %arg15[%swap3A, %swap3A_314] : memref<1000x128xf32, #tpu.memory_space<vmem>>, vector<1000x128xf32>
    tpu.vector_store %arg15[%swap3A, %swap3A_314], %add3A_313 {strides = array<i32>} : memref<1000x128xf32, #tpu.memory_space<vmem>>, vector<1000x128xf32>,
    return
  }
  func.func @transform_0(%arg0: i32) -> (i32, i32) {
    %c0_i32 = arith.constant 0 : i32
    %c0_i32_0 = arith.constant 0 : i32
    return %arg0, %c0_i32 : i32, i32
  }
  func.func @transform_1(%arg0: i32) -> (i32, i32, i32) {
    %c0_i32 = arith.constant 0 : i32
    %c0_i32_0 = arith.constant 0 : i32
    %c0_i32_1 = arith.constant 0 : i32
    return %c0_i32, %arg0, %c0_i32_0 : i32, i32, i32
  }
  func.func @transform_2(%arg0: i32) -> (i32, i32, i32) {
    %c0_i32 = arith.constant 0 : i32
    %c0_i32_0 = arith.constant 0 : i32
    %c0_i32_1 = arith.constant 0 : i32
    return %c0_i32, %arg0, %c0_i32_0 : i32, i32, i32
  }
  func.func @transform_3(%arg0: i32) -> (i32, i32) {
    %c0_i32 = arith.constant 0 : i32
    %c0_i32_0 = arith.constant 0 : i32
    %c0_i32_1 = arith.constant 0 : i32
    return %c0_i32, %c0_i32_0 : i32, i32
  }
  func.func @transform_4(%arg0: i32) -> (i32, i32) {
    %c0_i32 = arith.constant 0 : i32
    %c0_i32_0 = arith.constant 0 : i32
    %c0_i32_1 = arith.constant 0 : i32
    return %c0_i32, %c0_i32_0 : i32, i32
  }
  func.func @transform_5(%arg0: i32) -> (i32, i32) {
    %c0_i32 = arith.constant 0 : i32
    %c0_i32_0 = arith.constant 0 : i32
    %c0_i32_1 = arith.constant 0 : i32
    return %c0_i32, %c0_i32_0 : i32, i32
  }
  func.func @transform_6(%arg0: i32) -> (i32, i32) {
    %c0_i32 = arith.constant 0 : i32
    %c0_i32_0 = arith.constant 0 : i32
    %c0_i32_1 = arith.constant 0 : i32
    return %c0_i32, %c0_i32_0 : i32, i32
  }
  func.func @transform_7(%arg0: i32) -> (i32, i32) {
    %c0_i32 = arith.constant 0 : i32
    %c0_i32_0 = arith.constant 0 : i32
    %c0_i32_1 = arith.constant 0 : i32
    return %c0_i32, %c0_i32_0 : i32, i32
  }
  func.func @transform_8(%arg0: i32) -> (i32, i32, i32) {
    %c0_i32 = arith.constant 0 : i32
    %c0_i32_0 = arith.constant 0 : i32
    %c0_i32_1 = arith.constant 0 : i32
    %c0_i32_2 = arith.constant 0 : i32
    return %c0_i32, %c0_i32_0, %c0_i32_1 : i32, i32, i32
  }
  func.func @transform_9(%arg0: i32) -> (i32, i32, i32) {
    %c0_i32 = arith.constant 0 : i32
    %c0_i32_0 = arith.constant 0 : i32
    %c0_i32_1 = arith.constant 0 : i32
    %c0_i32_2 = arith.constant 0 : i32
    return %c0_i32, %c0_i32_0, %c0_i32_1 : i32, i32, i32
  }
  func.func @transform_10(%arg0: i32) -> (i32, i32, i32) {
    %c0_i32 = arith.constant 0 : i32
    %c0_i32_0 = arith.constant 0 : i32
    %c0_i32_1 = arith.constant 0 : i32
    %c0_i32_2 = arith.constant 0 : i32
    return %c0_i32, %c0_i32_0, %c0_i32_1 : i32, i32, i32
  }
  func.func @transform_11(%arg0: i32) -> (i32, i32, i32) {
    %c0_i32 = arith.constant 0 : i32
    %c0_i32_0 = arith.constant 0 : i32
    %c0_i32_1 = arith.constant 0 : i32
    %c0_i32_2 = arith.constant 0 : i32
    return %c0_i32, %c0_i32_0, %c0_i32_1 : i32, i32, i32
  }
  func.func @transform_12(%arg0: i32) -> (i32, i32) {
    %c0_i32 = arith.constant 0 : i32
    %c0_i32_0 = arith.constant 0 : i32
    %c0_i32_1 = arith.constant 0 : i32
    return %c0_i32, %c0_i32_0 : i32, i32
  }
  func.func @transform_13(%arg0: i32) -> (i32, i32) {
    %c0_i32 = arith.constant 0 : i32
    %c0_i32_0 = arith.constant 0 : i32
    %c0_i32_1 = arith.constant 0 : i32
    return %c0_i32, %c0_i32_0 : i32, i32
  }
  func.func @transform_14(%arg0: i32) -> (i32, i32) {
    %c0_i32 = arith.constant 0 : i32
    %c0_i32_0 = arith.constant 0 : i32
    return %arg0, %c0_i32 : i32, i32
  }
}

</mosaic_0001>

<sc_bundles>
// kernel: kernel.12.cloned.1.call-start
scs
__scs_entry_jumppad:
0x0: {  	(pc) =	sbr.rel $0x88, $3  }
0x1: {  	(tag) =	ssettag $0x0;
	lr =	simm.s32 $0x1  }
0x2: {  	[smem:$0x3F94] =	sst lr;
	_ =	strace $0xD0000000  }
0x3: {  	_ = 	snop  }
0x4: {  	_ = 	snop  }
0x5: {  	_ = 	snop  }
0x6: {  	_ = 	snop  }
0x7: {  	_ = 	snop  }
__scs_overlays_trampoline_lowered:
0x8: {  	[smem:$0x3FA3] =	sst s0  }
0x9: {  	[smem:$0x3FA4] =	sst s1  }
0xa: {  	[smem:$0x3FA5] =	sst s2  }
0xb: {  	[smem:$0x3FA6] =	sst s3  }
0xc: {  	[smem:$0x3FA7] =	sst s4  }
0xd: {  	[smem:$0x3FA8] =	sst s5  }
0xe: {  	[smem:$0x3FA9] =	sst s6  }
0xf: {  	[smem:$0x3FAA] =	sst s7  }
0x10: {  	[smem:$0x3FAB] =	sst s8  }
0x11: {  	[smem:$0x3FAC] =	sst s9;
	s0 =	simm.s32 @!p0 $0x0  }
0x12: {  	s1 =	sld [smem:$0x3F92];
	s0 =	simm.s32 @p0 $0x1  }
0x13: {  	[smem:$0x3FAD] =	sst s0;
	s0 =	simm.s32 @!p1 $0x0  }
0x14: {  	s2 =	sld [smem:$0x3F91];
	s0 =	simm.s32 @p1 $0x1  }
0x15: {  	[smem:$0x3FAE] =	sst s0;
	s0 =	simm.s32 @!p2 $0x0  }
0x16: {  	s3 =	sld [smem:$0x3FDB];
	s0 =	simm.s32 @p2 $0x1  }
0x17: {  	s4 =	simm.s32 $0x1BF5;
	[smem:$0x3FB0] =	sst s0  }
0x18: {  	s0 =	sld [smem:$0x3F93];
	_ =	swait.ge [sflag:s4], $0x0  }
0x19: {  	s7 =	sld [smem:$0x3F94]  }
0x1a: {  	s8 =	sadd.s32 $0xFFFFE003, lr  }
0x1b: {  	s9 =	sadd.s32 $0xFFFFFEF7, lr;
	s5 =	simm.s32 $0xFFFFFFFF;
	p2 =	slt.u32 s8, $0xFFFFF086  }
0x1c: {  	p1 =	slt.u32 s9, $0xF7A;
	s5 =	simm.s32 @!p2 $0x0  }
0x1d: {  	s5 =	simm.s32 @p1 $0x1;
	p0 =	seq.s32 s7, s2  }
0x1e: {  	s7 =	smul.u32 @!p0 $0xF7A, s2;
	p2 =	seq.s32 @!p0 s5, $0x0  }
0x1f: {  	s9 =	smul.u32 $0xF7A, s1;
	s8 =	simm.s32 @!p0 $0x1BF5;
	p2 =	por !p2, p0  }
0x20: {  	[sflag:s8] =	ssyncset.s32 @!p0 $0xFFFFF086;
	s6 =	sadd.s32 @!p0 s3, s7;
	s7 =	simm.s32 @!p0 $0x108  }
0x21: {  	s3 =	sadd.s32 s3, s9;
	s6 =	sadd.s32 @!p0 $0x88, s6;
	s7 =	simm.s32 @p2 $0x1082  }
0x22: {  	[simem:s7], [sflag:s8] =	dma.local @!p0 [hbm:s6], $0xF7A  }
0x23: {  	s9 =	sor.u32 $0xD0000000, s2;
	s6 =	simm.s32 $0x108;
	_ =	swait.ge @!p0 [sflag:s8], $0x0  }
0x24: {  	s3 =	sadd.s32 $0x88, s3;
	s6 =	simm.s32 @!p1 $0x1082;
	[sflag:s4] =	ssyncset.s32 $0xFFFFF086  }
0x25: {  	[simem:s6], [sflag:s4] =	dma.local [hbm:s3], $0xF7A  }
0x26: {  	[smem:$0x3F94] =	sst s1;
	(tag) =	ssettag s2;
	_ =	strace s9  }
0x27: {  	s1 =	sld [smem:$0x3FA4]  }
0x28: {  	s2 =	sld [smem:$0x3FA5]  }
0x29: {  	s4 =	sld [smem:$0x3FA7]  }
0x2a: {  	p0 =	seq.s32 s5, $0x0;
	s5 =	sld [smem:$0x3FA8]  }
0x2b: {  	s6 =	sld [smem:$0x3FA9]  }
0x2c: {  	s7 =	sld [smem:$0x3FAA]  }
0x2d: {  	s3 =	simm.s32 $0x108;
	s8 =	sld [smem:$0x3FAB]  }
0x2e: {  	s3 =	simm.s32 @!p0 $0x1082;
	s9 =	sld [smem:$0x3FAC]  }
0x2f: {  	lr =	sadd.s32 s0, s3;
	s0 =	sld [smem:$0x3FA3]  }
0x30: {  	s3 =	sld [smem:$0x3FA6]  }
0x31: {  	[smem:$0x3FAF] =	sst s10  }
0x32: {  	s10 =	sld [smem:$0x3FAD];
	_ =	sdelay $0x3  }
0x33: {  	p0 =	seq.s32 s10, $0x1;
	s10 =	sld [smem:$0x3FAF];
	_ =	sdelay $0x3  }
0x34: {  	[smem:$0x3FAF] =	sst s10  }
0x35: {  	s10 =	sld [smem:$0x3FAE];
	_ =	sdelay $0x3  }
0x36: {  	p1 =	seq.s32 s10, $0x1;
	s10 =	sld [smem:$0x3FAF];
	_ =	sdelay $0x3  }
0x37: {  	[smem:$0x3FAF] =	sst s10  }
0x38: {  	s10 =	sld [smem:$0x3FB0]  }
0x39: {  	_ = 	snop;
	(pc) =	sbr.ind lr, $3  }
0x3a: {  	_ = 	snop  }
0x3b: {  	_ = 	snop  }
0x3c: {  	p2 =	seq.s32 s10, $0x1;
	s10 =	sld [smem:$0x3FAF]  }
0x3d: {  	_ =	shalt  }
0x3e: {  	_ =	shalt  }
0x3f: {  	_ =	shalt  }
0x40: {  	_ =	shalt  }
0x41: {  	_ =	shalt  }
0x42: {  	_ =	shalt  }
0x43: {  	_ =	shalt  }
0x44: {  	_ =	shalt  }
0x45: {  	_ =	shalt  }
0x46: {  	_ =	shalt  }
0x47: {  	_ =	shalt  }
0x48: {  	_ =	shalt  }
0x49: {  	_ =	shalt  }
0x4a: {  	_ =	shalt  }
0x4b: {  	_ =	shalt  }
0x4c: {  	_ =	shalt  }
0x4d: {  	_ =	shalt  }
0x4e: {  	_ =	shalt  }
0x4f: {  	_ =	shalt  }
0x50: {  	_ =	shalt  }
0x51: {  	_ =	shalt  }
0x52: {  	_ =	shalt  }
0x53: {  	_ =	shalt  }
0x54: {  	_ =	shalt  }
0x55: {  	_ =	shalt  }
0x56: {  	_ =	shalt  }
0x57: {  	_ =	shalt  }
0x58: {  	_ =	shalt  }
0x59: {  	_ =	shalt  }
0x5a: {  	_ =	shalt  }
0x5b: {  	_ =	shalt  }
0x5c: {  	_ =	shalt  }
0x5d: {  	_ =	shalt  }
0x5e: {  	_ =	shalt  }
0x5f: {  	_ =	shalt  }
0x60: {  	_ =	shalt  }
0x61: {  	_ =	shalt  }
0x62: {  	_ =	shalt  }
0x63: {  	_ =	shalt  }
0x64: {  	_ =	shalt  }
0x65: {  	_ =	shalt  }
0x66: {  	_ =	shalt  }
0x67: {  	_ =	shalt  }
0x68: {  	_ =	shalt  }
0x69: {  	_ =	shalt  }
0x6a: {  	_ =	shalt  }
0x6b: {  	_ =	shalt  }
0x6c: {  	_ =	shalt  }
0x6d: {  	_ =	shalt  }
0x6e: {  	_ =	shalt  }
0x6f: {  	_ =	shalt  }
0x70: {  	_ =	shalt  }
0x71: {  	_ =	shalt  }
0x72: {  	_ =	shalt  }
0x73: {  	_ =	shalt  }
0x74: {  	_ =	shalt  }
0x75: {  	_ =	shalt  }
0x76: {  	_ =	shalt  }
0x77: {  	_ =	shalt  }
0x78: {  	_ =	shalt  }
0x79: {  	_ =	shalt  }
0x7a: {  	_ =	shalt  }
0x7b: {  	_ =	shalt  }
0x7c: {  	_ =	shalt  }
0x7d: {  	_ =	shalt  }
0x7e: {  	_ =	shalt  }
0x7f: {  	_ =	shalt  }
0x80: {  	_ =	shalt  }
0x81: {  	_ =	shalt  }
0x82: {  	_ =	shalt  }
0x83: {  	_ =	shalt  }
0x84: {  	_ =	shalt  }
0x85: {  	_ =	shalt  }
0x86: {  	_ =	shalt  }
0x87: {  	_ =	shalt  }
.Lfunc_end0:
.L_simem_size_0:
called_computation.1_lowered:
.L_overlay_start_0:
0x88: {  	s2 =	sld [smem:$0x3FD9]  }
0x89: {  	s3 =	sld [smem:$0x3FFE];
	_ =	sdelay $0x1  }
0x8a: {  	s1 =	srdreg.scid  }
0x8b: {  	s0 =	sand.u32 $0x1, s1  }
0x8c: {  	s17 =	sshll.u32 s0, $0xA;
	s2 =	sadd.s32 s3, s2  }
0x8d: {  	s2 =	sadd.s32 s2, s17  }
0x8e: {  	[smem:$0x3FBB] =	sst s2  }
0x8f: {  	_ = 	snop  }
0x90: {  	s18 =	sld [smem:$0x3FC9];
	(tm) =	ssettm $0x1  }
0x91: {  	s19 =	sld [smem:$0x3FFB];
	_ =	sdelay $0x3  }
0x92: {  	_ =	strace s19  }
0x93: {  	s2 =	sld [smem:$0x3FFC];
	_ =	sdelay $0x3  }
0x94: {  	_ =	strace s2  }
0x95: {  	s2 =	sld [smem:$0x3FFD];
	_ =	sdelay $0x3  }
0x96: {  	_ =	strace s2  }
0x97: {  	_ =	strace $0x8FFFFFFF  }
0x98: {  	s20 =	sld [smem:$0x3FDB];
	_ =	sdelay $0x1  }
0x99: {  	s4 =	simm.s32 $_scs_section_size  }
0x9a: {  	s5 =	simm.s32 $_size__tile_overlayer_lowered;
	s6 =	simm.s32 $_tile_overlayer_lowered  }
0x9b: {  	s7 =	simm.s32 $0x1BFF;
	s21 =	sshll.u32 s6, $0x1;
	s4 =	sadd.s32 s4, s20  }
0x9c: {  	s22 =	simm.s32 $0x0;
	s5 =	sshll.u32 s5, $0x1;
	s6 =	sadd.s32 s21, s4  }
0x9d: {  	[timem:s22], [sflag:s7] =	dma.local [hbm:s6], s5  }
0x9e: {  	_ =	swait.ge [sflag:s7], s5  }
0x9f: {  	s5 =	ssub.s32 $0x0, s5;
	[sflag:s7] =	ssyncset.done $0x0  }
0xa0: {  	[sflag:s7] =	ssyncadd.s32 s5;
	_ =	sdelay $0x1  }
0xa1: {  	s23 =	simm.s32 $0x1B8B  }
0xa2: {  	_ =	swait.ge [sflag:s23], $0x1  }
0xa3: {  	[sflag:s23] =	ssyncset.done $0x0  }
0xa4: {  	[sflag:s23] =	ssyncadd.s32 $0xFFFFFFFF  }
0xa5: {  	s5 =	sld [smem:$0x0]  }
0xa6: {  	s6 =	sand.u32 $0xFFFFFFFE, s1  }
0xa7: {  	p0 =	sne.s32 s1, s6  }
0xa8: {  	s6 =	sshll.u32 @p0 s6, $0xE  }
0xa9: {  	s6 =	sadd.s32 @p0 $0x11B8D, s6;
	s7 =	sshll.u32 @p0 s5, $0x11  }
0xaa: {  	s6 =	sor.u32 @p0 s7, s6  }
0xab: {  	[sflag:s6] =	ssyncadd.remote.s32 @p0 $0x1;
	_ =	sdelay $0x1  }
0xac: {  	s6 =	simm.s32 @p0 $0x1B8D  }
0xad: {  	_ =	swait.eq @p0 [sflag:s6], $0x1  }
0xae: {  	[sflag:s6] =	ssyncadd.s32 @p0 $0xFFFFFFFF  }
0xaf: {  	s7 =	sshll.u32 @!p0 s1, $0xE  }
0xb0: {  	s7 =	sor.u32 @!p0 $0x4000, s7;
	s6 =	simm.s32 @!p0 $0x1B8D  }
0xb1: {  	s5 =	sshll.u32 @!p0 s5, $0x11;
	s7 =	sadd.s32 @!p0 $0x11B8D, s7;
	_ =	swait.eq @!p0 [sflag:s6], $0x1  }
0xb2: {  	s5 =	sor.u32 @!p0 s5, s7;
	[sflag:s6] =	ssyncadd.s32 @!p0 $0xFFFFFFFF  }
0xb3: {  	s25 =	simm.s32 $0x1B8E;
	s24 =	sld [smem:$0x3FFE];
	[sflag:s5] =	ssyncadd.remote.s32 @!p0 $0x1  }
0xb4: {  	s26 =	simm.s32 $execute0_lowered;
	[smem:$0x3FD2] =	sst s25  }
0xb5: {  	s6 =	sshll.u32 s26, $0x1;
	_ =	strace $0x80000049;
	[dreg:$0x1] =	wrdreg $0xFFFFFFFF  }
0xb6: {  	s28 =	simm.s32 $_size_execute0_lowered;
	s4 =	sadd.s32 s4, s6;
	[dreg:$0x0] =	wrdreg $0x0  }
0xb7: {  	s6 =	sshll.u32 s28, $0x1;
	[dreg:$0x2] =	wrdreg s4  }
0xb8: {  	[dreg:$0x3] =	wrdreg s6  }
0xb9: {  	[dreg:$0x4] =	wrdreg $0xC0  }
0xba: {  	_ =	task [dreg:s22], $0x5FFFF  }
0xbb: {  	[dreg:$0x1] =	wrdreg $0xFFFFFFFF  }
0xbc: {  	[dreg:$0x0] =	wrdreg $0x60  }
0xbd: {  	[dreg:$0x2] =	wrdreg s18  }
0xbe: {  	[dreg:$0x3] =	wrdreg s24  }
0xbf: {  	[dreg:$0x4] =	wrdreg $0x0  }
0xc0: {  	[dreg:$0x5] =	wrdreg $0xA  }
0xc1: {  	_ =	task.clear_ibuf [dreg:s22], $0x6FFFF;
	_ =	strace $0x90000049  }
0xc2: {  	s29 =	simm.s32 $0xA;
	_ =	strace $0x8000004B  }
0xc3: {  	_ =	swait.ge [sflag:s29], $0x1  }
0xc4: {  	[sflag:s29] =	ssyncadd.s32 $0xFFFFFFFF  }
0xc5: {  	_ =	strace $0x9000004B  }
0xc6: {  	_ =	sfence  }
0xc7: {  	s30 =	sld [smem:$0x0];
	_ =	sdelay $0x2  }
0xc8: {  	s31 =	sshll.u32 s1, $0xD;
	s1 =	sshrl.u32 s1, $0x2  }
0xc9: {  	s4 =	sand.u32 $0x4000, s31;
	s1 =	sadd.s32 s1, s30  }
0xca: {  	s0 =	sor.u32 s4, s0;
	s1 =	sshll.u32 s1, $0x11  }
0xcb: {  	s0 =	sor.u32 s1, s0  }
0xcc: {  	s0 =	sadd.s32 $0x8F2B, s0  }
0xcd: {  	[sflag:s0] =	ssyncadd.remote.s32 $0x1  }
0xce: {  	_ =	sfence.sel $0xFFFF  }
0xcf: {  	[dreg:$0x0] =	wrdreg $0xFFFFFFFF;
	(pc) =	sbr.abs _section_cstart, $3  }
0xd0: {  	[dreg:$0x1] =	wrdreg $0xFFFFFFFF  }
0xd1: {  	_ =	task.clear_ibuf [dreg:s22], $0x2FFFF;
	_ =	strace $0x9FFFFFFF  }
0xd2: {  	(tm) =	ssettm $0x7FFFFFFF  }
0xd3: {  	_ =	shalt  }
tec
execute0_lowered:
.L_overlay_start_1:
0x0: {  	(tag) =	ssettag $0x1  }
0x1: {  	s1 =	rddreg [dreg:$0x0]  }
0x2: {  	s6 =	rddreg [dreg:$0x1]  }
0x3: {  	s0 =	srdreg.scid;
	s3 =	rddreg [dreg:$0x2]  }
0x4: {  	s2 =	rddreg [dreg:$0x3];
	s9 =	sand.u32 $0x1, s0  }
0x5: {  	s4 =	simm.s32 $0x0;
	s0 =	stileid.u32;
	s5 =	smul.u32 $0x30000, s9  }
0x6: {  	s15 =	simm.s32 $0x19C00;
	s16 =	simm.s32 $0x1;
	s7 =	smul.u32 $0x3000, s0  }
0x7: {  	s17 =	simm.s32 $0x0;
	[smem:$0x7FF] =	sst s4;
	s8 =	smul.u32 $0x13C000, s9  }
0x8: {  	s25 =	smul.u32 $0x13C00, s0;
	_ =	strace $0x8000004A;
	s28 =	ssub.s32 $0x2, s9  }
0x9: {  	s11 =	smul.u32 $0x4F000, s0;
	p0 =	seq.s32 s9, $0x0;
	s9 =	simm.s32 $0x5E  }
0xa: {  	s31 =	sshll.u32 s0, $0x6;
	s29 =	sshrl.u32 s28, $0x1;
	s9 =	simm.s32 @!p0 $0x3F  }
0xb: {  	s5 =	sadd.s32 s7, s5;
	s26 =	sadd.s32 s25, s8;
	s13 =	ssub.s32 s28, s29  }
0xc: {  	s30 =	sshrl.u32 s11, $0x2;
	s5 =	sshrl.u32 s5, $0x3;
	s7 =	sshrl.u32 s26, $0x3  }
0xd: {  	s14 =	sadd.s32 s30, s3;
	s11 =	smax.u32 s13, $0x1;
	s13 =	simm.s32 $0x2  }
0xe: {  	s10 =	sadd.s32 s5, s6;
	s5 =	sadd.s32 $0x1C200, s6;
	s12 =	sadd.s32 s7, s6  }
0xf: {  	s6 =	sor.u32 $0x1C02, s31;
	s7 =	sadd.s32 $0x4000, s10;
	s8 =	sadd.s32 $0x10000, s10  }
0x10: {  	s10 =	sadd.s32 $0x1EA00, s12;
	s12 =	sshrl.u32 s14, $0x3;
	s14 =	simm.s32 $0x80  }
.LBB2_1:
0x11: {  	[spmem:s12], [sflag:s6] =	dma.local [hbm:s5], $0x2780  }
0x12: {  	_ =	swait.ge [sflag:s13], $0x2780  }
0x13: {  	[sflag:s13] =	ssyncset.done $0x0  }
0x14: {  	s18 =	simm.s32 $0x13C00;
	[sflag:s13] =	ssyncadd.s32 $0xFFFFD880  }
0x15: {  	[tilespmem:s18], [sflag:$0x2] =	stream.linear.gather [hbm4b:s7+s4], $0x2F00, $0x38;
	[tilespmem:$0x1DC00] =	vst v63  }
0x16: {  	_ =	swait.ge [sflag:s13], $0x2F00  }
0x17: {  	[sflag:s13] =	ssyncset.done $0x0  }
0x18: {  	s19 =	simm.s32 $0x16C00;
	[sflag:s13] =	ssyncadd.s32 $0xFFFFD100  }
0x19: {  	[tilespmem:s19], [sflag:$0x2] =	stream.linear.gather [hbm4b:s8+s4], $0x2F00, $0x38;
	[tilespmem:$0x1DC00] =	vst v63  }
0x1a: {  	_ =	swait.ge [sflag:s13], $0x2F00  }
0x1b: {  	[sflag:s13] =	ssyncset.done $0x0  }
0x1c: {  	[sflag:s13] =	ssyncadd.s32 $0xFFFFD100  }
0x1d: {  	[bflag:$0x0] =	sbarrier.arrive $0xFFFF  }
0x1e: {  	[tilespmem:s15], [sflag:$0x1] =	stream.indirect.gather [hbm4b:s1+s14], $0x80, s18, s14, $0xb8;
	[tilespmem:$0x1DC00] =	vst v63  }
0x1f: {  	p0 =	sne.s32 s9, $0x1;
	_ =	swait.ge [sflag:s16], $0x4000  }
.Ltmp0:
0x20: {  	[sflag:s16] =	ssyncset.done $0x0;
	(pc) =	sbr.rel @!p0 .LBB2_3-.Ltmp0, $4  }
0x21: {  	[sflag:s16] =	ssyncadd.s32 $0xFFFFC000  }
0x22: {  	[spmem:s3] =	stream.indirect.scatter.add.f32 [tilespmem:s15], [sflag:$0x2], $0x80, s19, s14, $0xb8;
	[tilespmem:$0x1DC00] =	vst v63  }
0x23: {  	_ =	swait.ge [sflag:s13], $0x4000  }
0x24: {  	s20 =	sadd.s32 $0xFFFFFFFF, s9;
	[sflag:s13] =	ssyncset.done $0x0  }
.LBB2_2:
0x25: {  	[sflag:s13] =	ssyncadd.s32 $0xFFFFC000;
	s18 =	sadd.s32 $0x80, s18;
	s19 =	sadd.s32 $0x80, s19  }
0x26: {  	[tilespmem:s15], [sflag:$0x1] =	stream.indirect.gather [hbm4b:s1+s14], $0x80, s18, s14, $0xb8;
	[tilespmem:$0x1DC00] =	vst v63  }
0x27: {  	p0 =	sne.s32 s20, $0x1;
	s20 =	sadd.s32 $0xFFFFFFFF, s20;
	_ =	swait.ge [sflag:s16], $0x4000  }
.Ltmp1:
0x28: {  	[sflag:s16] =	ssyncset.done $0x0;
	(pc) =	sbr.rel @p0 .LBB2_2-.Ltmp1, $4  }
0x29: {  	[sflag:s16] =	ssyncadd.s32 $0xFFFFC000  }
0x2a: {  	[spmem:s3] =	stream.indirect.scatter.add.f32 [tilespmem:s15], [sflag:$0x2], $0x80, s19, s14, $0xb8;
	[tilespmem:$0x1DC00] =	vst v63  }
0x2b: {  	_ =	swait.ge [sflag:s13], $0x4000  }
0x2c: {  	[sflag:s13] =	ssyncset.done $0x0  }
.LBB2_3:
0x2d: {  	s17 =	sadd.s32 $0x1, s17  }
0x2e: {  	[sflag:s13] =	ssyncadd.s32 $0xFFFFC000;
	p0 =	sne.s32 s17, s11  }
.Ltmp2:
0x2f: {  	[bflag:$0x0] =	sbarrier.arrive $0xFFFF;
	(pc) =	sbr.rel @p0 .LBB2_1-.Ltmp2, $4  }
0x30: {  	[hbm:s10], [sflag:s6] =	dma.local [spmem:s12], $0x2780  }
0x31: {  	_ =	swait.ge [sflag:s13], $0x2780  }
0x32: {  	[sflag:s13] =	ssyncset.done $0x0  }
0x33: {  	[sflag:s13] =	ssyncadd.s32 $0xFFFFD880  }
0x34: {  	_ =	sfence.sel $0x180000  }
0x35: {  	[bflag:$0x0] =	sbarrier.arrive $0xFFFF  }
0x36: {  	p0 =	sne.s32 s0, $0x0;
	_ =	strace $0x9000004A  }
0x37: {  	s0 =	sadd.s32 @!p0 $0x100000, s2;
	[bflag:$0x2] =	sbarrier.arrive $0xFFFF  }
0x38: {  	[sflag:s0] =	ssyncadd.tile.s32 @!p0 $0x1;
	_ =	shalt  }
.Lfunc_end2:
_tile_overlayer_lowered:
.L_overlay_start_2:
0x39: {  	(tag) =	ssettag $0x2  }
0x3a: {  	s0 =	rddreg [dreg:$0x0];
	s2 =	stileid.u32  }
0x3b: {  	s1 =	rddreg [dreg:$0x1];
	p0 =	sne.s32 s2, $0x0  }
0x3c: {  	s3 =	rddreg [dreg:$0x2];
	[bflag:$0x3] =	sbarrier.arrive $0xFFFF;
	s2 =	simm.s32 @!p0 $0x1C02  }
0x3d: {  	[timem:s3], [sflag:s2] =	dma.local @!p0 [hbm:s0], s1  }
0x3e: {  	s0 =	simm.s32 @!p0 $0x2  }
0x3f: {  	_ =	swait.ge @!p0 [sflag:s0], s1  }
0x40: {  	s1 =	ssub.s32 @!p0 $0x0, s1;
	[sflag:s0] =	ssyncset.done @!p0 $0x0  }
0x41: {  	[sflag:s0] =	ssyncadd.s32 @!p0 s1  }
0x42: {  	[bflag:$0x3] =	sbarrier.arrive $0xFFFF  }
0x43: {  	_ =	shalt  }

// kernel: kernel.15.cloned.1.call-start
scs
__scs_entry_jumppad:
0x0: {  	(pc) =	sbr.rel $0x88, $3  }
0x1: {  	(tag) =	ssettag $0x0;
	lr =	simm.s32 $0x1  }
0x2: {  	[smem:$0x3F94] =	sst lr;
	_ =	strace $0xD0000000  }
0x3: {  	_ = 	snop  }
0x4: {  	_ = 	snop  }
0x5: {  	_ = 	snop  }
0x6: {  	_ = 	snop  }
0x7: {  	_ = 	snop  }
__scs_overlays_trampoline_lowered:
0x8: {  	[smem:$0x3FA3] =	sst s0  }
0x9: {  	[smem:$0x3FA4] =	sst s1  }
0xa: {  	[smem:$0x3FA5] =	sst s2  }
0xb: {  	[smem:$0x3FA6] =	sst s3  }
0xc: {  	[smem:$0x3FA7] =	sst s4  }
0xd: {  	[smem:$0x3FA8] =	sst s5  }
0xe: {  	[smem:$0x3FA9] =	sst s6  }
0xf: {  	[smem:$0x3FAA] =	sst s7  }
0x10: {  	[smem:$0x3FAB] =	sst s8  }
0x11: {  	[smem:$0x3FAC] =	sst s9;
	s0 =	simm.s32 @!p0 $0x0  }
0x12: {  	s1 =	sld [smem:$0x3F92];
	s0 =	simm.s32 @p0 $0x1  }
0x13: {  	[smem:$0x3FAD] =	sst s0;
	s0 =	simm.s32 @!p1 $0x0  }
0x14: {  	s2 =	sld [smem:$0x3F91];
	s0 =	simm.s32 @p1 $0x1  }
0x15: {  	[smem:$0x3FAE] =	sst s0;
	s0 =	simm.s32 @!p2 $0x0  }
0x16: {  	s3 =	sld [smem:$0x3FDB];
	s0 =	simm.s32 @p2 $0x1  }
0x17: {  	s4 =	simm.s32 $0x1BF5;
	[smem:$0x3FB0] =	sst s0  }
0x18: {  	s0 =	sld [smem:$0x3F93];
	_ =	swait.ge [sflag:s4], $0x0  }
0x19: {  	s7 =	sld [smem:$0x3F94]  }
0x1a: {  	s8 =	sadd.s32 $0xFFFFE003, lr  }
0x1b: {  	s9 =	sadd.s32 $0xFFFFFEF7, lr;
	s5 =	simm.s32 $0xFFFFFFFF;
	p2 =	slt.u32 s8, $0xFFFFF086  }
0x1c: {  	p1 =	slt.u32 s9, $0xF7A;
	s5 =	simm.s32 @!p2 $0x0  }
0x1d: {  	s5 =	simm.s32 @p1 $0x1;
	p0 =	seq.s32 s7, s2  }
0x1e: {  	s7 =	smul.u32 @!p0 $0xF7A, s2;
	p2 =	seq.s32 @!p0 s5, $0x0  }
0x1f: {  	s9 =	smul.u32 $0xF7A, s1;
	s8 =	simm.s32 @!p0 $0x1BF5;
	p2 =	por !p2, p0  }
0x20: {  	[sflag:s8] =	ssyncset.s32 @!p0 $0xFFFFF086;
	s6 =	sadd.s32 @!p0 s3, s7;
	s7 =	simm.s32 @!p0 $0x108  }
0x21: {  	s3 =	sadd.s32 s3, s9;
	s6 =	sadd.s32 @!p0 $0x88, s6;
	s7 =	simm.s32 @p2 $0x1082  }
0x22: {  	[simem:s7], [sflag:s8] =	dma.local @!p0 [hbm:s6], $0xF7A  }
0x23: {  	s9 =	sor.u32 $0xD0000000, s2;
	s6 =	simm.s32 $0x108;
	_ =	swait.ge @!p0 [sflag:s8], $0x0  }
0x24: {  	s3 =	sadd.s32 $0x88, s3;
	s6 =	simm.s32 @!p1 $0x1082;
	[sflag:s4] =	ssyncset.s32 $0xFFFFF086  }
0x25: {  	[simem:s6], [sflag:s4] =	dma.local [hbm:s3], $0xF7A  }
0x26: {  	[smem:$0x3F94] =	sst s1;
	(tag) =	ssettag s2;
	_ =	strace s9  }
0x27: {  	s1 =	sld [smem:$0x3FA4]  }
0x28: {  	s2 =	sld [smem:$0x3FA5]  }
0x29: {  	s4 =	sld [smem:$0x3FA7]  }
0x2a: {  	p0 =	seq.s32 s5, $0x0;
	s5 =	sld [smem:$0x3FA8]  }
0x2b: {  	s6 =	sld [smem:$0x3FA9]  }
0x2c: {  	s7 =	sld [smem:$0x3FAA]  }
0x2d: {  	s3 =	simm.s32 $0x108;
	s8 =	sld [smem:$0x3FAB]  }
0x2e: {  	s3 =	simm.s32 @!p0 $0x1082;
	s9 =	sld [smem:$0x3FAC]  }
0x2f: {  	lr =	sadd.s32 s0, s3;
	s0 =	sld [smem:$0x3FA3]  }
0x30: {  	s3 =	sld [smem:$0x3FA6]  }
0x31: {  	[smem:$0x3FAF] =	sst s10  }
0x32: {  	s10 =	sld [smem:$0x3FAD];
	_ =	sdelay $0x3  }
0x33: {  	p0 =	seq.s32 s10, $0x1;
	s10 =	sld [smem:$0x3FAF];
	_ =	sdelay $0x3  }
0x34: {  	[smem:$0x3FAF] =	sst s10  }
0x35: {  	s10 =	sld [smem:$0x3FAE];
	_ =	sdelay $0x3  }
0x36: {  	p1 =	seq.s32 s10, $0x1;
	s10 =	sld [smem:$0x3FAF];
	_ =	sdelay $0x3  }
0x37: {  	[smem:$0x3FAF] =	sst s10  }
0x38: {  	s10 =	sld [smem:$0x3FB0]  }
0x39: {  	_ = 	snop;
	(pc) =	sbr.ind lr, $3  }
0x3a: {  	_ = 	snop  }
0x3b: {  	_ = 	snop  }
0x3c: {  	p2 =	seq.s32 s10, $0x1;
	s10 =	sld [smem:$0x3FAF]  }
0x3d: {  	_ =	shalt  }
0x3e: {  	_ =	shalt  }
0x3f: {  	_ =	shalt  }
0x40: {  	_ =	shalt  }
0x41: {  	_ =	shalt  }
0x42: {  	_ =	shalt  }
0x43: {  	_ =	shalt  }
0x44: {  	_ =	shalt  }
0x45: {  	_ =	shalt  }
0x46: {  	_ =	shalt  }
0x47: {  	_ =	shalt  }
0x48: {  	_ =	shalt  }
0x49: {  	_ =	shalt  }
0x4a: {  	_ =	shalt  }
0x4b: {  	_ =	shalt  }
0x4c: {  	_ =	shalt  }
0x4d: {  	_ =	shalt  }
0x4e: {  	_ =	shalt  }
0x4f: {  	_ =	shalt  }
0x50: {  	_ =	shalt  }
0x51: {  	_ =	shalt  }
0x52: {  	_ =	shalt  }
0x53: {  	_ =	shalt  }
0x54: {  	_ =	shalt  }
0x55: {  	_ =	shalt  }
0x56: {  	_ =	shalt  }
0x57: {  	_ =	shalt  }
0x58: {  	_ =	shalt  }
0x59: {  	_ =	shalt  }
0x5a: {  	_ =	shalt  }
0x5b: {  	_ =	shalt  }
0x5c: {  	_ =	shalt  }
0x5d: {  	_ =	shalt  }
0x5e: {  	_ =	shalt  }
0x5f: {  	_ =	shalt  }
0x60: {  	_ =	shalt  }
0x61: {  	_ =	shalt  }
0x62: {  	_ =	shalt  }
0x63: {  	_ =	shalt  }
0x64: {  	_ =	shalt  }
0x65: {  	_ =	shalt  }
0x66: {  	_ =	shalt  }
0x67: {  	_ =	shalt  }
0x68: {  	_ =	shalt  }
0x69: {  	_ =	shalt  }
0x6a: {  	_ =	shalt  }
0x6b: {  	_ =	shalt  }
0x6c: {  	_ =	shalt  }
0x6d: {  	_ =	shalt  }
0x6e: {  	_ =	shalt  }
0x6f: {  	_ =	shalt  }
0x70: {  	_ =	shalt  }
0x71: {  	_ =	shalt  }
0x72: {  	_ =	shalt  }
0x73: {  	_ =	shalt  }
0x74: {  	_ =	shalt  }
0x75: {  	_ =	shalt  }
0x76: {  	_ =	shalt  }
0x77: {  	_ =	shalt  }
0x78: {  	_ =	shalt  }
0x79: {  	_ =	shalt  }
0x7a: {  	_ =	shalt  }
0x7b: {  	_ =	shalt  }
0x7c: {  	_ =	shalt  }
0x7d: {  	_ =	shalt  }
0x7e: {  	_ =	shalt  }
0x7f: {  	_ =	shalt  }
0x80: {  	_ =	shalt  }
0x81: {  	_ =	shalt  }
0x82: {  	_ =	shalt  }
0x83: {  	_ =	shalt  }
0x84: {  	_ =	shalt  }
0x85: {  	_ =	shalt  }
0x86: {  	_ =	shalt  }
0x87: {  	_ =	shalt  }
.Lfunc_end0:
.L_simem_size_0:
called_computation.2_lowered:
.L_overlay_start_0:
0x88: {  	s2 =	sld [smem:$0x3FD9]  }
0x89: {  	s3 =	sld [smem:$0x3FFE];
	_ =	sdelay $0x1  }
0x8a: {  	s1 =	srdreg.scid  }
0x8b: {  	s0 =	sand.u32 $0x1, s1  }
0x8c: {  	s17 =	sshll.u32 s0, $0xA;
	s2 =	sadd.s32 s3, s2  }
0x8d: {  	s2 =	sadd.s32 s2, s17  }
0x8e: {  	[smem:$0x3FBB] =	sst s2  }
0x8f: {  	_ = 	snop  }
0x90: {  	s2 =	sld [smem:$0x3FD0];
	(tm) =	ssettm $0x1  }
0x91: {  	s18 =	sld [smem:$0x3FFB];
	_ =	sdelay $0x3  }
0x92: {  	_ =	strace s18  }
0x93: {  	s3 =	sld [smem:$0x3FFC];
	_ =	sdelay $0x3  }
0x94: {  	_ =	strace s3  }
0x95: {  	s3 =	sld [smem:$0x3FFD];
	_ =	sdelay $0x3  }
0x96: {  	_ =	strace s3  }
0x97: {  	_ =	strace $0x8FFFFFFF  }
0x98: {  	s19 =	sld [smem:$0x3FDB];
	_ =	sdelay $0x1  }
0x99: {  	s4 =	simm.s32 $_scs_section_size  }
0x9a: {  	s5 =	simm.s32 $_size__tile_overlayer_lowered;
	s6 =	simm.s32 $_tile_overlayer_lowered  }
0x9b: {  	s22 =	simm.s32 $0x1BFF;
	s21 =	sshll.u32 s6, $0x1;
	s3 =	sadd.s32 s4, s19  }
0x9c: {  	s7 =	simm.s32 $0x0;
	s20 =	sshll.u32 s5, $0x1;
	s5 =	sadd.s32 s21, s3  }
0x9d: {  	[timem:s7], [sflag:s22] =	dma.local [hbm:s5], s20  }
0x9e: {  	_ =	swait.ge [sflag:s22], s20  }
0x9f: {  	s4 =	ssub.s32 $0x0, s20;
	[sflag:s22] =	ssyncset.done $0x0  }
0xa0: {  	[sflag:s22] =	ssyncadd.s32 s4;
	_ =	sdelay $0x1  }
0xa1: {  	s23 =	simm.s32 $0x1B8B  }
0xa2: {  	_ =	swait.ge [sflag:s23], $0x1  }
0xa3: {  	[sflag:s23] =	ssyncset.done $0x0  }
0xa4: {  	s25 =	simm.s32 $0x1B8E;
	s24 =	sld [smem:$0x3FFE];
	[sflag:s23] =	ssyncadd.s32 $0xFFFFFFFF  }
0xa5: {  	s26 =	simm.s32 $execute0_lowered;
	[smem:$0x3FD2] =	sst s25  }
0xa6: {  	s5 =	sshll.u32 s26, $0x1;
	_ =	strace $0x8000004C;
	[dreg:$0x1] =	wrdreg $0xFFFFFFFF  }
0xa7: {  	s28 =	simm.s32 $_size_execute0_lowered;
	s3 =	sadd.s32 s3, s5;
	[dreg:$0x0] =	wrdreg $0x0  }
0xa8: {  	s5 =	sshll.u32 s28, $0x1;
	[dreg:$0x2] =	wrdreg s3  }
0xa9: {  	[dreg:$0x3] =	wrdreg s5  }
0xaa: {  	[dreg:$0x4] =	wrdreg $0xC0  }
0xab: {  	_ =	task [dreg:s7], $0x5FFFF  }
0xac: {  	[dreg:$0x1] =	wrdreg $0xFFFFFFFF  }
0xad: {  	[dreg:$0x0] =	wrdreg $0x60  }
0xae: {  	[dreg:$0x2] =	wrdreg s2  }
0xaf: {  	[dreg:$0x3] =	wrdreg s24  }
0xb0: {  	[dreg:$0x4] =	wrdreg $0x0  }
0xb1: {  	[dreg:$0x5] =	wrdreg $0x9  }
0xb2: {  	_ =	task.clear_ibuf [dreg:s7], $0x6FFFF;
	_ =	strace $0x9000004C  }
0xb3: {  	s29 =	simm.s32 $0x9;
	_ =	strace $0x8000004E  }
0xb4: {  	_ =	swait.ge [sflag:s29], $0x1  }
0xb5: {  	[sflag:s29] =	ssyncadd.s32 $0xFFFFFFFF  }
0xb6: {  	_ =	strace $0x9000004E  }
0xb7: {  	_ =	sfence  }
0xb8: {  	s30 =	sld [smem:$0x0];
	_ =	sdelay $0x2  }
0xb9: {  	s31 =	sshll.u32 s1, $0xD;
	s1 =	sshrl.u32 s1, $0x2  }
0xba: {  	s3 =	sand.u32 $0x4000, s31;
	s1 =	sadd.s32 s1, s30  }
0xbb: {  	s0 =	sor.u32 s3, s0;
	s1 =	sshll.u32 s1, $0x11  }
0xbc: {  	s0 =	sor.u32 s1, s0  }
0xbd: {  	s0 =	sadd.s32 $0x8F2B, s0  }
0xbe: {  	[sflag:s0] =	ssyncadd.remote.s32 $0x1  }
0xbf: {  	_ =	sfence.sel $0xFFFF  }
0xc0: {  	[dreg:$0x0] =	wrdreg $0xFFFFFFFF;
	(pc) =	sbr.abs _section_cstart, $3  }
0xc1: {  	[dreg:$0x1] =	wrdreg $0xFFFFFFFF  }
0xc2: {  	_ =	task.clear_ibuf [dreg:s7], $0x2FFFF;
	_ =	strace $0x9FFFFFFF  }
0xc3: {  	(tm) =	ssettm $0x7FFFFFFF  }
tec
execute0_lowered:
.L_overlay_start_1:
0x0: {  	(tag) =	ssettag $0x1  }
0x1: {  	s1 =	rddreg [dreg:$0x0]  }
0x2: {  	s6 =	rddreg [dreg:$0x1]  }
0x3: {  	s0 =	srdreg.scid;
	s3 =	rddreg [dreg:$0x2]  }
0x4: {  	s2 =	rddreg [dreg:$0x3];
	s9 =	sand.u32 $0x1, s0  }
0x5: {  	s4 =	simm.s32 $0x0;
	s0 =	stileid.u32;
	s5 =	smul.u32 $0x30000, s9  }
0x6: {  	s15 =	simm.s32 $0x19C00;
	s16 =	simm.s32 $0x1;
	s7 =	smul.u32 $0x3000, s0  }
0x7: {  	s17 =	simm.s32 $0x0;
	[smem:$0x7FF] =	sst s4;
	s8 =	smul.u32 $0x13C000, s9  }
0x8: {  	s25 =	smul.u32 $0x13C00, s0;
	_ =	strace $0x8000004D;
	s28 =	ssub.s32 $0x2, s9  }
0x9: {  	s11 =	smul.u32 $0x4F000, s0;
	p0 =	seq.s32 s9, $0x0;
	s9 =	simm.s32 $0x5E  }
0xa: {  	s31 =	sshll.u32 s0, $0x6;
	s29 =	sshrl.u32 s28, $0x1;
	s9 =	simm.s32 @!p0 $0x3F  }
0xb: {  	s5 =	sadd.s32 s7, s5;
	s26 =	sadd.s32 s25, s8;
	s13 =	ssub.s32 s28, s29  }
0xc: {  	s30 =	sshrl.u32 s11, $0x2;
	s5 =	sshrl.u32 s5, $0x3;
	s7 =	sshrl.u32 s26, $0x3  }
0xd: {  	s14 =	sadd.s32 s30, s3;
	s11 =	smax.u32 s13, $0x1;
	s13 =	simm.s32 $0x2  }
0xe: {  	s10 =	sadd.s32 s5, s6;
	s5 =	sadd.s32 $0x1C200, s6;
	s12 =	sadd.s32 s7, s6  }
0xf: {  	s6 =	sor.u32 $0x1C02, s31;
	s7 =	sadd.s32 $0x4000, s10;
	s8 =	sadd.s32 $0x10000, s10  }
0x10: {  	s10 =	sadd.s32 $0x1EA00, s12;
	s12 =	sshrl.u32 s14, $0x3;
	s14 =	simm.s32 $0x80  }
.LBB2_1:
0x11: {  	[spmem:s12], [sflag:s6] =	dma.local [hbm:s5], $0x2780  }
0x12: {  	_ =	swait.ge [sflag:s13], $0x2780  }
0x13: {  	[sflag:s13] =	ssyncset.done $0x0  }
0x14: {  	s18 =	simm.s32 $0x13C00;
	[sflag:s13] =	ssyncadd.s32 $0xFFFFD880  }
0x15: {  	[tilespmem:s18], [sflag:$0x2] =	stream.linear.gather [hbm4b:s7+s4], $0x2F00, $0x38;
	[tilespmem:$0x1DC00] =	vst v63  }
0x16: {  	_ =	swait.ge [sflag:s13], $0x2F00  }
0x17: {  	[sflag:s13] =	ssyncset.done $0x0  }
0x18: {  	s19 =	simm.s32 $0x16C00;
	[sflag:s13] =	ssyncadd.s32 $0xFFFFD100  }
0x19: {  	[tilespmem:s19], [sflag:$0x2] =	stream.linear.gather [hbm4b:s8+s4], $0x2F00, $0x38;
	[tilespmem:$0x1DC00] =	vst v63  }
0x1a: {  	_ =	swait.ge [sflag:s13], $0x2F00  }
0x1b: {  	[sflag:s13] =	ssyncset.done $0x0  }
0x1c: {  	[sflag:s13] =	ssyncadd.s32 $0xFFFFD100  }
0x1d: {  	[bflag:$0x0] =	sbarrier.arrive $0xFFFF  }
0x1e: {  	[tilespmem:s15], [sflag:$0x1] =	stream.indirect.gather [hbm4b:s1+s14], $0x80, s18, s14, $0xb8;
	[tilespmem:$0x1DC00] =	vst v63  }
0x1f: {  	p0 =	sne.s32 s9, $0x1;
	_ =	swait.ge [sflag:s16], $0x4000  }
.Ltmp0:
0x20: {  	[sflag:s16] =	ssyncset.done $0x0;
	(pc) =	sbr.rel @!p0 .LBB2_3-.Ltmp0, $4  }
0x21: {  	[sflag:s16] =	ssyncadd.s32 $0xFFFFC000  }
0x22: {  	[spmem:s3] =	stream.indirect.scatter.add.f32 [tilespmem:s15], [sflag:$0x2], $0x80, s19, s14, $0xb8;
	[tilespmem:$0x1DC00] =	vst v63  }
0x23: {  	_ =	swait.ge [sflag:s13], $0x4000  }
0x24: {  	s20 =	sadd.s32 $0xFFFFFFFF, s9;
	[sflag:s13] =	ssyncset.done $0x0  }
.LBB2_2:
0x25: {  	[sflag:s13] =	ssyncadd.s32 $0xFFFFC000;
	s18 =	sadd.s32 $0x80, s18;
	s19 =	sadd.s32 $0x80, s19  }
0x26: {  	[tilespmem:s15], [sflag:$0x1] =	stream.indirect.gather [hbm4b:s1+s14], $0x80, s18, s14, $0xb8;
	[tilespmem:$0x1DC00] =	vst v63  }
0x27: {  	p0 =	sne.s32 s20, $0x1;
	s20 =	sadd.s32 $0xFFFFFFFF, s20;
	_ =	swait.ge [sflag:s16], $0x4000  }
.Ltmp1:
0x28: {  	[sflag:s16] =	ssyncset.done $0x0;
	(pc) =	sbr.rel @p0 .LBB2_2-.Ltmp1, $4  }
0x29: {  	[sflag:s16] =	ssyncadd.s32 $0xFFFFC000  }
0x2a: {  	[spmem:s3] =	stream.indirect.scatter.add.f32 [tilespmem:s15], [sflag:$0x2], $0x80, s19, s14, $0xb8;
	[tilespmem:$0x1DC00] =	vst v63  }
0x2b: {  	_ =	swait.ge [sflag:s13], $0x4000  }
0x2c: {  	[sflag:s13] =	ssyncset.done $0x0  }
.LBB2_3:
0x2d: {  	s17 =	sadd.s32 $0x1, s17  }
0x2e: {  	[sflag:s13] =	ssyncadd.s32 $0xFFFFC000;
	p0 =	sne.s32 s17, s11  }
.Ltmp2:
0x2f: {  	[bflag:$0x0] =	sbarrier.arrive $0xFFFF;
	(pc) =	sbr.rel @p0 .LBB2_1-.Ltmp2, $4  }
0x30: {  	[hbm:s10], [sflag:s6] =	dma.local [spmem:s12], $0x2780  }
0x31: {  	_ =	swait.ge [sflag:s13], $0x2780  }
0x32: {  	[sflag:s13] =	ssyncset.done $0x0  }
0x33: {  	[sflag:s13] =	ssyncadd.s32 $0xFFFFD880  }
0x34: {  	_ =	sfence.sel $0x180000  }
0x35: {  	[bflag:$0x0] =	sbarrier.arrive $0xFFFF  }
0x36: {  	p0 =	sne.s32 s0, $0x0;
	_ =	strace $0x9000004D  }
0x37: {  	s0 =	sadd.s32 @!p0 $0x100000, s2;
	[bflag:$0x2] =	sbarrier.arrive $0xFFFF  }
0x38: {  	[sflag:s0] =	ssyncadd.tile.s32 @!p0 $0x1;
	_ =	shalt  }
.Lfunc_end2:
_tile_overlayer_lowered:
.L_overlay_start_2:
0x39: {  	(tag) =	ssettag $0x2  }
0x3a: {  	s0 =	rddreg [dreg:$0x0];
	s2 =	stileid.u32  }
0x3b: {  	s1 =	rddreg [dreg:$0x1];
	p0 =	sne.s32 s2, $0x0  }
0x3c: {  	s3 =	rddreg [dreg:$0x2];
	[bflag:$0x3] =	sbarrier.arrive $0xFFFF;
	s2 =	simm.s32 @!p0 $0x1C02  }
0x3d: {  	[timem:s3], [sflag:s2] =	dma.local @!p0 [hbm:s0], s1  }
0x3e: {  	s0 =	simm.s32 @!p0 $0x2  }
0x3f: {  	_ =	swait.ge @!p0 [sflag:s0], s1  }
0x40: {  	s1 =	ssub.s32 @!p0 $0x0, s1;
	[sflag:s0] =	ssyncset.done @!p0 $0x0  }
0x41: {  	[sflag:s0] =	ssyncadd.s32 @!p0 s1  }
0x42: {  	[bflag:$0x3] =	sbarrier.arrive $0xFFFF  }
0x43: {  	_ =	shalt  }

// kernel: kernel.18.cloned.1.call-start
scs
__scs_entry_jumppad:
0x0: {  	(pc) =	sbr.rel $0x88, $3  }
0x1: {  	(tag) =	ssettag $0x0;
	lr =	simm.s32 $0x1  }
0x2: {  	[smem:$0x3F94] =	sst lr;
	_ =	strace $0xD0000000  }
0x3: {  	_ = 	snop  }
0x4: {  	_ = 	snop  }
0x5: {  	_ = 	snop  }
0x6: {  	_ = 	snop  }
0x7: {  	_ = 	snop  }
__scs_overlays_trampoline_lowered:
0x8: {  	[smem:$0x3FA3] =	sst s0  }
0x9: {  	[smem:$0x3FA4] =	sst s1  }
0xa: {  	[smem:$0x3FA5] =	sst s2  }
0xb: {  	[smem:$0x3FA6] =	sst s3  }
0xc: {  	[smem:$0x3FA7] =	sst s4  }
0xd: {  	[smem:$0x3FA8] =	sst s5  }
0xe: {  	[smem:$0x3FA9] =	sst s6  }
0xf: {  	[smem:$0x3FAA] =	sst s7  }
0x10: {  	[smem:$0x3FAB] =	sst s8  }
0x11: {  	[smem:$0x3FAC] =	sst s9;
	s0 =	simm.s32 @!p0 $0x0  }
0x12: {  	s1 =	sld [smem:$0x3F92];
	s0 =	simm.s32 @p0 $0x1  }
0x13: {  	[smem:$0x3FAD] =	sst s0;
	s0 =	simm.s32 @!p1 $0x0  }
0x14: {  	s2 =	sld [smem:$0x3F91];
	s0 =	simm.s32 @p1 $0x1  }
0x15: {  	[smem:$0x3FAE] =	sst s0;
	s0 =	simm.s32 @!p2 $0x0  }
0x16: {  	s3 =	sld [smem:$0x3FDB];
	s0 =	simm.s32 @p2 $0x1  }
0x17: {  	s4 =	simm.s32 $0x1BF5;
	[smem:$0x3FB0] =	sst s0  }
0x18: {  	s0 =	sld [smem:$0x3F93];
	_ =	swait.ge [sflag:s4], $0x0  }
0x19: {  	s7 =	sld [smem:$0x3F94]  }
0x1a: {  	s8 =	sadd.s32 $0xFFFFE003, lr  }
0x1b: {  	s9 =	sadd.s32 $0xFFFFFEF7, lr;
	s5 =	simm.s32 $0xFFFFFFFF;
	p2 =	slt.u32 s8, $0xFFFFF086  }
0x1c: {  	p1 =	slt.u32 s9, $0xF7A;
	s5 =	simm.s32 @!p2 $0x0  }
0x1d: {  	s5 =	simm.s32 @p1 $0x1;
	p0 =	seq.s32 s7, s2  }
0x1e: {  	s7 =	smul.u32 @!p0 $0xF7A, s2;
	p2 =	seq.s32 @!p0 s5, $0x0  }
0x1f: {  	s9 =	smul.u32 $0xF7A, s1;
	s8 =	simm.s32 @!p0 $0x1BF5;
	p2 =	por !p2, p0  }
0x20: {  	[sflag:s8] =	ssyncset.s32 @!p0 $0xFFFFF086;
	s6 =	sadd.s32 @!p0 s3, s7;
	s7 =	simm.s32 @!p0 $0x108  }
0x21: {  	s3 =	sadd.s32 s3, s9;
	s6 =	sadd.s32 @!p0 $0x88, s6;
	s7 =	simm.s32 @p2 $0x1082  }
0x22: {  	[simem:s7], [sflag:s8] =	dma.local @!p0 [hbm:s6], $0xF7A  }
0x23: {  	s9 =	sor.u32 $0xD0000000, s2;
	s6 =	simm.s32 $0x108;
	_ =	swait.ge @!p0 [sflag:s8], $0x0  }
0x24: {  	s3 =	sadd.s32 $0x88, s3;
	s6 =	simm.s32 @!p1 $0x1082;
	[sflag:s4] =	ssyncset.s32 $0xFFFFF086  }
0x25: {  	[simem:s6], [sflag:s4] =	dma.local [hbm:s3], $0xF7A  }
0x26: {  	[smem:$0x3F94] =	sst s1;
	(tag) =	ssettag s2;
	_ =	strace s9  }
0x27: {  	s1 =	sld [smem:$0x3FA4]  }
0x28: {  	s2 =	sld [smem:$0x3FA5]  }
0x29: {  	s4 =	sld [smem:$0x3FA7]  }
0x2a: {  	p0 =	seq.s32 s5, $0x0;
	s5 =	sld [smem:$0x3FA8]  }
0x2b: {  	s6 =	sld [smem:$0x3FA9]  }
0x2c: {  	s7 =	sld [smem:$0x3FAA]  }
0x2d: {  	s3 =	simm.s32 $0x108;
	s8 =	sld [smem:$0x3FAB]  }
0x2e: {  	s3 =	simm.s32 @!p0 $0x1082;
	s9 =	sld [smem:$0x3FAC]  }
0x2f: {  	lr =	sadd.s32 s0, s3;
	s0 =	sld [smem:$0x3FA3]  }
0x30: {  	s3 =	sld [smem:$0x3FA6]  }
0x31: {  	[smem:$0x3FAF] =	sst s10  }
0x32: {  	s10 =	sld [smem:$0x3FAD];
	_ =	sdelay $0x3  }
0x33: {  	p0 =	seq.s32 s10, $0x1;
	s10 =	sld [smem:$0x3FAF];
	_ =	sdelay $0x3  }
0x34: {  	[smem:$0x3FAF] =	sst s10  }
0x35: {  	s10 =	sld [smem:$0x3FAE];
	_ =	sdelay $0x3  }
0x36: {  	p1 =	seq.s32 s10, $0x1;
	s10 =	sld [smem:$0x3FAF];
	_ =	sdelay $0x3  }
0x37: {  	[smem:$0x3FAF] =	sst s10  }
0x38: {  	s10 =	sld [smem:$0x3FB0]  }
0x39: {  	_ = 	snop;
	(pc) =	sbr.ind lr, $3  }
0x3a: {  	_ = 	snop  }
0x3b: {  	_ = 	snop  }
0x3c: {  	p2 =	seq.s32 s10, $0x1;
	s10 =	sld [smem:$0x3FAF]  }
0x3d: {  	_ =	shalt  }
0x3e: {  	_ =	shalt  }
0x3f: {  	_ =	shalt  }
0x40: {  	_ =	shalt  }
0x41: {  	_ =	shalt  }
0x42: {  	_ =	shalt  }
0x43: {  	_ =	shalt  }
0x44: {  	_ =	shalt  }
0x45: {  	_ =	shalt  }
0x46: {  	_ =	shalt  }
0x47: {  	_ =	shalt  }
0x48: {  	_ =	shalt  }
0x49: {  	_ =	shalt  }
0x4a: {  	_ =	shalt  }
0x4b: {  	_ =	shalt  }
0x4c: {  	_ =	shalt  }
0x4d: {  	_ =	shalt  }
0x4e: {  	_ =	shalt  }
0x4f: {  	_ =	shalt  }
0x50: {  	_ =	shalt  }
0x51: {  	_ =	shalt  }
0x52: {  	_ =	shalt  }
0x53: {  	_ =	shalt  }
0x54: {  	_ =	shalt  }
0x55: {  	_ =	shalt  }
0x56: {  	_ =	shalt  }
0x57: {  	_ =	shalt  }
0x58: {  	_ =	shalt  }
0x59: {  	_ =	shalt  }
0x5a: {  	_ =	shalt  }
0x5b: {  	_ =	shalt  }
0x5c: {  	_ =	shalt  }
0x5d: {  	_ =	shalt  }
0x5e: {  	_ =	shalt  }
0x5f: {  	_ =	shalt  }
0x60: {  	_ =	shalt  }
0x61: {  	_ =	shalt  }
0x62: {  	_ =	shalt  }
0x63: {  	_ =	shalt  }
0x64: {  	_ =	shalt  }
0x65: {  	_ =	shalt  }
0x66: {  	_ =	shalt  }
0x67: {  	_ =	shalt  }
0x68: {  	_ =	shalt  }
0x69: {  	_ =	shalt  }
0x6a: {  	_ =	shalt  }
0x6b: {  	_ =	shalt  }
0x6c: {  	_ =	shalt  }
0x6d: {  	_ =	shalt  }
0x6e: {  	_ =	shalt  }
0x6f: {  	_ =	shalt  }
0x70: {  	_ =	shalt  }
0x71: {  	_ =	shalt  }
0x72: {  	_ =	shalt  }
0x73: {  	_ =	shalt  }
0x74: {  	_ =	shalt  }
0x75: {  	_ =	shalt  }
0x76: {  	_ =	shalt  }
0x77: {  	_ =	shalt  }
0x78: {  	_ =	shalt  }
0x79: {  	_ =	shalt  }
0x7a: {  	_ =	shalt  }
0x7b: {  	_ =	shalt  }
0x7c: {  	_ =	shalt  }
0x7d: {  	_ =	shalt  }
0x7e: {  	_ =	shalt  }
0x7f: {  	_ =	shalt  }
0x80: {  	_ =	shalt  }
0x81: {  	_ =	shalt  }
0x82: {  	_ =	shalt  }
0x83: {  	_ =	shalt  }
0x84: {  	_ =	shalt  }
0x85: {  	_ =	shalt  }
0x86: {  	_ =	shalt  }
0x87: {  	_ =	shalt  }
.Lfunc_end0:
.L_simem_size_0:
called_computation.3_lowered:
.L_overlay_start_0:
0x88: {  	s2 =	sld [smem:$0x3FD9]  }
0x89: {  	s3 =	sld [smem:$0x3FFE];
	_ =	sdelay $0x1  }
0x8a: {  	s1 =	srdreg.scid  }
0x8b: {  	s0 =	sand.u32 $0x1, s1  }
0x8c: {  	s17 =	sshll.u32 s0, $0xA;
	s2 =	sadd.s32 s3, s2  }
0x8d: {  	s2 =	sadd.s32 s2, s17  }
0x8e: {  	[smem:$0x3FBB] =	sst s2  }
0x8f: {  	_ = 	snop  }
0x90: {  	s2 =	sld [smem:$0x3FD0];
	(tm) =	ssettm $0x1  }
0x91: {  	s18 =	sld [smem:$0x3FFB];
	_ =	sdelay $0x3  }
0x92: {  	_ =	strace s18  }
0x93: {  	s3 =	sld [smem:$0x3FFC];
	_ =	sdelay $0x3  }
0x94: {  	_ =	strace s3  }
0x95: {  	s3 =	sld [smem:$0x3FFD];
	_ =	sdelay $0x3  }
0x96: {  	_ =	strace s3  }
0x97: {  	_ =	strace $0x8FFFFFFF  }
0x98: {  	s19 =	sld [smem:$0x3FDB];
	_ =	sdelay $0x1  }
0x99: {  	s4 =	simm.s32 $_scs_section_size  }
0x9a: {  	s5 =	simm.s32 $_size__tile_overlayer_lowered;
	s6 =	simm.s32 $_tile_overlayer_lowered  }
0x9b: {  	s22 =	simm.s32 $0x1BFF;
	s21 =	sshll.u32 s6, $0x1;
	s3 =	sadd.s32 s4, s19  }
0x9c: {  	s7 =	simm.s32 $0x0;
	s20 =	sshll.u32 s5, $0x1;
	s5 =	sadd.s32 s21, s3  }
0x9d: {  	[timem:s7], [sflag:s22] =	dma.local [hbm:s5], s20  }
0x9e: {  	_ =	swait.ge [sflag:s22], s20  }
0x9f: {  	s4 =	ssub.s32 $0x0, s20;
	[sflag:s22] =	ssyncset.done $0x0  }
0xa0: {  	[sflag:s22] =	ssyncadd.s32 s4;
	_ =	sdelay $0x1  }
0xa1: {  	s23 =	simm.s32 $0x1B8B  }
0xa2: {  	_ =	swait.ge [sflag:s23], $0x1  }
0xa3: {  	[sflag:s23] =	ssyncset.done $0x0  }
0xa4: {  	s25 =	simm.s32 $0x1B8E;
	s24 =	sld [smem:$0x3FFE];
	[sflag:s23] =	ssyncadd.s32 $0xFFFFFFFF  }
0xa5: {  	s26 =	simm.s32 $execute0_lowered;
	[smem:$0x3FD2] =	sst s25  }
0xa6: {  	s5 =	sshll.u32 s26, $0x1;
	_ =	strace $0x8000004F;
	[dreg:$0x1] =	wrdreg $0xFFFFFFFF  }
0xa7: {  	s28 =	simm.s32 $_size_execute0_lowered;
	s3 =	sadd.s32 s3, s5;
	[dreg:$0x0] =	wrdreg $0x0  }
0xa8: {  	s5 =	sshll.u32 s28, $0x1;
	[dreg:$0x2] =	wrdreg s3  }
0xa9: {  	[dreg:$0x3] =	wrdreg s5  }
0xaa: {  	[dreg:$0x4] =	wrdreg $0xC0  }
0xab: {  	_ =	task [dreg:s7], $0x5FFFF  }
0xac: {  	[dreg:$0x1] =	wrdreg $0xFFFFFFFF  }
0xad: {  	[dreg:$0x0] =	wrdreg $0x60  }
0xae: {  	[dreg:$0x2] =	wrdreg s2  }
0xaf: {  	[dreg:$0x3] =	wrdreg s24  }
0xb0: {  	[dreg:$0x4] =	wrdreg $0x0  }
0xb1: {  	[dreg:$0x5] =	wrdreg $0x9  }
0xb2: {  	_ =	task.clear_ibuf [dreg:s7], $0x6FFFF;
	_ =	strace $0x9000004F  }
0xb3: {  	s29 =	simm.s32 $0x9;
	_ =	strace $0x80000051  }
0xb4: {  	_ =	swait.ge [sflag:s29], $0x1  }
0xb5: {  	[sflag:s29] =	ssyncadd.s32 $0xFFFFFFFF  }
0xb6: {  	_ =	strace $0x90000051  }
0xb7: {  	_ =	sfence  }
0xb8: {  	s30 =	sld [smem:$0x0];
	_ =	sdelay $0x2  }
0xb9: {  	s31 =	sshll.u32 s1, $0xD;
	s1 =	sshrl.u32 s1, $0x2  }
0xba: {  	s3 =	sand.u32 $0x4000, s31;
	s1 =	sadd.s32 s1, s30  }
0xbb: {  	s0 =	sor.u32 s3, s0;
	s1 =	sshll.u32 s1, $0x11  }
0xbc: {  	s0 =	sor.u32 s1, s0  }
0xbd: {  	s0 =	sadd.s32 $0x8F2B, s0  }
0xbe: {  	[sflag:s0] =	ssyncadd.remote.s32 $0x1  }
0xbf: {  	_ =	sfence.sel $0xFFFF  }
0xc0: {  	[dreg:$0x0] =	wrdreg $0xFFFFFFFF;
	(pc) =	sbr.abs _section_cstart, $3  }
0xc1: {  	[dreg:$0x1] =	wrdreg $0xFFFFFFFF  }
0xc2: {  	_ =	task.clear_ibuf [dreg:s7], $0x2FFFF;
	_ =	strace $0x9FFFFFFF  }
0xc3: {  	(tm) =	ssettm $0x7FFFFFFF  }
tec
execute0_lowered:
.L_overlay_start_1:
0x0: {  	(tag) =	ssettag $0x1  }
0x1: {  	s1 =	rddreg [dreg:$0x0]  }
0x2: {  	s6 =	rddreg [dreg:$0x1]  }
0x3: {  	s0 =	srdreg.scid;
	s3 =	rddreg [dreg:$0x2]  }
0x4: {  	s2 =	rddreg [dreg:$0x3];
	s9 =	sand.u32 $0x1, s0  }
0x5: {  	s4 =	simm.s32 $0x0;
	s0 =	stileid.u32;
	s5 =	smul.u32 $0x30000, s9  }
0x6: {  	s15 =	simm.s32 $0x19C00;
	s16 =	simm.s32 $0x1;
	s7 =	smul.u32 $0x3000, s0  }
0x7: {  	s17 =	simm.s32 $0x0;
	[smem:$0x7FF] =	sst s4;
	s8 =	smul.u32 $0x13C000, s9  }
0x8: {  	s25 =	smul.u32 $0x13C00, s0;
	_ =	strace $0x80000050;
	s28 =	ssub.s32 $0x2, s9  }
0x9: {  	s11 =	smul.u32 $0x4F000, s0;
	p0 =	seq.s32 s9, $0x0;
	s9 =	simm.s32 $0x5E  }
0xa: {  	s31 =	sshll.u32 s0, $0x6;
	s29 =	sshrl.u32 s28, $0x1;
	s9 =	simm.s32 @!p0 $0x3F  }
0xb: {  	s5 =	sadd.s32 s7, s5;
	s26 =	sadd.s32 s25, s8;
	s13 =	ssub.s32 s28, s29  }
0xc: {  	s30 =	sshrl.u32 s11, $0x2;
	s5 =	sshrl.u32 s5, $0x3;
	s7 =	sshrl.u32 s26, $0x3  }
0xd: {  	s14 =	sadd.s32 s30, s3;
	s11 =	smax.u32 s13, $0x1;
	s13 =	simm.s32 $0x2  }
0xe: {  	s10 =	sadd.s32 s5, s6;
	s5 =	sadd.s32 $0x1C200, s6;
	s12 =	sadd.s32 s7, s6  }
0xf: {  	s6 =	sor.u32 $0x1C02, s31;
	s7 =	sadd.s32 $0x4000, s10;
	s8 =	sadd.s32 $0x10000, s10  }
0x10: {  	s10 =	sadd.s32 $0x1EA00, s12;
	s12 =	sshrl.u32 s14, $0x3;
	s14 =	simm.s32 $0x80  }
.LBB2_1:
0x11: {  	[spmem:s12], [sflag:s6] =	dma.local [hbm:s5], $0x2780  }
0x12: {  	_ =	swait.ge [sflag:s13], $0x2780  }
0x13: {  	[sflag:s13] =	ssyncset.done $0x0  }
0x14: {  	s18 =	simm.s32 $0x13C00;
	[sflag:s13] =	ssyncadd.s32 $0xFFFFD880  }
0x15: {  	[tilespmem:s18], [sflag:$0x2] =	stream.linear.gather [hbm4b:s7+s4], $0x2F00, $0x38;
	[tilespmem:$0x1DC00] =	vst v63  }
0x16: {  	_ =	swait.ge [sflag:s13], $0x2F00  }
0x17: {  	[sflag:s13] =	ssyncset.done $0x0  }
0x18: {  	s19 =	simm.s32 $0x16C00;
	[sflag:s13] =	ssyncadd.s32 $0xFFFFD100  }
0x19: {  	[tilespmem:s19], [sflag:$0x2] =	stream.linear.gather [hbm4b:s8+s4], $0x2F00, $0x38;
	[tilespmem:$0x1DC00] =	vst v63  }
0x1a: {  	_ =	swait.ge [sflag:s13], $0x2F00  }
0x1b: {  	[sflag:s13] =	ssyncset.done $0x0  }
0x1c: {  	[sflag:s13] =	ssyncadd.s32 $0xFFFFD100  }
0x1d: {  	[bflag:$0x0] =	sbarrier.arrive $0xFFFF  }
0x1e: {  	[tilespmem:s15], [sflag:$0x1] =	stream.indirect.gather [hbm4b:s1+s14], $0x80, s18, s14, $0xb8;
	[tilespmem:$0x1DC00] =	vst v63  }
0x1f: {  	p0 =	sne.s32 s9, $0x1;
	_ =	swait.ge [sflag:s16], $0x4000  }
.Ltmp0:
0x20: {  	[sflag:s16] =	ssyncset.done $0x0;
	(pc) =	sbr.rel @!p0 .LBB2_3-.Ltmp0, $4  }
0x21: {  	[sflag:s16] =	ssyncadd.s32 $0xFFFFC000  }
0x22: {  	[spmem:s3] =	stream.indirect.scatter.add.f32 [tilespmem:s15], [sflag:$0x2], $0x80, s19, s14, $0xb8;
	[tilespmem:$0x1DC00] =	vst v63  }
0x23: {  	_ =	swait.ge [sflag:s13], $0x4000  }
0x24: {  	s20 =	sadd.s32 $0xFFFFFFFF, s9;
	[sflag:s13] =	ssyncset.done $0x0  }
.LBB2_2:
0x25: {  	[sflag:s13] =	ssyncadd.s32 $0xFFFFC000;
	s18 =	sadd.s32 $0x80, s18;
	s19 =	sadd.s32 $0x80, s19  }
0x26: {  	[tilespmem:s15], [sflag:$0x1] =	stream.indirect.gather [hbm4b:s1+s14], $0x80, s18, s14, $0xb8;
	[tilespmem:$0x1DC00] =	vst v63  }
0x27: {  	p0 =	sne.s32 s20, $0x1;
	s20 =	sadd.s32 $0xFFFFFFFF, s20;
	_ =	swait.ge [sflag:s16], $0x4000  }
.Ltmp1:
0x28: {  	[sflag:s16] =	ssyncset.done $0x0;
	(pc) =	sbr.rel @p0 .LBB2_2-.Ltmp1, $4  }
0x29: {  	[sflag:s16] =	ssyncadd.s32 $0xFFFFC000  }
0x2a: {  	[spmem:s3] =	stream.indirect.scatter.add.f32 [tilespmem:s15], [sflag:$0x2], $0x80, s19, s14, $0xb8;
	[tilespmem:$0x1DC00] =	vst v63  }
0x2b: {  	_ =	swait.ge [sflag:s13], $0x4000  }
0x2c: {  	[sflag:s13] =	ssyncset.done $0x0  }
.LBB2_3:
0x2d: {  	s17 =	sadd.s32 $0x1, s17  }
0x2e: {  	[sflag:s13] =	ssyncadd.s32 $0xFFFFC000;
	p0 =	sne.s32 s17, s11  }
.Ltmp2:
0x2f: {  	[bflag:$0x0] =	sbarrier.arrive $0xFFFF;
	(pc) =	sbr.rel @p0 .LBB2_1-.Ltmp2, $4  }
0x30: {  	[hbm:s10], [sflag:s6] =	dma.local [spmem:s12], $0x2780  }
0x31: {  	_ =	swait.ge [sflag:s13], $0x2780  }
0x32: {  	[sflag:s13] =	ssyncset.done $0x0  }
0x33: {  	[sflag:s13] =	ssyncadd.s32 $0xFFFFD880  }
0x34: {  	_ =	sfence.sel $0x180000  }
0x35: {  	[bflag:$0x0] =	sbarrier.arrive $0xFFFF  }
0x36: {  	p0 =	sne.s32 s0, $0x0;
	_ =	strace $0x90000050  }
0x37: {  	s0 =	sadd.s32 @!p0 $0x100000, s2;
	[bflag:$0x2] =	sbarrier.arrive $0xFFFF  }
0x38: {  	[sflag:s0] =	ssyncadd.tile.s32 @!p0 $0x1;
	_ =	shalt  }
.Lfunc_end2:
_tile_overlayer_lowered:
.L_overlay_start_2:
0x39: {  	(tag) =	ssettag $0x2  }
0x3a: {  	s0 =	rddreg [dreg:$0x0];
	s2 =	stileid.u32  }
0x3b: {  	s1 =	rddreg [dreg:$0x1];
	p0 =	sne.s32 s2, $0x0  }
0x3c: {  	s3 =	rddreg [dreg:$0x2];
	[bflag:$0x3] =	sbarrier.arrive $0xFFFF;
	s2 =	simm.s32 @!p0 $0x1C02  }
0x3d: {  	[timem:s3], [sflag:s2] =	dma.local @!p0 [hbm:s0], s1  }
0x3e: {  	s0 =	simm.s32 @!p0 $0x2  }
0x3f: {  	_ =	swait.ge @!p0 [sflag:s0], s1  }
0x40: {  	s1 =	ssub.s32 @!p0 $0x0, s1;
	[sflag:s0] =	ssyncset.done @!p0 $0x0  }
0x41: {  	[sflag:s0] =	ssyncadd.s32 @!p0 s1  }
0x42: {  	[bflag:$0x3] =	sbarrier.arrive $0xFFFF  }
0x43: {  	_ =	shalt  }

// kernel: kernel.9.cloned.1.call-start
scs
__scs_entry_jumppad:
0x0: {  	(pc) =	sbr.rel $0x88, $3  }
0x1: {  	(tag) =	ssettag $0x0;
	lr =	simm.s32 $0x1  }
0x2: {  	[smem:$0x3F94] =	sst lr;
	_ =	strace $0xD0000000  }
0x3: {  	_ = 	snop  }
0x4: {  	_ = 	snop  }
0x5: {  	_ = 	snop  }
0x6: {  	_ = 	snop  }
0x7: {  	_ = 	snop  }
__scs_overlays_trampoline_lowered:
0x8: {  	[smem:$0x3FA3] =	sst s0  }
0x9: {  	[smem:$0x3FA4] =	sst s1  }
0xa: {  	[smem:$0x3FA5] =	sst s2  }
0xb: {  	[smem:$0x3FA6] =	sst s3  }
0xc: {  	[smem:$0x3FA7] =	sst s4  }
0xd: {  	[smem:$0x3FA8] =	sst s5  }
0xe: {  	[smem:$0x3FA9] =	sst s6  }
0xf: {  	[smem:$0x3FAA] =	sst s7  }
0x10: {  	[smem:$0x3FAB] =	sst s8  }
0x11: {  	[smem:$0x3FAC] =	sst s9;
	s0 =	simm.s32 @!p0 $0x0  }
0x12: {  	s1 =	sld [smem:$0x3F92];
	s0 =	simm.s32 @p0 $0x1  }
0x13: {  	[smem:$0x3FAD] =	sst s0;
	s0 =	simm.s32 @!p1 $0x0  }
0x14: {  	s2 =	sld [smem:$0x3F91];
	s0 =	simm.s32 @p1 $0x1  }
0x15: {  	[smem:$0x3FAE] =	sst s0;
	s0 =	simm.s32 @!p2 $0x0  }
0x16: {  	s3 =	sld [smem:$0x3FDB];
	s0 =	simm.s32 @p2 $0x1  }
0x17: {  	s4 =	simm.s32 $0x1BF5;
	[smem:$0x3FB0] =	sst s0  }
0x18: {  	s0 =	sld [smem:$0x3F93];
	_ =	swait.ge [sflag:s4], $0x0  }
0x19: {  	s7 =	sld [smem:$0x3F94]  }
0x1a: {  	s8 =	sadd.s32 $0xFFFFE003, lr  }
0x1b: {  	s9 =	sadd.s32 $0xFFFFFEF7, lr;
	s5 =	simm.s32 $0xFFFFFFFF;
	p2 =	slt.u32 s8, $0xFFFFF086  }
0x1c: {  	p1 =	slt.u32 s9, $0xF7A;
	s5 =	simm.s32 @!p2 $0x0  }
0x1d: {  	s5 =	simm.s32 @p1 $0x1;
	p0 =	seq.s32 s7, s2  }
0x1e: {  	s7 =	smul.u32 @!p0 $0xF7A, s2;
	p2 =	seq.s32 @!p0 s5, $0x0  }
0x1f: {  	s9 =	smul.u32 $0xF7A, s1;
	s8 =	simm.s32 @!p0 $0x1BF5;
	p2 =	por !p2, p0  }
0x20: {  	[sflag:s8] =	ssyncset.s32 @!p0 $0xFFFFF086;
	s6 =	sadd.s32 @!p0 s3, s7;
	s7 =	simm.s32 @!p0 $0x108  }
0x21: {  	s3 =	sadd.s32 s3, s9;
	s6 =	sadd.s32 @!p0 $0x88, s6;
	s7 =	simm.s32 @p2 $0x1082  }
0x22: {  	[simem:s7], [sflag:s8] =	dma.local @!p0 [hbm:s6], $0xF7A  }
0x23: {  	s9 =	sor.u32 $0xD0000000, s2;
	s6 =	simm.s32 $0x108;
	_ =	swait.ge @!p0 [sflag:s8], $0x0  }
0x24: {  	s3 =	sadd.s32 $0x88, s3;
	s6 =	simm.s32 @!p1 $0x1082;
	[sflag:s4] =	ssyncset.s32 $0xFFFFF086  }
0x25: {  	[simem:s6], [sflag:s4] =	dma.local [hbm:s3], $0xF7A  }
0x26: {  	[smem:$0x3F94] =	sst s1;
	(tag) =	ssettag s2;
	_ =	strace s9  }
0x27: {  	s1 =	sld [smem:$0x3FA4]  }
0x28: {  	s2 =	sld [smem:$0x3FA5]  }
0x29: {  	s4 =	sld [smem:$0x3FA7]  }
0x2a: {  	p0 =	seq.s32 s5, $0x0;
	s5 =	sld [smem:$0x3FA8]  }
0x2b: {  	s6 =	sld [smem:$0x3FA9]  }
0x2c: {  	s7 =	sld [smem:$0x3FAA]  }
0x2d: {  	s3 =	simm.s32 $0x108;
	s8 =	sld [smem:$0x3FAB]  }
0x2e: {  	s3 =	simm.s32 @!p0 $0x1082;
	s9 =	sld [smem:$0x3FAC]  }
0x2f: {  	lr =	sadd.s32 s0, s3;
	s0 =	sld [smem:$0x3FA3]  }
0x30: {  	s3 =	sld [smem:$0x3FA6]  }
0x31: {  	[smem:$0x3FAF] =	sst s10  }
0x32: {  	s10 =	sld [smem:$0x3FAD];
	_ =	sdelay $0x3  }
0x33: {  	p0 =	seq.s32 s10, $0x1;
	s10 =	sld [smem:$0x3FAF];
	_ =	sdelay $0x3  }
0x34: {  	[smem:$0x3FAF] =	sst s10  }
0x35: {  	s10 =	sld [smem:$0x3FAE];
	_ =	sdelay $0x3  }
0x36: {  	p1 =	seq.s32 s10, $0x1;
	s10 =	sld [smem:$0x3FAF];
	_ =	sdelay $0x3  }
0x37: {  	[smem:$0x3FAF] =	sst s10  }
0x38: {  	s10 =	sld [smem:$0x3FB0]  }
0x39: {  	_ = 	snop;
	(pc) =	sbr.ind lr, $3  }
0x3a: {  	_ = 	snop  }
0x3b: {  	_ = 	snop  }
0x3c: {  	p2 =	seq.s32 s10, $0x1;
	s10 =	sld [smem:$0x3FAF]  }
0x3d: {  	_ =	shalt  }
0x3e: {  	_ =	shalt  }
0x3f: {  	_ =	shalt  }
0x40: {  	_ =	shalt  }
0x41: {  	_ =	shalt  }
0x42: {  	_ =	shalt  }
0x43: {  	_ =	shalt  }
0x44: {  	_ =	shalt  }
0x45: {  	_ =	shalt  }
0x46: {  	_ =	shalt  }
0x47: {  	_ =	shalt  }
0x48: {  	_ =	shalt  }
0x49: {  	_ =	shalt  }
0x4a: {  	_ =	shalt  }
0x4b: {  	_ =	shalt  }
0x4c: {  	_ =	shalt  }
0x4d: {  	_ =	shalt  }
0x4e: {  	_ =	shalt  }
0x4f: {  	_ =	shalt  }
0x50: {  	_ =	shalt  }
0x51: {  	_ =	shalt  }
0x52: {  	_ =	shalt  }
0x53: {  	_ =	shalt  }
0x54: {  	_ =	shalt  }
0x55: {  	_ =	shalt  }
0x56: {  	_ =	shalt  }
0x57: {  	_ =	shalt  }
0x58: {  	_ =	shalt  }
0x59: {  	_ =	shalt  }
0x5a: {  	_ =	shalt  }
0x5b: {  	_ =	shalt  }
0x5c: {  	_ =	shalt  }
0x5d: {  	_ =	shalt  }
0x5e: {  	_ =	shalt  }
0x5f: {  	_ =	shalt  }
0x60: {  	_ =	shalt  }
0x61: {  	_ =	shalt  }
0x62: {  	_ =	shalt  }
0x63: {  	_ =	shalt  }
0x64: {  	_ =	shalt  }
0x65: {  	_ =	shalt  }
0x66: {  	_ =	shalt  }
0x67: {  	_ =	shalt  }
0x68: {  	_ =	shalt  }
0x69: {  	_ =	shalt  }
0x6a: {  	_ =	shalt  }
0x6b: {  	_ =	shalt  }
0x6c: {  	_ =	shalt  }
0x6d: {  	_ =	shalt  }
0x6e: {  	_ =	shalt  }
0x6f: {  	_ =	shalt  }
0x70: {  	_ =	shalt  }
0x71: {  	_ =	shalt  }
0x72: {  	_ =	shalt  }
0x73: {  	_ =	shalt  }
0x74: {  	_ =	shalt  }
0x75: {  	_ =	shalt  }
0x76: {  	_ =	shalt  }
0x77: {  	_ =	shalt  }
0x78: {  	_ =	shalt  }
0x79: {  	_ =	shalt  }
0x7a: {  	_ =	shalt  }
0x7b: {  	_ =	shalt  }
0x7c: {  	_ =	shalt  }
0x7d: {  	_ =	shalt  }
0x7e: {  	_ =	shalt  }
0x7f: {  	_ =	shalt  }
0x80: {  	_ =	shalt  }
0x81: {  	_ =	shalt  }
0x82: {  	_ =	shalt  }
0x83: {  	_ =	shalt  }
0x84: {  	_ =	shalt  }
0x85: {  	_ =	shalt  }
0x86: {  	_ =	shalt  }
0x87: {  	_ =	shalt  }
.Lfunc_end0:
.L_simem_size_0:
called_computation_lowered:
.L_overlay_start_0:
0x88: {  	s2 =	sld [smem:$0x3FD9]  }
0x89: {  	s3 =	sld [smem:$0x3FFE];
	_ =	sdelay $0x1  }
0x8a: {  	s1 =	srdreg.scid  }
0x8b: {  	s0 =	sand.u32 $0x1, s1  }
0x8c: {  	s17 =	sshll.u32 s0, $0xA;
	s2 =	sadd.s32 s3, s2  }
0x8d: {  	s2 =	sadd.s32 s2, s17  }
0x8e: {  	[smem:$0x3FBB] =	sst s2  }
0x8f: {  	_ = 	snop  }
0x90: {  	s2 =	sld [smem:$0x3FD0];
	(tm) =	ssettm $0x1  }
0x91: {  	s18 =	sld [smem:$0x3FFB];
	_ =	sdelay $0x3  }
0x92: {  	_ =	strace s18  }
0x93: {  	s3 =	sld [smem:$0x3FFC];
	_ =	sdelay $0x3  }
0x94: {  	_ =	strace s3  }
0x95: {  	s3 =	sld [smem:$0x3FFD];
	_ =	sdelay $0x3  }
0x96: {  	_ =	strace s3  }
0x97: {  	_ =	strace $0x8FFFFFFF  }
0x98: {  	s19 =	sld [smem:$0x3FDB];
	_ =	sdelay $0x1  }
0x99: {  	s4 =	simm.s32 $_scs_section_size  }
0x9a: {  	s5 =	simm.s32 $_size__tile_overlayer_lowered;
	s6 =	simm.s32 $_tile_overlayer_lowered  }
0x9b: {  	s22 =	simm.s32 $0x1BFF;
	s21 =	sshll.u32 s6, $0x1;
	s3 =	sadd.s32 s4, s19  }
0x9c: {  	s7 =	simm.s32 $0x0;
	s20 =	sshll.u32 s5, $0x1;
	s5 =	sadd.s32 s21, s3  }
0x9d: {  	[timem:s7], [sflag:s22] =	dma.local [hbm:s5], s20  }
0x9e: {  	_ =	swait.ge [sflag:s22], s20  }
0x9f: {  	s4 =	ssub.s32 $0x0, s20;
	[sflag:s22] =	ssyncset.done $0x0  }
0xa0: {  	[sflag:s22] =	ssyncadd.s32 s4;
	_ =	sdelay $0x1  }
0xa1: {  	s23 =	simm.s32 $0x1B8B  }
0xa2: {  	_ =	swait.ge [sflag:s23], $0x1  }
0xa3: {  	[sflag:s23] =	ssyncset.done $0x0  }
0xa4: {  	s25 =	simm.s32 $0x1B8E;
	s24 =	sld [smem:$0x3FFE];
	[sflag:s23] =	ssyncadd.s32 $0xFFFFFFFF  }
0xa5: {  	s26 =	simm.s32 $execute0_lowered;
	[smem:$0x3FD2] =	sst s25  }
0xa6: {  	s5 =	sshll.u32 s26, $0x1;
	_ =	strace $0x80000046;
	[dreg:$0x1] =	wrdreg $0xFFFFFFFF  }
0xa7: {  	s28 =	simm.s32 $_size_execute0_lowered;
	s3 =	sadd.s32 s3, s5;
	[dreg:$0x0] =	wrdreg $0x0  }
0xa8: {  	s5 =	sshll.u32 s28, $0x1;
	[dreg:$0x2] =	wrdreg s3  }
0xa9: {  	[dreg:$0x3] =	wrdreg s5  }
0xaa: {  	[dreg:$0x4] =	wrdreg $0xC0  }
0xab: {  	_ =	task [dreg:s7], $0x5FFFF  }
0xac: {  	[dreg:$0x1] =	wrdreg $0xFFFFFFFF  }
0xad: {  	[dreg:$0x0] =	wrdreg $0x60  }
0xae: {  	[dreg:$0x2] =	wrdreg s24  }
0xaf: {  	[dreg:$0x3] =	wrdreg s2  }
0xb0: {  	[dreg:$0x4] =	wrdreg $0x0  }
0xb1: {  	[dreg:$0x5] =	wrdreg $0x9  }
0xb2: {  	_ =	task.clear_ibuf [dreg:s7], $0x6FFFF;
	_ =	strace $0x90000046  }
0xb3: {  	s29 =	simm.s32 $0x9;
	_ =	strace $0x80000048  }
0xb4: {  	_ =	swait.ge [sflag:s29], $0x1  }
0xb5: {  	[sflag:s29] =	ssyncadd.s32 $0xFFFFFFFF  }
0xb6: {  	_ =	strace $0x90000048  }
0xb7: {  	_ =	sfence  }
0xb8: {  	s30 =	sld [smem:$0x0];
	_ =	sdelay $0x2  }
0xb9: {  	s31 =	sshll.u32 s1, $0xD;
	s1 =	sshrl.u32 s1, $0x2  }
0xba: {  	s3 =	sand.u32 $0x4000, s31;
	s1 =	sadd.s32 s1, s30  }
0xbb: {  	s0 =	sor.u32 s3, s0;
	s1 =	sshll.u32 s1, $0x11  }
0xbc: {  	s0 =	sor.u32 s1, s0  }
0xbd: {  	s0 =	sadd.s32 $0x8F2B, s0  }
0xbe: {  	[sflag:s0] =	ssyncadd.remote.s32 $0x1  }
0xbf: {  	_ =	sfence.sel $0xFFFF  }
0xc0: {  	[dreg:$0x0] =	wrdreg $0xFFFFFFFF;
	(pc) =	sbr.abs _section_cstart, $3  }
0xc1: {  	[dreg:$0x1] =	wrdreg $0xFFFFFFFF  }
0xc2: {  	_ =	task.clear_ibuf [dreg:s7], $0x2FFFF;
	_ =	strace $0x9FFFFFFF  }
0xc3: {  	(tm) =	ssettm $0x7FFFFFFF  }
tec
execute0_lowered:
.L_overlay_start_1:
0x0: {  	(tag) =	ssettag $0x1  }
0x1: {  	s4 =	rddreg [dreg:$0x0]  }
0x2: {  	s8 =	rddreg [dreg:$0x1]  }
0x3: {  	s0 =	srdreg.scid;
	s2 =	rddreg [dreg:$0x2]  }
0x4: {  	s1 =	stileid.u32;
	s3 =	simm.s32 $0x0;
	s14 =	simm.s32 $0x0  }
0x5: {  	s6 =	sand.u32 $0x1, s0;
	s0 =	rddreg [dreg:$0x3];
	s7 =	smul.u32 $0x3000, s1  }
0x6: {  	[smem:$0x7FF] =	sst s3;
	s9 =	smul.u32 $0x280, s1;
	s30 =	sshll.u32 s1, $0x6  }
0x7: {  	s5 =	smul.u32 $0x30000, s6;
	_ =	strace $0x80000047;
	s28 =	ssub.s32 $0x2, s6  }
0x8: {  	s11 =	smul.u32 $0x2800, s6;
	p0 =	seq.s32 s6, $0x0;
	s6 =	simm.s32 $0x5E  }
0x9: {  	s29 =	sshrl.u32 s28, $0x1;
	s13 =	sadd.s32 s9, s2;
	s6 =	simm.s32 @!p0 $0x3F  }
0xa: {  	s5 =	sadd.s32 s7, s5;
	s12 =	ssub.s32 s28, s29;
	s31 =	sadd.s32 s9, s11  }
0xb: {  	s11 =	simm.s32 $0x1;
	s5 =	sshrl.u32 s5, $0x3;
	s9 =	sshrl.u32 s31, $0x3  }
0xc: {  	s10 =	sadd.s32 s5, s4;
	s4 =	sadd.s32 $0x1C000, s4;
	s5 =	sor.u32 $0x1C01, s30  }
0xd: {  	s8 =	sadd.s32 s8, s9;
	s9 =	smax.u32 s12, $0x1;
	s12 =	simm.s32 $0x80  }
0xe: {  	v0 =	vimm.f32 $1.000000000e+00;
	s7 =	sadd.s32 $0x10000, s10;
	s10 =	sshrl.u32 s13, $0x3;
	s13 =	simm.s32 $0x3280  }
.LBB2_1:
0xf: {  	[spmem:s10], [sflag:s5] =	dma.local [hbm:s4], $0x50  }
0x10: {  	_ =	swait.ge [sflag:s11], $0x50  }
0x11: {  	[sflag:s11] =	ssyncset.done $0x0  }
0x12: {  	[sflag:s11] =	ssyncadd.s32 $0xFFFFFFB0  }
0x13: {  	[tilespmem:$0x3280] =	vst v0  }
0x14: {  	[tilespmem:$0x3290] =	vst v0  }
0x15: {  	[tilespmem:$0x32A0] =	vst v0  }
0x16: {  	[tilespmem:$0x32B0] =	vst v0  }
0x17: {  	[tilespmem:$0x32C0] =	vst v0  }
0x18: {  	[tilespmem:$0x32D0] =	vst v0  }
0x19: {  	[tilespmem:$0x32E0] =	vst v0  }
0x1a: {  	s15 =	simm.s32 $0x280;
	[tilespmem:$0x32F0] =	vst v0  }
0x1b: {  	[tilespmem:s15], [sflag:$0x1] =	stream.linear.gather [hbm4b:s7+s3], $0x2F00, $0x38;
	[tilespmem:$0x3300] =	vst v63  }
0x1c: {  	_ =	swait.ge [sflag:s11], $0x2F00  }
0x1d: {  	p0 =	sne.s32 s6, $0x1;
	[sflag:s11] =	ssyncset.done $0x0  }
.Ltmp0:
0x1e: {  	[sflag:s11] =	ssyncadd.s32 $0xFFFFD100;
	(pc) =	sbr.rel @!p0 .LBB2_3-.Ltmp0, $4  }
0x1f: {  	[bflag:$0x0] =	sbarrier.arrive $0xFFFF  }
0x20: {  	[spmem:s2] =	stream.indirect.scatter.add.f32 [tilespmem:s13], [sflag:$0x1], $0x1, s15, s12, $0xb8;
	[tilespmem:$0x3300] =	vst v63  }
0x21: {  	_ =	swait.ge [sflag:s11], $0x80  }
0x22: {  	s16 =	sadd.s32 $0xFFFFFFFF, s6;
	[sflag:s11] =	ssyncset.done $0x0  }
.LBB2_2:
0x23: {  	p0 =	sne.s32 s16, $0x1;
	[sflag:s11] =	ssyncadd.s32 $0xFFFFFF80;
	s15 =	sadd.s32 $0x80, s15  }
.Ltmp1:
0x24: {  	s16 =	sadd.s32 $0xFFFFFFFF, s16;
	(pc) =	sbr.rel @p0 .LBB2_2-.Ltmp1, $4  }
0x25: {  	_ = 	snop  }
0x26: {  	[spmem:s2] =	stream.indirect.scatter.add.f32 [tilespmem:s13], [sflag:$0x1], $0x1, s15, s12, $0xb8;
	[tilespmem:$0x3300] =	vst v63  }
0x27: {  	_ =	swait.ge [sflag:s11], $0x80  }
0x28: {  	[sflag:s11] =	ssyncset.done $0x0  }
.LBB2_3:
0x29: {  	s14 =	sadd.s32 $0x1, s14  }
0x2a: {  	[sflag:s11] =	ssyncadd.s32 $0xFFFFFF80;
	p0 =	sne.s32 s14, s9  }
.Ltmp2:
0x2b: {  	[bflag:$0x0] =	sbarrier.arrive $0xFFFF;
	(pc) =	sbr.rel @p0 .LBB2_1-.Ltmp2, $4  }
0x2c: {  	[hbm:s8], [sflag:s5] =	dma.local [spmem:s10], $0x50  }
0x2d: {  	_ =	swait.ge [sflag:s11], $0x50  }
0x2e: {  	[sflag:s11] =	ssyncset.done $0x0  }
0x2f: {  	[sflag:s11] =	ssyncadd.s32 $0xFFFFFFB0  }
0x30: {  	_ =	sfence.sel $0x180000  }
0x31: {  	[bflag:$0x0] =	sbarrier.arrive $0xFFFF  }
0x32: {  	p0 =	sne.s32 s1, $0x0;
	_ =	strace $0x90000047  }
0x33: {  	s0 =	sadd.s32 @!p0 $0x100000, s0;
	[bflag:$0x2] =	sbarrier.arrive $0xFFFF  }
0x34: {  	[sflag:s0] =	ssyncadd.tile.s32 @!p0 $0x1;
	_ =	shalt  }
.Lfunc_end2:
_tile_overlayer_lowered:
.L_overlay_start_2:
0x35: {  	(tag) =	ssettag $0x2  }
0x36: {  	s0 =	rddreg [dreg:$0x0];
	s2 =	stileid.u32  }
0x37: {  	s1 =	rddreg [dreg:$0x1];
	p0 =	sne.s32 s2, $0x0  }
0x38: {  	s3 =	rddreg [dreg:$0x2];
	[bflag:$0x3] =	sbarrier.arrive $0xFFFF;
	s2 =	simm.s32 @!p0 $0x1C01  }
0x39: {  	[timem:s3], [sflag:s2] =	dma.local @!p0 [hbm:s0], s1  }
0x3a: {  	s0 =	simm.s32 @!p0 $0x1  }
0x3b: {  	_ =	swait.ge @!p0 [sflag:s0], s1  }
0x3c: {  	s1 =	ssub.s32 @!p0 $0x0, s1;
	[sflag:s0] =	ssyncset.done @!p0 $0x0  }
0x3d: {  	[sflag:s0] =	ssyncadd.s32 @!p0 s1  }
0x3e: {  	[bflag:$0x3] =	sbarrier.arrive $0xFFFF  }
0x3f: {  	_ =	shalt  }

</sc_bundles>
